<compile_context>
chip_gen: v7x
topology: tpu7x:2x2x1
jax: 0.10.2.dev20260603
libtpu: 0.0.44.dev20260713+nightly
codegen_flags: <defaults>
</compile_context>

<pallas_src>
import functools
import math

import jax
import jax.numpy as jnp
from jax import lax
from jax.experimental import pallas as pl
from jax.experimental.pallas import tpu as pltpu
from jax.experimental.pallas import tpu_sc as plsc


def _make_sc_scatter(n_nodes, n_edges, feat):
    nc, ns = 2, 16
    nw = nc * ns
    chunk = 128
    n_chunks = -(-n_edges // (nw * chunk))
    n_chunks = -(-n_chunks // 4) * 4
    half = n_chunks // 2
    epw = n_chunks * chunk
    arows = (n_nodes + 16) // 16 * 16
    zrows = -(-arows // (ns * 8)) * 8
    zlast = arows - zrows * (ns - 1)
    orows = -(-n_nodes // (ns * 8)) * 8
    olast = n_nodes - orows * (ns - 1)
    assert 0 < zlast <= zrows and 0 < olast <= orows
    mesh = plsc.VectorSubcoreMesh(core_axis_name="c", subcore_axis_name="s",
                                  num_cores=nc, num_subcores=ns)

    @functools.partial(
        pl.kernel,
        mesh=mesh,
        out_type=jax.ShapeDtypeStruct((nc, n_nodes, feat), jnp.float32),
        scratch_types=[
            pltpu.VMEM((half, chunk), jnp.int32),
            pltpu.VMEM((half, chunk), jnp.int32),
            pltpu.VMEM((2, chunk, feat), jnp.float32),
            pltpu.VMEM_SHARED((arows, feat), jnp.float32),
            [pltpu.SemaphoreType.DMA] * 2,
        ],
    )
    def sc_scatter(h_hbm, src_hbm, dst_hbm, zeros_hbm, out_hbm,
                   src_v, dst_v, rows_v, agg_sh, sem_g):
        cid = lax.axis_index("c")
        sid = lax.axis_index("s")
        wid = cid * ns + sid
        zoff = pl.multiple_of(sid * zrows, 8)
        ooff = pl.multiple_of(sid * orows, 8)
        @pl.when(sid < ns - 1)
        def _():
            pltpu.sync_copy(zeros_hbm, agg_sh.at[pl.ds(zoff, zrows)])

        @pl.when(sid == ns - 1)
        def _():
            pltpu.sync_copy(zeros_hbm.at[pl.ds(0, zlast)],
                            agg_sh.at[pl.ds((ns - 1) * zrows, zlast)])

        def fire_gather(j, b):
            pltpu.async_copy(h_hbm.at[src_v.at[j]], rows_v.at[b], sem_g[b])

        def wait_gather(j, b):
            pltpu.make_async_copy(h_hbm.at[src_v.at[j]], rows_v.at[b],
                                  sem_g[b]).wait()

        barrier_done = False
        for hf in range(2):
            pltpu.sync_copy(src_hbm.at[wid, pl.ds(hf * half, half)], src_v)
            pltpu.sync_copy(dst_hbm.at[wid, pl.ds(hf * half, half)], dst_v)
            for b in range(2):
                fire_gather(b, b)
            if not barrier_done:
                plsc.subcore_barrier()
                barrier_done = True

            def body(t, carry):
                for b in range(2):
                    j = t * 2 + b
                    wait_gather(j, b)
                    pltpu.sync_copy(rows_v.at[b], agg_sh.at[dst_v.at[j]],
                                    add=True)

                    @pl.when(j + 2 < half)
                    def _():
                        fire_gather(j + 2, b)
                return carry

            lax.fori_loop(0, half // 2, body, 0, unroll=False)
        plsc.subcore_barrier()

        @pl.when(sid < ns - 1)
        def _():
            pltpu.sync_copy(agg_sh.at[pl.ds(ooff, orows)],
                            out_hbm.at[cid, pl.ds(ooff, orows)])

        @pl.when(sid == ns - 1)
        def _():
            pltpu.sync_copy(agg_sh.at[pl.ds((ns - 1) * orows, olast)],
                            out_hbm.at[cid, pl.ds((ns - 1) * orows, olast)])

    return sc_scatter, nw, epw, zrows


def _tc_encoder(x, w, b, rblk):
    n, d = x.shape
    h = w.shape[1]

    def body(x_ref, w_ref, b_ref, o_ref):
        o_ref[...] = (
            jnp.dot(x_ref[...], w_ref[...], preferred_element_type=jnp.float32, precision=lax.Precision.HIGHEST)
            + b_ref[...]
        )

    return pl.pallas_call(
        body,
        grid=(n // rblk,),
        in_specs=[
            pl.BlockSpec((rblk, d), lambda i: (i, 0)),
            pl.BlockSpec((d, h), lambda i: (0, 0)),
            pl.BlockSpec((1, h), lambda i: (0, 0)),
        ],
        out_specs=pl.BlockSpec((rblk, h), lambda i: (i, 0)),
        out_shape=jax.ShapeDtypeStruct((n, h), jnp.float32),
        compiler_params=pltpu.CompilerParams(
            dimension_semantics=("parallel",)),
    )(x, w, b)


def _tc_layer(h, agg2, epsp, w1, b1, w2, b2, rblk):
    n, d = h.shape

    def body(eps_ref, h_ref, a_ref, w1_ref, b1_ref, w2_ref, b2_ref, o_ref):
        z = h_ref[...] * eps_ref[0, 0] + a_ref[0] + a_ref[1]
        t = jnp.dot(z, w1_ref[...], preferred_element_type=jnp.float32, precision=lax.Precision.HIGHEST) + b1_ref[...]
        t = jnp.maximum(t, 0.0)
        u = jnp.dot(t, w2_ref[...], preferred_element_type=jnp.float32, precision=lax.Precision.HIGHEST) + b2_ref[...]
        o_ref[...] = jnp.maximum(u, 0.0)

    return pl.pallas_call(
        body,
        grid=(n // rblk,),
        in_specs=[
            pl.BlockSpec(memory_space=pltpu.SMEM),
            pl.BlockSpec((rblk, d), lambda i: (i, 0)),
            pl.BlockSpec((2, rblk, d), lambda i: (0, i, 0)),
            pl.BlockSpec((d, d), lambda i: (0, 0)),
            pl.BlockSpec((1, d), lambda i: (0, 0)),
            pl.BlockSpec((d, d), lambda i: (0, 0)),
            pl.BlockSpec((1, d), lambda i: (0, 0)),
        ],
        out_specs=pl.BlockSpec((rblk, d), lambda i: (i, 0)),
        out_shape=jax.ShapeDtypeStruct((n, d), jnp.float32),
        compiler_params=pltpu.CompilerParams(
            dimension_semantics=("parallel",)),
    )(epsp, h, agg2, w1, b1, w2, b2)


def _tc_pool(h, batch_col, n_graphs, w1, b1, w2, b2, rblk):
    n, d = h.shape
    o = w2.shape[1]
    nsteps = n // rblk

    def body(h_ref, b_ref, w1_ref, b1_ref, w2_ref, b2_ref, o_ref,
             summ_s, cnt_s):
        i = pl.program_id(0)

        @pl.when(i == 0)
        def _():
            summ_s[...] = jnp.zeros_like(summ_s)
            cnt_s[...] = jnp.zeros_like(cnt_s)

        onehot = (b_ref[...] == lax.broadcasted_iota(
            jnp.int32, (rblk, n_graphs), 1)).astype(jnp.float32)
        summ_s[...] += lax.dot_general(
            onehot, h_ref[...], (((0,), (0,)), ((), ())),
            preferred_element_type=jnp.float32, precision=lax.Precision.HIGHEST)
        cnt_s[...] += jnp.sum(onehot, axis=0, keepdims=True)

        @pl.when(i == nsteps - 1)
        def _():
            inv = 1.0 / jnp.maximum(cnt_s[...], 1.0)
            eye = (lax.broadcasted_iota(jnp.int32, (n_graphs, n_graphs), 0)
                   == lax.broadcasted_iota(jnp.int32, (n_graphs, n_graphs), 1))
            diagm = jnp.where(eye, inv, 0.0)
            pooled = jnp.dot(diagm, summ_s[...],
                             preferred_element_type=jnp.float32, precision=lax.Precision.HIGHEST)
            t = jnp.dot(pooled, w1_ref[...],
                        preferred_element_type=jnp.float32, precision=lax.Precision.HIGHEST) + b1_ref[...]
            t = jnp.maximum(t, 0.0)
            o_ref[...] = jnp.dot(t, w2_ref[...],
                                 preferred_element_type=jnp.float32, precision=lax.Precision.HIGHEST) + b2_ref[...]

    return pl.pallas_call(
        body,
        grid=(nsteps,),
        in_specs=[
            pl.BlockSpec((rblk, d), lambda i: (i, 0)),
            pl.BlockSpec((rblk, 1), lambda i: (i, 0)),
            pl.BlockSpec((d, d), lambda i: (0, 0)),
            pl.BlockSpec((1, d), lambda i: (0, 0)),
            pl.BlockSpec((d, o), lambda i: (0, 0)),
            pl.BlockSpec((1, o), lambda i: (0, 0)),
        ],
        out_specs=pl.BlockSpec((n_graphs, o), lambda i: (0, 0)),
        out_shape=jax.ShapeDtypeStruct((n_graphs, o), jnp.float32),
        scratch_shapes=[
            pltpu.VMEM((n_graphs, d), jnp.float32),
            pltpu.VMEM((1, n_graphs), jnp.float32),
        ],
        compiler_params=pltpu.CompilerParams(
            dimension_semantics=("arbitrary",)),
    )(h, batch_col, w1, b1, w2, b2)


_BN_SCALE = 1.0 / math.sqrt(1.0 + 1e-5)


def _fold_mlp(p, post_g=None, post_b=None):
    s1 = p["g"] * _BN_SCALE
    w1 = p["w1"] * s1[None, :]
    b1 = p["b1"] * s1 + p["bb"]
    if post_g is not None:
        s2 = post_g * _BN_SCALE
        w2 = p["w2"] * s2[None, :]
        b2 = p["b2"] * s2 + post_b
    else:
        w2, b2 = p["w2"], p["b2"]
    return w1, b1[None, :], w2, b2[None, :]


def kernel(x, edge_index, batch, params):
    n, d = x.shape
    e = edge_index.shape[1]
    n_graphs = 128
    n_layers = 3
    rblk = 1000

    sc_scatter, nw, epw, zrows = _make_sc_scatter(n, e, d)
    pad = nw * epw - e
    src = edge_index[0].astype(jnp.int32)
    dst = edge_index[1].astype(jnp.int32)
    nch = epw // 128
    src_p = jnp.concatenate([src, jnp.zeros((pad,), jnp.int32)]).reshape(
        nw, nch, 128)
    dst_p = jnp.concatenate([dst, jnp.full((pad,), n, jnp.int32)]).reshape(
        nw, nch, 128)
    zeros_hbm = jnp.zeros((zrows, d), jnp.float32)
    batch_col = batch.astype(jnp.int32).reshape(n, 1)

    h = _tc_encoder(x, params["enc_W"], params["enc_b"][None, :], rblk)
    for i in range(n_layers):
        p = params["conv%d" % i]
        agg2 = sc_scatter(h, src_p, dst_p, zeros_hbm)
        w1, b1, w2, b2 = _fold_mlp(
            p, params["bn%d_g" % i], params["bn%d_b" % i])
        epsp = (1.0 + p["eps"]).astype(jnp.float32).reshape(1, 1)
        h = _tc_layer(h, agg2, epsp, w1, b1, w2, b2, rblk)

    w1, b1, w2, b2 = _fold_mlp(params["mlp"])
    return _tc_pool(h, batch_col, n_graphs, w1, b1, w2, b2, rblk)

# --- scband reference (transcript-rebuilt; emitter-appended) ---
"""Pipeline reference for scband-gin-30949534335552 (READ-ONLY COPY).

The authoritative reference and input builder live on the scoring server;
editing this copy changes nothing except your own understanding.
"""

import jax, jax.numpy as jnp
import numpy as np

N = 10000
E = 320000
D = 128
H = 128
O = 128
G = 128
L = 3

def _bn_eval(x, g, b):
    # BatchNorm in eval mode with fresh running stats (mean=0, var=1)
    return g * x / jnp.sqrt(1.0 + 1e-5) + b

def _mlp2(x, p):
    h = x @ p["w1"] + p["b1"]
    h = _bn_eval(h, p["g"], p["bb"])
    h = jax.nn.relu(h)
    return h @ p["w2"] + p["b2"]

def setup_inputs(seed: int = 0):
    key = jax.random.key(seed)
    kx, ke, kb, kp = jax.random.split(key, 4)
    x = jax.random.normal(kx, (N, D), jnp.float32)
    edge_index = jax.random.randint(ke, (2, E), 0, N)
    batch = jnp.sort(jax.random.randint(kb, (N,), 0, G))

    def lin(k, fi, fo):
        return jax.random.normal(k, (fi, fo), jnp.float32) * (1.0 / np.sqrt(fi))

    keys = jax.random.split(kp, 4 + 2 * L)
    params = {
        "enc_W": lin(keys[0], D, H),
        "enc_b": jnp.zeros((H,), jnp.float32),
        "mlp": {
            "w1": lin(keys[1], H, H), "b1": jnp.zeros((H,), jnp.float32),
            "g": jnp.ones((H,), jnp.float32), "bb": jnp.zeros((H,), jnp.float32),
            "w2": lin(keys[2], H, O), "b2": jnp.zeros((O,), jnp.float32),
        },
    }
    for i in range(L):
        params["conv%d" % i] = {
            "eps": jnp.zeros((), jnp.float32),
            "w1": lin(keys[3 + 2 * i], H, H), "b1": jnp.zeros((H,), jnp.float32),
            "g": jnp.ones((H,), jnp.float32), "bb": jnp.zeros((H,), jnp.float32),
            "w2": lin(keys[4 + 2 * i], H, H), "b2": jnp.zeros((H,), jnp.float32),
        }
        params["bn%d_g" % i] = jnp.ones((H,), jnp.float32)
        params["bn%d_b" % i] = jnp.zeros((H,), jnp.float32)
    return {"x": x, "edge_index": edge_index, "batch": batch, "params": params}

def reference(x, edge_index, batch, params):
    src = edge_index[0]
    dst = edge_index[1]
    h = x @ params["enc_W"] + params["enc_b"]
    for i in range(L):
        p = params["conv%d" % i]
        # GINConv: sum-aggregate neighbor messages at dst, add (1+eps)*self
        agg = jnp.zeros_like(h).at[dst].add(h[src])
        h = _mlp2((1.0 + p["eps"]) * h + agg, p)
        h = _bn_eval(h, params["bn%d_g" % i], params["bn%d_b" % i])
        h = jax.nn.relu(h)
        # dropout is identity in eval mode
    cnt = jnp.zeros((G,), jnp.float32).at[batch].add(1.0)
    summ = jnp.zeros((G, h.shape[1]), jnp.float32).at[batch].add(h)
    pooled = summ / jnp.maximum(cnt, 1.0)[:, None]
    return _mlp2(pooled, params["mlp"])

if __name__ == "__main__":
    import jax
    _d = setup_inputs()
    print(jax.jit(kernel)(*tuple(_d.values())))

</pallas_src>

<mosaic_0001>
#map = affine_map<(d0, d1) -> (0, 0)>
#map1 = affine_map<(d0, d1) -> (0, 0, 0)>
module attributes {stable_mosaic.version = 14 : i64} {
  func.func @sc_scatter(%arg0: i32, %arg1: i32, %arg2: memref<10000x128xf32, #tpu.memory_space<hbm>>, %arg3: memref<32x80x128xi32, #tpu.memory_space<hbm>>, %arg4: memref<32x80x128xi32, #tpu.memory_space<hbm>>, %arg5: memref<632x128xf32, #tpu.memory_space<hbm>>, %arg6: memref<2x10000x128xf32, #tpu.memory_space<hbm>>, %arg7: memref<40x128xi32, #tpu.memory_space<vmem>>, %arg8: memref<40x128xi32, #tpu.memory_space<vmem>>, %arg9: memref<2x128x128xf32, #tpu.memory_space<vmem>>, %arg10: memref<10016x128xf32, #tpu.memory_space<vmem_shared>>, %arg11: memref<!tpu.dma_semaphore, #tpu.memory_space<semaphore_mem>>, %arg12: memref<!tpu.dma_semaphore, #tpu.memory_space<semaphore_mem>>) attributes {dimension_semantics = [#tpu.dimension_semantics<core_parallel>, #tpu.dimension_semantics<subcore_parallel>], iteration_bounds = array<i64: 2, 16>, scalar_prefetch = 0 : i64, scratch_operands = 6 : i64, tpu.core_type = #tpu.core_type<sc_vector_subcore>, window_params = [{transform_indices = #map}, {transform_indices = #map1}, {transform_indices = #map1}, {transform_indices = #map}, {transform_indices = #map1}]} {
    %mul3A = arith.constant 16 : i32
    %mul3A_0 = arith.muli %arg0, %mul3A : i32
    %add3A = arith.addi %mul3A_0, %arg1 : i32
    %mul3A_1 = arith.constant 632 : i32
    %mul3A_2 = arith.muli %arg1, %mul3A_1 : i32
    %multiple_of3A = tpu.assume_multiple %mul3A_2, 8 : i32
    %mul3A_3 = arith.constant 632 : i32
    %mul3A_4 = arith.muli %arg1, %mul3A_3 : i32
    %multiple_of3A_5 = tpu.assume_multiple %mul3A_4, 8 : i32
    %lt3A = arith.constant 15 : i32
    %lt3A_6 = arith.cmpi slt, %arg1, %lt3A : i32
    %convert_element_type3A = arith.extui %lt3A_6 : i1 to i32
    %cond3A = arith.constant 0 : i32
    %cond3A_7 = arith.cmpi ne, %convert_element_type3A, %cond3A : i32
    scf.if %cond3A_7 {
      "tpu.region"() ({
        %run_scoped3A = tpu.sem_alloc : memref<!tpu.dma_semaphore, #tpu.memory_space<semaphore_mem>>
        %dma_start3A_81 = arith.constant 0 : i32
        %dma_start3A_82 = tpu.memref_slice %arg10[%multiple_of3A, %dma_start3A_81] : memref<10016x128xf32, #tpu.memory_space<vmem_shared>> -> memref<632x128xf32, #tpu.memory_space<vmem_shared>>
        tpu.enqueue_dma source(%arg5 : memref<632x128xf32, #tpu.memory_space<hbm>>) target(%dma_start3A_82 : memref<632x128xf32, #tpu.memory_space<vmem_shared>>) target_semaphore(%run_scoped3A : memref<!tpu.dma_semaphore, #tpu.memory_space<semaphore_mem>>)
        %dma_wait3A = arith.constant 0 : i32
        %dma_wait3A_83 = tpu.memref_slice %arg10[%multiple_of3A, %dma_wait3A] : memref<10016x128xf32, #tpu.memory_space<vmem_shared>> -> memref<632x128xf32, #tpu.memory_space<vmem_shared>>
        tpu.wait_dma2 semaphore(%run_scoped3A : memref<!tpu.dma_semaphore, #tpu.memory_space<semaphore_mem>>) src(%arg5 : memref<632x128xf32, #tpu.memory_space<hbm>>) dst(%dma_wait3A_83 : memref<632x128xf32, #tpu.memory_space<vmem_shared>>)
        tpu.yield
      }) : () -> ()
    } else {
    }
    %eq3A = arith.constant 15 : i32
    %eq3A_8 = arith.cmpi eq, %arg1, %eq3A : i32
    %convert_element_type3A_9 = arith.extui %eq3A_8 : i1 to i32
    %cond3A_10 = arith.constant 0 : i32
    %cond3A_11 = arith.cmpi ne, %convert_element_type3A_9, %cond3A_10 : i32
    scf.if %cond3A_11 {
      "tpu.region"() ({
        %run_scoped3A = tpu.sem_alloc : memref<!tpu.dma_semaphore, #tpu.memory_space<semaphore_mem>>
        %dma_start3A_81 = arith.constant 9480 : i32
        %dma_start3A_82 = arith.constant 0 : i32
        %dma_start3A_83 = tpu.memref_slice %arg10[%dma_start3A_81, %dma_start3A_82] : memref<10016x128xf32, #tpu.memory_space<vmem_shared>> -> memref<536x128xf32, #tpu.memory_space<vmem_shared>>
        %dma_start3A_84 = arith.constant 0 : i32
        %dma_start3A_85 = arith.constant 0 : i32
        %dma_start3A_86 = tpu.memref_slice %arg5[%dma_start3A_84, %dma_start3A_85] : memref<632x128xf32, #tpu.memory_space<hbm>> -> memref<536x128xf32, #tpu.memory_space<hbm>>
        tpu.enqueue_dma source(%dma_start3A_86 : memref<536x128xf32, #tpu.memory_space<hbm>>) target(%dma_start3A_83 : memref<536x128xf32, #tpu.memory_space<vmem_shared>>) target_semaphore(%run_scoped3A : memref<!tpu.dma_semaphore, #tpu.memory_space<semaphore_mem>>)
        %dma_wait3A = arith.constant 9480 : i32
        %dma_wait3A_87 = arith.constant 0 : i32
        %dma_wait3A_88 = tpu.memref_slice %arg10[%dma_wait3A, %dma_wait3A_87] : memref<10016x128xf32, #tpu.memory_space<vmem_shared>> -> memref<536x128xf32, #tpu.memory_space<vmem_shared>>
        %dma_wait3A_89 = arith.constant 0 : i32
        %dma_wait3A_90 = arith.constant 0 : i32
        %dma_wait3A_91 = tpu.memref_slice %arg5[%dma_wait3A_89, %dma_wait3A_90] : memref<632x128xf32, #tpu.memory_space<hbm>> -> memref<536x128xf32, #tpu.memory_space<hbm>>
        tpu.wait_dma2 semaphore(%run_scoped3A : memref<!tpu.dma_semaphore, #tpu.memory_space<semaphore_mem>>) src(%dma_wait3A_91 : memref<536x128xf32, #tpu.memory_space<hbm>>) dst(%dma_wait3A_88 : memref<536x128xf32, #tpu.memory_space<vmem_shared>>)
        tpu.yield
      }) : () -> ()
    } else {
    }
    "tpu.region"() ({
      %run_scoped3A = tpu.sem_alloc : memref<!tpu.dma_semaphore, #tpu.memory_space<semaphore_mem>>
      %dma_start3A_81 = arith.constant 0 : i32
      %dma_start3A_82 = arith.constant 0 : i32
      %dma_start3A_83 = tpu.memref_slice %arg3[%add3A, %dma_start3A_81, %dma_start3A_82] : memref<32x80x128xi32, #tpu.memory_space<hbm>> -> memref<1x40x128xi32, #tpu.memory_space<hbm>>
      %dma_start3A_84 = tpu.memref_squeeze %dma_start3A_83 : memref<1x40x128xi32, #tpu.memory_space<hbm>> -> memref<40x128xi32, #tpu.memory_space<hbm>>
      %dma_start3A_85 = arith.constant 0 : i32
      %dma_start3A_86 = arith.constant 0 : i32
      %dma_start3A_87 = tpu.memref_slice %arg3[%add3A, %dma_start3A_85, %dma_start3A_86] : memref<32x80x128xi32, #tpu.memory_space<hbm>> -> memref<1x40x128xi32, #tpu.memory_space<hbm>>
      %dma_start3A_88 = tpu.memref_squeeze %dma_start3A_87 : memref<1x40x128xi32, #tpu.memory_space<hbm>> -> memref<40x128xi32, #tpu.memory_space<hbm>>
      tpu.enqueue_dma source(%dma_start3A_88 : memref<40x128xi32, #tpu.memory_space<hbm>>) target(%arg7 : memref<40x128xi32, #tpu.memory_space<vmem>>) target_semaphore(%run_scoped3A : memref<!tpu.dma_semaphore, #tpu.memory_space<semaphore_mem>>)
      %dma_wait3A = arith.constant 0 : i32
      %dma_wait3A_89 = arith.constant 0 : i32
      %dma_wait3A_90 = tpu.memref_slice %arg3[%add3A, %dma_wait3A, %dma_wait3A_89] : memref<32x80x128xi32, #tpu.memory_space<hbm>> -> memref<1x40x128xi32, #tpu.memory_space<hbm>>
      %dma_wait3A_91 = tpu.memref_squeeze %dma_wait3A_90 : memref<1x40x128xi32, #tpu.memory_space<hbm>> -> memref<40x128xi32, #tpu.memory_space<hbm>>
      %dma_wait3A_92 = arith.constant 0 : i32
      %dma_wait3A_93 = arith.constant 0 : i32
      %dma_wait3A_94 = tpu.memref_slice %arg3[%add3A, %dma_wait3A_92, %dma_wait3A_93] : memref<32x80x128xi32, #tpu.memory_space<hbm>> -> memref<1x40x128xi32, #tpu.memory_space<hbm>>
      %dma_wait3A_95 = tpu.memref_squeeze %dma_wait3A_94 : memref<1x40x128xi32, #tpu.memory_space<hbm>> -> memref<40x128xi32, #tpu.memory_space<hbm>>
      tpu.wait_dma2 semaphore(%run_scoped3A : memref<!tpu.dma_semaphore, #tpu.memory_space<semaphore_mem>>) src(%dma_wait3A_95 : memref<40x128xi32, #tpu.memory_space<hbm>>) dst(%arg7 : memref<40x128xi32, #tpu.memory_space<vmem>>)
      tpu.yield
    }) : () -> ()
    "tpu.region"() ({
      %run_scoped3A = tpu.sem_alloc : memref<!tpu.dma_semaphore, #tpu.memory_space<semaphore_mem>>
      %dma_start3A_81 = arith.constant 0 : i32
      %dma_start3A_82 = arith.constant 0 : i32
      %dma_start3A_83 = tpu.memref_slice %arg4[%add3A, %dma_start3A_81, %dma_start3A_82] : memref<32x80x128xi32, #tpu.memory_space<hbm>> -> memref<1x40x128xi32, #tpu.memory_space<hbm>>
      %dma_start3A_84 = tpu.memref_squeeze %dma_start3A_83 : memref<1x40x128xi32, #tpu.memory_space<hbm>> -> memref<40x128xi32, #tpu.memory_space<hbm>>
      %dma_start3A_85 = arith.constant 0 : i32
      %dma_start3A_86 = arith.constant 0 : i32
      %dma_start3A_87 = tpu.memref_slice %arg4[%add3A, %dma_start3A_85, %dma_start3A_86] : memref<32x80x128xi32, #tpu.memory_space<hbm>> -> memref<1x40x128xi32, #tpu.memory_space<hbm>>
      %dma_start3A_88 = tpu.memref_squeeze %dma_start3A_87 : memref<1x40x128xi32, #tpu.memory_space<hbm>> -> memref<40x128xi32, #tpu.memory_space<hbm>>
      tpu.enqueue_dma source(%dma_start3A_88 : memref<40x128xi32, #tpu.memory_space<hbm>>) target(%arg8 : memref<40x128xi32, #tpu.memory_space<vmem>>) target_semaphore(%run_scoped3A : memref<!tpu.dma_semaphore, #tpu.memory_space<semaphore_mem>>)
      %dma_wait3A = arith.constant 0 : i32
      %dma_wait3A_89 = arith.constant 0 : i32
      %dma_wait3A_90 = tpu.memref_slice %arg4[%add3A, %dma_wait3A, %dma_wait3A_89] : memref<32x80x128xi32, #tpu.memory_space<hbm>> -> memref<1x40x128xi32, #tpu.memory_space<hbm>>
      %dma_wait3A_91 = tpu.memref_squeeze %dma_wait3A_90 : memref<1x40x128xi32, #tpu.memory_space<hbm>> -> memref<40x128xi32, #tpu.memory_space<hbm>>
      %dma_wait3A_92 = arith.constant 0 : i32
      %dma_wait3A_93 = arith.constant 0 : i32
      %dma_wait3A_94 = tpu.memref_slice %arg4[%add3A, %dma_wait3A_92, %dma_wait3A_93] : memref<32x80x128xi32, #tpu.memory_space<hbm>> -> memref<1x40x128xi32, #tpu.memory_space<hbm>>
      %dma_wait3A_95 = tpu.memref_squeeze %dma_wait3A_94 : memref<1x40x128xi32, #tpu.memory_space<hbm>> -> memref<40x128xi32, #tpu.memory_space<hbm>>
      tpu.wait_dma2 semaphore(%run_scoped3A : memref<!tpu.dma_semaphore, #tpu.memory_space<semaphore_mem>>) src(%dma_wait3A_95 : memref<40x128xi32, #tpu.memory_space<hbm>>) dst(%arg8 : memref<40x128xi32, #tpu.memory_space<vmem>>)
      tpu.yield
    }) : () -> ()
    %dma_start3A = arith.constant 0 : i32
    %dma_start3A_12 = arith.constant 0 : i32
    %dma_start3A_13 = arith.constant 0 : i32
    %dma_start3A_14 = arith.constant 0 : i32
    %dma_start3A_15 = tpu.memref_slice %arg9[%dma_start3A_12, %dma_start3A_13, %dma_start3A_14] : memref<2x128x128xf32, #tpu.memory_space<vmem>> -> memref<1x128x128xf32, #tpu.memory_space<vmem>>
    %dma_start3A_16 = tpu.memref_squeeze %dma_start3A_15 : memref<1x128x128xf32, #tpu.memory_space<vmem>> -> memref<128x128xf32, #tpu.memory_space<vmem>>
    %dma_start3A_17 = arith.constant 0 : i32
    %dma_start3A_18 = tpu.memref_slice %arg7[%dma_start3A, %dma_start3A_17] : memref<40x128xi32, #tpu.memory_space<vmem>> -> memref<1x128xi32, #tpu.memory_space<vmem>>
    %dma_start3A_19 = tpu.memref_squeeze %dma_start3A_18 : memref<1x128xi32, #tpu.memory_space<vmem>> -> memref<128xi32, #tpu.memory_space<vmem>>
    %dma_start3A_20 = arith.constant 0 : i32
    %dma_start3A_21 = arith.constant 0 : i32
    %dma_start3A_22 = tpu.memref_slice %arg2[%dma_start3A_20, %dma_start3A_21] : memref<10000x128xf32, #tpu.memory_space<hbm>> -> memref<10000x128xf32, #tpu.memory_space<hbm>>
    tpu.enqueue_indirect_dma source(%dma_start3A_22 : memref<10000x128xf32, #tpu.memory_space<hbm>>) target(%dma_start3A_16 : memref<128x128xf32, #tpu.memory_space<vmem>>) offsets(%dma_start3A_19 : memref<128xi32, #tpu.memory_space<vmem>>) semaphore(%arg11 : memref<!tpu.dma_semaphore, #tpu.memory_space<semaphore_mem>>)
    %dma_start3A_23 = arith.constant 1 : i32
    %dma_start3A_24 = arith.constant 1 : i32
    %dma_start3A_25 = arith.constant 0 : i32
    %dma_start3A_26 = arith.constant 0 : i32
    %dma_start3A_27 = tpu.memref_slice %arg9[%dma_start3A_24, %dma_start3A_25, %dma_start3A_26] : memref<2x128x128xf32, #tpu.memory_space<vmem>> -> memref<1x128x128xf32, #tpu.memory_space<vmem>>
    %dma_start3A_28 = tpu.memref_squeeze %dma_start3A_27 : memref<1x128x128xf32, #tpu.memory_space<vmem>> -> memref<128x128xf32, #tpu.memory_space<vmem>>
    %dma_start3A_29 = arith.constant 0 : i32
    %dma_start3A_30 = tpu.memref_slice %arg7[%dma_start3A_23, %dma_start3A_29] : memref<40x128xi32, #tpu.memory_space<vmem>> -> memref<1x128xi32, #tpu.memory_space<vmem>>
    %dma_start3A_31 = tpu.memref_squeeze %dma_start3A_30 : memref<1x128xi32, #tpu.memory_space<vmem>> -> memref<128xi32, #tpu.memory_space<vmem>>
    %dma_start3A_32 = arith.constant 0 : i32
    %dma_start3A_33 = arith.constant 0 : i32
    %dma_start3A_34 = tpu.memref_slice %arg2[%dma_start3A_32, %dma_start3A_33] : memref<10000x128xf32, #tpu.memory_space<hbm>> -> memref<10000x128xf32, #tpu.memory_space<hbm>>
    tpu.enqueue_indirect_dma source(%dma_start3A_34 : memref<10000x128xf32, #tpu.memory_space<hbm>>) target(%dma_start3A_28 : memref<128x128xf32, #tpu.memory_space<vmem>>) offsets(%dma_start3A_31 : memref<128xi32, #tpu.memory_space<vmem>>) semaphore(%arg12 : memref<!tpu.dma_semaphore, #tpu.memory_space<semaphore_mem>>)
    %barrier3A = arith.constant 0 : index
    tpu.barrier barrier_id(%barrier3A)
    %scan3A = arith.constant 0 : i32
    %scan3A_35 = arith.constant 0 : i32
    %scan3A_36 = arith.constant 20 : i32
    %scan3A_37 = arith.addi %scan3A_35, %scan3A_36 : i32
    %scan3A_38 = arith.constant 1 : i32
    scf.for %scan3A_81 = %scan3A_35 to %scan3A_37 step %scan3A_38  : i32 {
      %mul3A_82 = arith.constant 2 : i32
      %mul3A_83 = arith.muli %scan3A_81, %mul3A_82 : i32
      %add3A_84 = arith.constant 0 : i32
      %add3A_85 = arith.addi %mul3A_83, %add3A_84 : i32
      %dma_wait3A = arith.constant 0 : i32
      %dma_wait3A_86 = arith.constant 0 : i32
      %dma_wait3A_87 = arith.constant 0 : i32
      %dma_wait3A_88 = tpu.memref_slice %arg9[%dma_wait3A, %dma_wait3A_86, %dma_wait3A_87] : memref<2x128x128xf32, #tpu.memory_space<vmem>> -> memref<1x128x128xf32, #tpu.memory_space<vmem>>
      %dma_wait3A_89 = tpu.memref_squeeze %dma_wait3A_88 : memref<1x128x128xf32, #tpu.memory_space<vmem>> -> memref<128x128xf32, #tpu.memory_space<vmem>>
      %dma_wait3A_90 = arith.constant 0 : i32
      %dma_wait3A_91 = tpu.memref_slice %arg7[%add3A_85, %dma_wait3A_90] : memref<40x128xi32, #tpu.memory_space<vmem>> -> memref<1x128xi32, #tpu.memory_space<vmem>>
      %dma_wait3A_92 = tpu.memref_squeeze %dma_wait3A_91 : memref<1x128xi32, #tpu.memory_space<vmem>> -> memref<128xi32, #tpu.memory_space<vmem>>
      %dma_wait3A_93 = arith.constant 0 : i32
      %dma_wait3A_94 = arith.constant 0 : i32
      %dma_wait3A_95 = tpu.memref_slice %arg2[%dma_wait3A_93, %dma_wait3A_94] : memref<10000x128xf32, #tpu.memory_space<hbm>> -> memref<10000x128xf32, #tpu.memory_space<hbm>>
      tpu.wait_indirect_dma semaphore(%arg11 : memref<!tpu.dma_semaphore, #tpu.memory_space<semaphore_mem>>) src(%dma_wait3A_95 : memref<10000x128xf32, #tpu.memory_space<hbm>>) dst(%dma_wait3A_89 : memref<128x128xf32, #tpu.memory_space<vmem>>)
      %run_scoped3A = arith.constant 0 : i32
      "tpu.region"() ({
        %run_scoped3A_126 = tpu.sem_alloc : memref<!tpu.dma_semaphore, #tpu.memory_space<semaphore_mem>>
        %dma_start3A_127 = arith.constant 0 : i32
        %dma_start3A_128 = arith.constant 0 : i32
        %dma_start3A_129 = tpu.memref_slice %arg9[%run_scoped3A, %dma_start3A_127, %dma_start3A_128] : memref<2x128x128xf32, #tpu.memory_space<vmem>> -> memref<1x128x128xf32, #tpu.memory_space<vmem>>
        %dma_start3A_130 = tpu.memref_squeeze %dma_start3A_129 : memref<1x128x128xf32, #tpu.memory_space<vmem>> -> memref<128x128xf32, #tpu.memory_space<vmem>>
        %dma_start3A_131 = arith.constant 0 : i32
        %dma_start3A_132 = tpu.memref_slice %arg8[%add3A_85, %dma_start3A_131] : memref<40x128xi32, #tpu.memory_space<vmem>> -> memref<1x128xi32, #tpu.memory_space<vmem>>
        %dma_start3A_133 = tpu.memref_squeeze %dma_start3A_132 : memref<1x128xi32, #tpu.memory_space<vmem>> -> memref<128xi32, #tpu.memory_space<vmem>>
        %dma_start3A_134 = arith.constant 0 : i32
        %dma_start3A_135 = arith.constant 0 : i32
        %dma_start3A_136 = tpu.memref_slice %arg10[%dma_start3A_134, %dma_start3A_135] : memref<10016x128xf32, #tpu.memory_space<vmem_shared>> -> memref<10016x128xf32, #tpu.memory_space<vmem_shared>>
        tpu.enqueue_indirect_dma source(%dma_start3A_130 : memref<128x128xf32, #tpu.memory_space<vmem>>) target(%dma_start3A_136 : memref<10016x128xf32, #tpu.memory_space<vmem_shared>>) offsets(%dma_start3A_133 : memref<128xi32, #tpu.memory_space<vmem>>) semaphore(%run_scoped3A_126 : memref<!tpu.dma_semaphore, #tpu.memory_space<semaphore_mem>>) {add = true}
        %dma_wait3A_137 = arith.constant 0 : i32
        %dma_wait3A_138 = arith.constant 0 : i32
        %dma_wait3A_139 = tpu.memref_slice %arg9[%run_scoped3A, %dma_wait3A_137, %dma_wait3A_138] : memref<2x128x128xf32, #tpu.memory_space<vmem>> -> memref<1x128x128xf32, #tpu.memory_space<vmem>>
        %dma_wait3A_140 = tpu.memref_squeeze %dma_wait3A_139 : memref<1x128x128xf32, #tpu.memory_space<vmem>> -> memref<128x128xf32, #tpu.memory_space<vmem>>
        %dma_wait3A_141 = arith.constant 0 : i32
        %dma_wait3A_142 = tpu.memref_slice %arg8[%add3A_85, %dma_wait3A_141] : memref<40x128xi32, #tpu.memory_space<vmem>> -> memref<1x128xi32, #tpu.memory_space<vmem>>
        %dma_wait3A_143 = tpu.memref_squeeze %dma_wait3A_142 : memref<1x128xi32, #tpu.memory_space<vmem>> -> memref<128xi32, #tpu.memory_space<vmem>>
        %dma_wait3A_144 = arith.constant 0 : i32
        %dma_wait3A_145 = arith.constant 0 : i32
        %dma_wait3A_146 = tpu.memref_slice %arg10[%dma_wait3A_144, %dma_wait3A_145] : memref<10016x128xf32, #tpu.memory_space<vmem_shared>> -> memref<10016x128xf32, #tpu.memory_space<vmem_shared>>
        tpu.wait_indirect_dma semaphore(%run_scoped3A_126 : memref<!tpu.dma_semaphore, #tpu.memory_space<semaphore_mem>>) src(%dma_wait3A_140 : memref<128x128xf32, #tpu.memory_space<vmem>>) dst(%dma_wait3A_146 : memref<10016x128xf32, #tpu.memory_space<vmem_shared>>)
        tpu.yield
      }) : () -> ()
      %add3A_96 = arith.constant 2 : i32
      %add3A_97 = arith.addi %add3A_85, %add3A_96 : i32
      %lt3A_98 = arith.constant 40 : i32
      %lt3A_99 = arith.cmpi slt, %add3A_97, %lt3A_98 : i32
      %convert_element_type3A_100 = arith.extui %lt3A_99 : i1 to i32
      %cond3A_101 = arith.constant 0 : i32
      %cond3A_102 = arith.cmpi ne, %convert_element_type3A_100, %cond3A_101 : i32
      scf.if %cond3A_102 {
        %add3A_126 = arith.constant 2 : i32
        %add3A_127 = arith.addi %add3A_85, %add3A_126 : i32
        %dma_start3A_128 = arith.constant 0 : i32
        %dma_start3A_129 = arith.constant 0 : i32
        %dma_start3A_130 = arith.constant 0 : i32
        %dma_start3A_131 = tpu.memref_slice %arg9[%dma_start3A_128, %dma_start3A_129, %dma_start3A_130] : memref<2x128x128xf32, #tpu.memory_space<vmem>> -> memref<1x128x128xf32, #tpu.memory_space<vmem>>
        %dma_start3A_132 = tpu.memref_squeeze %dma_start3A_131 : memref<1x128x128xf32, #tpu.memory_space<vmem>> -> memref<128x128xf32, #tpu.memory_space<vmem>>
        %dma_start3A_133 = arith.constant 0 : i32
        %dma_start3A_134 = tpu.memref_slice %arg7[%add3A_127, %dma_start3A_133] : memref<40x128xi32, #tpu.memory_space<vmem>> -> memref<1x128xi32, #tpu.memory_space<vmem>>
        %dma_start3A_135 = tpu.memref_squeeze %dma_start3A_134 : memref<1x128xi32, #tpu.memory_space<vmem>> -> memref<128xi32, #tpu.memory_space<vmem>>
        %dma_start3A_136 = arith.constant 0 : i32
        %dma_start3A_137 = arith.constant 0 : i32
        %dma_start3A_138 = tpu.memref_slice %arg2[%dma_start3A_136, %dma_start3A_137] : memref<10000x128xf32, #tpu.memory_space<hbm>> -> memref<10000x128xf32, #tpu.memory_space<hbm>>
        tpu.enqueue_indirect_dma source(%dma_start3A_138 : memref<10000x128xf32, #tpu.memory_space<hbm>>) target(%dma_start3A_132 : memref<128x128xf32, #tpu.memory_space<vmem>>) offsets(%dma_start3A_135 : memref<128xi32, #tpu.memory_space<vmem>>) semaphore(%arg11 : memref<!tpu.dma_semaphore, #tpu.memory_space<semaphore_mem>>)
      } else {
      }
      %mul3A_103 = arith.constant 2 : i32
      %mul3A_104 = arith.muli %scan3A_81, %mul3A_103 : i32
      %add3A_105 = arith.constant 1 : i32
      %add3A_106 = arith.addi %mul3A_104, %add3A_105 : i32
      %dma_wait3A_107 = arith.constant 1 : i32
      %dma_wait3A_108 = arith.constant 0 : i32
      %dma_wait3A_109 = arith.constant 0 : i32
      %dma_wait3A_110 = tpu.memref_slice %arg9[%dma_wait3A_107, %dma_wait3A_108, %dma_wait3A_109] : memref<2x128x128xf32, #tpu.memory_space<vmem>> -> memref<1x128x128xf32, #tpu.memory_space<vmem>>
      %dma_wait3A_111 = tpu.memref_squeeze %dma_wait3A_110 : memref<1x128x128xf32, #tpu.memory_space<vmem>> -> memref<128x128xf32, #tpu.memory_space<vmem>>
      %dma_wait3A_112 = arith.constant 0 : i32
      %dma_wait3A_113 = tpu.memref_slice %arg7[%add3A_106, %dma_wait3A_112] : memref<40x128xi32, #tpu.memory_space<vmem>> -> memref<1x128xi32, #tpu.memory_space<vmem>>
      %dma_wait3A_114 = tpu.memref_squeeze %dma_wait3A_113 : memref<1x128xi32, #tpu.memory_space<vmem>> -> memref<128xi32, #tpu.memory_space<vmem>>
      %dma_wait3A_115 = arith.constant 0 : i32
      %dma_wait3A_116 = arith.constant 0 : i32
      %dma_wait3A_117 = tpu.memref_slice %arg2[%dma_wait3A_115, %dma_wait3A_116] : memref<10000x128xf32, #tpu.memory_space<hbm>> -> memref<10000x128xf32, #tpu.memory_space<hbm>>
      tpu.wait_indirect_dma semaphore(%arg12 : memref<!tpu.dma_semaphore, #tpu.memory_space<semaphore_mem>>) src(%dma_wait3A_117 : memref<10000x128xf32, #tpu.memory_space<hbm>>) dst(%dma_wait3A_111 : memref<128x128xf32, #tpu.memory_space<vmem>>)
      %run_scoped3A_118 = arith.constant 1 : i32
      "tpu.region"() ({
        %run_scoped3A_126 = tpu.sem_alloc : memref<!tpu.dma_semaphore, #tpu.memory_space<semaphore_mem>>
        %dma_start3A_127 = arith.constant 0 : i32
        %dma_start3A_128 = arith.constant 0 : i32
        %dma_start3A_129 = tpu.memref_slice %arg9[%run_scoped3A_118, %dma_start3A_127, %dma_start3A_128] : memref<2x128x128xf32, #tpu.memory_space<vmem>> -> memref<1x128x128xf32, #tpu.memory_space<vmem>>
        %dma_start3A_130 = tpu.memref_squeeze %dma_start3A_129 : memref<1x128x128xf32, #tpu.memory_space<vmem>> -> memref<128x128xf32, #tpu.memory_space<vmem>>
        %dma_start3A_131 = arith.constant 0 : i32
        %dma_start3A_132 = tpu.memref_slice %arg8[%add3A_106, %dma_start3A_131] : memref<40x128xi32, #tpu.memory_space<vmem>> -> memref<1x128xi32, #tpu.memory_space<vmem>>
        %dma_start3A_133 = tpu.memref_squeeze %dma_start3A_132 : memref<1x128xi32, #tpu.memory_space<vmem>> -> memref<128xi32, #tpu.memory_space<vmem>>
        %dma_start3A_134 = arith.constant 0 : i32
        %dma_start3A_135 = arith.constant 0 : i32
        %dma_start3A_136 = tpu.memref_slice %arg10[%dma_start3A_134, %dma_start3A_135] : memref<10016x128xf32, #tpu.memory_space<vmem_shared>> -> memref<10016x128xf32, #tpu.memory_space<vmem_shared>>
        tpu.enqueue_indirect_dma source(%dma_start3A_130 : memref<128x128xf32, #tpu.memory_space<vmem>>) target(%dma_start3A_136 : memref<10016x128xf32, #tpu.memory_space<vmem_shared>>) offsets(%dma_start3A_133 : memref<128xi32, #tpu.memory_space<vmem>>) semaphore(%run_scoped3A_126 : memref<!tpu.dma_semaphore, #tpu.memory_space<semaphore_mem>>) {add = true}
        %dma_wait3A_137 = arith.constant 0 : i32
        %dma_wait3A_138 = arith.constant 0 : i32
        %dma_wait3A_139 = tpu.memref_slice %arg9[%run_scoped3A_118, %dma_wait3A_137, %dma_wait3A_138] : memref<2x128x128xf32, #tpu.memory_space<vmem>> -> memref<1x128x128xf32, #tpu.memory_space<vmem>>
        %dma_wait3A_140 = tpu.memref_squeeze %dma_wait3A_139 : memref<1x128x128xf32, #tpu.memory_space<vmem>> -> memref<128x128xf32, #tpu.memory_space<vmem>>
        %dma_wait3A_141 = arith.constant 0 : i32
        %dma_wait3A_142 = tpu.memref_slice %arg8[%add3A_106, %dma_wait3A_141] : memref<40x128xi32, #tpu.memory_space<vmem>> -> memref<1x128xi32, #tpu.memory_space<vmem>>
        %dma_wait3A_143 = tpu.memref_squeeze %dma_wait3A_142 : memref<1x128xi32, #tpu.memory_space<vmem>> -> memref<128xi32, #tpu.memory_space<vmem>>
        %dma_wait3A_144 = arith.constant 0 : i32
        %dma_wait3A_145 = arith.constant 0 : i32
        %dma_wait3A_146 = tpu.memref_slice %arg10[%dma_wait3A_144, %dma_wait3A_145] : memref<10016x128xf32, #tpu.memory_space<vmem_shared>> -> memref<10016x128xf32, #tpu.memory_space<vmem_shared>>
        tpu.wait_indirect_dma semaphore(%run_scoped3A_126 : memref<!tpu.dma_semaphore, #tpu.memory_space<semaphore_mem>>) src(%dma_wait3A_140 : memref<128x128xf32, #tpu.memory_space<vmem>>) dst(%dma_wait3A_146 : memref<10016x128xf32, #tpu.memory_space<vmem_shared>>)
        tpu.yield
      }) : () -> ()
      %add3A_119 = arith.constant 2 : i32
      %add3A_120 = arith.addi %add3A_106, %add3A_119 : i32
      %lt3A_121 = arith.constant 40 : i32
      %lt3A_122 = arith.cmpi slt, %add3A_120, %lt3A_121 : i32
      %convert_element_type3A_123 = arith.extui %lt3A_122 : i1 to i32
      %cond3A_124 = arith.constant 0 : i32
      %cond3A_125 = arith.cmpi ne, %convert_element_type3A_123, %cond3A_124 : i32
      scf.if %cond3A_125 {
        %add3A_126 = arith.constant 2 : i32
        %add3A_127 = arith.addi %add3A_106, %add3A_126 : i32
        %dma_start3A_128 = arith.constant 1 : i32
        %dma_start3A_129 = arith.constant 0 : i32
        %dma_start3A_130 = arith.constant 0 : i32
        %dma_start3A_131 = tpu.memref_slice %arg9[%dma_start3A_128, %dma_start3A_129, %dma_start3A_130] : memref<2x128x128xf32, #tpu.memory_space<vmem>> -> memref<1x128x128xf32, #tpu.memory_space<vmem>>
        %dma_start3A_132 = tpu.memref_squeeze %dma_start3A_131 : memref<1x128x128xf32, #tpu.memory_space<vmem>> -> memref<128x128xf32, #tpu.memory_space<vmem>>
        %dma_start3A_133 = arith.constant 0 : i32
        %dma_start3A_134 = tpu.memref_slice %arg7[%add3A_127, %dma_start3A_133] : memref<40x128xi32, #tpu.memory_space<vmem>> -> memref<1x128xi32, #tpu.memory_space<vmem>>
        %dma_start3A_135 = tpu.memref_squeeze %dma_start3A_134 : memref<1x128xi32, #tpu.memory_space<vmem>> -> memref<128xi32, #tpu.memory_space<vmem>>
        %dma_start3A_136 = arith.constant 0 : i32
        %dma_start3A_137 = arith.constant 0 : i32
        %dma_start3A_138 = tpu.memref_slice %arg2[%dma_start3A_136, %dma_start3A_137] : memref<10000x128xf32, #tpu.memory_space<hbm>> -> memref<10000x128xf32, #tpu.memory_space<hbm>>
        tpu.enqueue_indirect_dma source(%dma_start3A_138 : memref<10000x128xf32, #tpu.memory_space<hbm>>) target(%dma_start3A_132 : memref<128x128xf32, #tpu.memory_space<vmem>>) offsets(%dma_start3A_135 : memref<128xi32, #tpu.memory_space<vmem>>) semaphore(%arg12 : memref<!tpu.dma_semaphore, #tpu.memory_space<semaphore_mem>>)
      } else {
      }
    }
    %scan3A_39 = arith.constant 20 : i32
    "tpu.region"() ({
      %run_scoped3A = tpu.sem_alloc : memref<!tpu.dma_semaphore, #tpu.memory_space<semaphore_mem>>
      %dma_start3A_81 = arith.constant 40 : i32
      %dma_start3A_82 = arith.constant 0 : i32
      %dma_start3A_83 = tpu.memref_slice %arg3[%add3A, %dma_start3A_81, %dma_start3A_82] : memref<32x80x128xi32, #tpu.memory_space<hbm>> -> memref<1x40x128xi32, #tpu.memory_space<hbm>>
      %dma_start3A_84 = tpu.memref_squeeze %dma_start3A_83 : memref<1x40x128xi32, #tpu.memory_space<hbm>> -> memref<40x128xi32, #tpu.memory_space<hbm>>
      %dma_start3A_85 = arith.constant 40 : i32
      %dma_start3A_86 = arith.constant 0 : i32
      %dma_start3A_87 = tpu.memref_slice %arg3[%add3A, %dma_start3A_85, %dma_start3A_86] : memref<32x80x128xi32, #tpu.memory_space<hbm>> -> memref<1x40x128xi32, #tpu.memory_space<hbm>>
      %dma_start3A_88 = tpu.memref_squeeze %dma_start3A_87 : memref<1x40x128xi32, #tpu.memory_space<hbm>> -> memref<40x128xi32, #tpu.memory_space<hbm>>
      tpu.enqueue_dma source(%dma_start3A_88 : memref<40x128xi32, #tpu.memory_space<hbm>>) target(%arg7 : memref<40x128xi32, #tpu.memory_space<vmem>>) target_semaphore(%run_scoped3A : memref<!tpu.dma_semaphore, #tpu.memory_space<semaphore_mem>>)
      %dma_wait3A = arith.constant 40 : i32
      %dma_wait3A_89 = arith.constant 0 : i32
      %dma_wait3A_90 = tpu.memref_slice %arg3[%add3A, %dma_wait3A, %dma_wait3A_89] : memref<32x80x128xi32, #tpu.memory_space<hbm>> -> memref<1x40x128xi32, #tpu.memory_space<hbm>>
      %dma_wait3A_91 = tpu.memref_squeeze %dma_wait3A_90 : memref<1x40x128xi32, #tpu.memory_space<hbm>> -> memref<40x128xi32, #tpu.memory_space<hbm>>
      %dma_wait3A_92 = arith.constant 40 : i32
      %dma_wait3A_93 = arith.constant 0 : i32
      %dma_wait3A_94 = tpu.memref_slice %arg3[%add3A, %dma_wait3A_92, %dma_wait3A_93] : memref<32x80x128xi32, #tpu.memory_space<hbm>> -> memref<1x40x128xi32, #tpu.memory_space<hbm>>
      %dma_wait3A_95 = tpu.memref_squeeze %dma_wait3A_94 : memref<1x40x128xi32, #tpu.memory_space<hbm>> -> memref<40x128xi32, #tpu.memory_space<hbm>>
      tpu.wait_dma2 semaphore(%run_scoped3A : memref<!tpu.dma_semaphore, #tpu.memory_space<semaphore_mem>>) src(%dma_wait3A_95 : memref<40x128xi32, #tpu.memory_space<hbm>>) dst(%arg7 : memref<40x128xi32, #tpu.memory_space<vmem>>)
      tpu.yield
    }) : () -> ()
    "tpu.region"() ({
      %run_scoped3A = tpu.sem_alloc : memref<!tpu.dma_semaphore, #tpu.memory_space<semaphore_mem>>
      %dma_start3A_81 = arith.constant 40 : i32
      %dma_start3A_82 = arith.constant 0 : i32
      %dma_start3A_83 = tpu.memref_slice %arg4[%add3A, %dma_start3A_81, %dma_start3A_82] : memref<32x80x128xi32, #tpu.memory_space<hbm>> -> memref<1x40x128xi32, #tpu.memory_space<hbm>>
      %dma_start3A_84 = tpu.memref_squeeze %dma_start3A_83 : memref<1x40x128xi32, #tpu.memory_space<hbm>> -> memref<40x128xi32, #tpu.memory_space<hbm>>
      %dma_start3A_85 = arith.constant 40 : i32
      %dma_start3A_86 = arith.constant 0 : i32
      %dma_start3A_87 = tpu.memref_slice %arg4[%add3A, %dma_start3A_85, %dma_start3A_86] : memref<32x80x128xi32, #tpu.memory_space<hbm>> -> memref<1x40x128xi32, #tpu.memory_space<hbm>>
      %dma_start3A_88 = tpu.memref_squeeze %dma_start3A_87 : memref<1x40x128xi32, #tpu.memory_space<hbm>> -> memref<40x128xi32, #tpu.memory_space<hbm>>
      tpu.enqueue_dma source(%dma_start3A_88 : memref<40x128xi32, #tpu.memory_space<hbm>>) target(%arg8 : memref<40x128xi32, #tpu.memory_space<vmem>>) target_semaphore(%run_scoped3A : memref<!tpu.dma_semaphore, #tpu.memory_space<semaphore_mem>>)
      %dma_wait3A = arith.constant 40 : i32
      %dma_wait3A_89 = arith.constant 0 : i32
      %dma_wait3A_90 = tpu.memref_slice %arg4[%add3A, %dma_wait3A, %dma_wait3A_89] : memref<32x80x128xi32, #tpu.memory_space<hbm>> -> memref<1x40x128xi32, #tpu.memory_space<hbm>>
      %dma_wait3A_91 = tpu.memref_squeeze %dma_wait3A_90 : memref<1x40x128xi32, #tpu.memory_space<hbm>> -> memref<40x128xi32, #tpu.memory_space<hbm>>
      %dma_wait3A_92 = arith.constant 40 : i32
      %dma_wait3A_93 = arith.constant 0 : i32
      %dma_wait3A_94 = tpu.memref_slice %arg4[%add3A, %dma_wait3A_92, %dma_wait3A_93] : memref<32x80x128xi32, #tpu.memory_space<hbm>> -> memref<1x40x128xi32, #tpu.memory_space<hbm>>
      %dma_wait3A_95 = tpu.memref_squeeze %dma_wait3A_94 : memref<1x40x128xi32, #tpu.memory_space<hbm>> -> memref<40x128xi32, #tpu.memory_space<hbm>>
      tpu.wait_dma2 semaphore(%run_scoped3A : memref<!tpu.dma_semaphore, #tpu.memory_space<semaphore_mem>>) src(%dma_wait3A_95 : memref<40x128xi32, #tpu.memory_space<hbm>>) dst(%arg8 : memref<40x128xi32, #tpu.memory_space<vmem>>)
      tpu.yield
    }) : () -> ()
    %dma_start3A_40 = arith.constant 0 : i32
    %dma_start3A_41 = arith.constant 0 : i32
    %dma_start3A_42 = arith.constant 0 : i32
    %dma_start3A_43 = arith.constant 0 : i32
    %dma_start3A_44 = tpu.memref_slice %arg9[%dma_start3A_41, %dma_start3A_42, %dma_start3A_43] : memref<2x128x128xf32, #tpu.memory_space<vmem>> -> memref<1x128x128xf32, #tpu.memory_space<vmem>>
    %dma_start3A_45 = tpu.memref_squeeze %dma_start3A_44 : memref<1x128x128xf32, #tpu.memory_space<vmem>> -> memref<128x128xf32, #tpu.memory_space<vmem>>
    %dma_start3A_46 = arith.constant 0 : i32
    %dma_start3A_47 = tpu.memref_slice %arg7[%dma_start3A_40, %dma_start3A_46] : memref<40x128xi32, #tpu.memory_space<vmem>> -> memref<1x128xi32, #tpu.memory_space<vmem>>
    %dma_start3A_48 = tpu.memref_squeeze %dma_start3A_47 : memref<1x128xi32, #tpu.memory_space<vmem>> -> memref<128xi32, #tpu.memory_space<vmem>>
    %dma_start3A_49 = arith.constant 0 : i32
    %dma_start3A_50 = arith.constant 0 : i32
    %dma_start3A_51 = tpu.memref_slice %arg2[%dma_start3A_49, %dma_start3A_50] : memref<10000x128xf32, #tpu.memory_space<hbm>> -> memref<10000x128xf32, #tpu.memory_space<hbm>>
    tpu.enqueue_indirect_dma source(%dma_start3A_51 : memref<10000x128xf32, #tpu.memory_space<hbm>>) target(%dma_start3A_45 : memref<128x128xf32, #tpu.memory_space<vmem>>) offsets(%dma_start3A_48 : memref<128xi32, #tpu.memory_space<vmem>>) semaphore(%arg11 : memref<!tpu.dma_semaphore, #tpu.memory_space<semaphore_mem>>)
    %dma_start3A_52 = arith.constant 1 : i32
    %dma_start3A_53 = arith.constant 1 : i32
    %dma_start3A_54 = arith.constant 0 : i32
    %dma_start3A_55 = arith.constant 0 : i32
    %dma_start3A_56 = tpu.memref_slice %arg9[%dma_start3A_53, %dma_start3A_54, %dma_start3A_55] : memref<2x128x128xf32, #tpu.memory_space<vmem>> -> memref<1x128x128xf32, #tpu.memory_space<vmem>>
    %dma_start3A_57 = tpu.memref_squeeze %dma_start3A_56 : memref<1x128x128xf32, #tpu.memory_space<vmem>> -> memref<128x128xf32, #tpu.memory_space<vmem>>
    %dma_start3A_58 = arith.constant 0 : i32
    %dma_start3A_59 = tpu.memref_slice %arg7[%dma_start3A_52, %dma_start3A_58] : memref<40x128xi32, #tpu.memory_space<vmem>> -> memref<1x128xi32, #tpu.memory_space<vmem>>
    %dma_start3A_60 = tpu.memref_squeeze %dma_start3A_59 : memref<1x128xi32, #tpu.memory_space<vmem>> -> memref<128xi32, #tpu.memory_space<vmem>>
    %dma_start3A_61 = arith.constant 0 : i32
    %dma_start3A_62 = arith.constant 0 : i32
    %dma_start3A_63 = tpu.memref_slice %arg2[%dma_start3A_61, %dma_start3A_62] : memref<10000x128xf32, #tpu.memory_space<hbm>> -> memref<10000x128xf32, #tpu.memory_space<hbm>>
    tpu.enqueue_indirect_dma source(%dma_start3A_63 : memref<10000x128xf32, #tpu.memory_space<hbm>>) target(%dma_start3A_57 : memref<128x128xf32, #tpu.memory_space<vmem>>) offsets(%dma_start3A_60 : memref<128xi32, #tpu.memory_space<vmem>>) semaphore(%arg12 : memref<!tpu.dma_semaphore, #tpu.memory_space<semaphore_mem>>)
    %scan3A_64 = arith.constant 0 : i32
    %scan3A_65 = arith.constant 0 : i32
    %scan3A_66 = arith.constant 20 : i32
    %scan3A_67 = arith.addi %scan3A_65, %scan3A_66 : i32
    %scan3A_68 = arith.constant 1 : i32
    scf.for %scan3A_81 = %scan3A_65 to %scan3A_67 step %scan3A_68  : i32 {
      %mul3A_82 = arith.constant 2 : i32
      %mul3A_83 = arith.muli %scan3A_81, %mul3A_82 : i32
      %add3A_84 = arith.constant 0 : i32
      %add3A_85 = arith.addi %mul3A_83, %add3A_84 : i32
      %dma_wait3A = arith.constant 0 : i32
      %dma_wait3A_86 = arith.constant 0 : i32
      %dma_wait3A_87 = arith.constant 0 : i32
      %dma_wait3A_88 = tpu.memref_slice %arg9[%dma_wait3A, %dma_wait3A_86, %dma_wait3A_87] : memref<2x128x128xf32, #tpu.memory_space<vmem>> -> memref<1x128x128xf32, #tpu.memory_space<vmem>>
      %dma_wait3A_89 = tpu.memref_squeeze %dma_wait3A_88 : memref<1x128x128xf32, #tpu.memory_space<vmem>> -> memref<128x128xf32, #tpu.memory_space<vmem>>
      %dma_wait3A_90 = arith.constant 0 : i32
      %dma_wait3A_91 = tpu.memref_slice %arg7[%add3A_85, %dma_wait3A_90] : memref<40x128xi32, #tpu.memory_space<vmem>> -> memref<1x128xi32, #tpu.memory_space<vmem>>
      %dma_wait3A_92 = tpu.memref_squeeze %dma_wait3A_91 : memref<1x128xi32, #tpu.memory_space<vmem>> -> memref<128xi32, #tpu.memory_space<vmem>>
      %dma_wait3A_93 = arith.constant 0 : i32
      %dma_wait3A_94 = arith.constant 0 : i32
      %dma_wait3A_95 = tpu.memref_slice %arg2[%dma_wait3A_93, %dma_wait3A_94] : memref<10000x128xf32, #tpu.memory_space<hbm>> -> memref<10000x128xf32, #tpu.memory_space<hbm>>
      tpu.wait_indirect_dma semaphore(%arg11 : memref<!tpu.dma_semaphore, #tpu.memory_space<semaphore_mem>>) src(%dma_wait3A_95 : memref<10000x128xf32, #tpu.memory_space<hbm>>) dst(%dma_wait3A_89 : memref<128x128xf32, #tpu.memory_space<vmem>>)
      %run_scoped3A = arith.constant 0 : i32
      "tpu.region"() ({
        %run_scoped3A_126 = tpu.sem_alloc : memref<!tpu.dma_semaphore, #tpu.memory_space<semaphore_mem>>
        %dma_start3A_127 = arith.constant 0 : i32
        %dma_start3A_128 = arith.constant 0 : i32
        %dma_start3A_129 = tpu.memref_slice %arg9[%run_scoped3A, %dma_start3A_127, %dma_start3A_128] : memref<2x128x128xf32, #tpu.memory_space<vmem>> -> memref<1x128x128xf32, #tpu.memory_space<vmem>>
        %dma_start3A_130 = tpu.memref_squeeze %dma_start3A_129 : memref<1x128x128xf32, #tpu.memory_space<vmem>> -> memref<128x128xf32, #tpu.memory_space<vmem>>
        %dma_start3A_131 = arith.constant 0 : i32
        %dma_start3A_132 = tpu.memref_slice %arg8[%add3A_85, %dma_start3A_131] : memref<40x128xi32, #tpu.memory_space<vmem>> -> memref<1x128xi32, #tpu.memory_space<vmem>>
        %dma_start3A_133 = tpu.memref_squeeze %dma_start3A_132 : memref<1x128xi32, #tpu.memory_space<vmem>> -> memref<128xi32, #tpu.memory_space<vmem>>
        %dma_start3A_134 = arith.constant 0 : i32
        %dma_start3A_135 = arith.constant 0 : i32
        %dma_start3A_136 = tpu.memref_slice %arg10[%dma_start3A_134, %dma_start3A_135] : memref<10016x128xf32, #tpu.memory_space<vmem_shared>> -> memref<10016x128xf32, #tpu.memory_space<vmem_shared>>
        tpu.enqueue_indirect_dma source(%dma_start3A_130 : memref<128x128xf32, #tpu.memory_space<vmem>>) target(%dma_start3A_136 : memref<10016x128xf32, #tpu.memory_space<vmem_shared>>) offsets(%dma_start3A_133 : memref<128xi32, #tpu.memory_space<vmem>>) semaphore(%run_scoped3A_126 : memref<!tpu.dma_semaphore, #tpu.memory_space<semaphore_mem>>) {add = true}
        %dma_wait3A_137 = arith.constant 0 : i32
        %dma_wait3A_138 = arith.constant 0 : i32
        %dma_wait3A_139 = tpu.memref_slice %arg9[%run_scoped3A, %dma_wait3A_137, %dma_wait3A_138] : memref<2x128x128xf32, #tpu.memory_space<vmem>> -> memref<1x128x128xf32, #tpu.memory_space<vmem>>
        %dma_wait3A_140 = tpu.memref_squeeze %dma_wait3A_139 : memref<1x128x128xf32, #tpu.memory_space<vmem>> -> memref<128x128xf32, #tpu.memory_space<vmem>>
        %dma_wait3A_141 = arith.constant 0 : i32
        %dma_wait3A_142 = tpu.memref_slice %arg8[%add3A_85, %dma_wait3A_141] : memref<40x128xi32, #tpu.memory_space<vmem>> -> memref<1x128xi32, #tpu.memory_space<vmem>>
        %dma_wait3A_143 = tpu.memref_squeeze %dma_wait3A_142 : memref<1x128xi32, #tpu.memory_space<vmem>> -> memref<128xi32, #tpu.memory_space<vmem>>
        %dma_wait3A_144 = arith.constant 0 : i32
        %dma_wait3A_145 = arith.constant 0 : i32
        %dma_wait3A_146 = tpu.memref_slice %arg10[%dma_wait3A_144, %dma_wait3A_145] : memref<10016x128xf32, #tpu.memory_space<vmem_shared>> -> memref<10016x128xf32, #tpu.memory_space<vmem_shared>>
        tpu.wait_indirect_dma semaphore(%run_scoped3A_126 : memref<!tpu.dma_semaphore, #tpu.memory_space<semaphore_mem>>) src(%dma_wait3A_140 : memref<128x128xf32, #tpu.memory_space<vmem>>) dst(%dma_wait3A_146 : memref<10016x128xf32, #tpu.memory_space<vmem_shared>>)
        tpu.yield
      }) : () -> ()
      %add3A_96 = arith.constant 2 : i32
      %add3A_97 = arith.addi %add3A_85, %add3A_96 : i32
      %lt3A_98 = arith.constant 40 : i32
      %lt3A_99 = arith.cmpi slt, %add3A_97, %lt3A_98 : i32
      %convert_element_type3A_100 = arith.extui %lt3A_99 : i1 to i32
      %cond3A_101 = arith.constant 0 : i32
      %cond3A_102 = arith.cmpi ne, %convert_element_type3A_100, %cond3A_101 : i32
      scf.if %cond3A_102 {
        %add3A_126 = arith.constant 2 : i32
        %add3A_127 = arith.addi %add3A_85, %add3A_126 : i32
        %dma_start3A_128 = arith.constant 0 : i32
        %dma_start3A_129 = arith.constant 0 : i32
        %dma_start3A_130 = arith.constant 0 : i32
        %dma_start3A_131 = tpu.memref_slice %arg9[%dma_start3A_128, %dma_start3A_129, %dma_start3A_130] : memref<2x128x128xf32, #tpu.memory_space<vmem>> -> memref<1x128x128xf32, #tpu.memory_space<vmem>>
        %dma_start3A_132 = tpu.memref_squeeze %dma_start3A_131 : memref<1x128x128xf32, #tpu.memory_space<vmem>> -> memref<128x128xf32, #tpu.memory_space<vmem>>
        %dma_start3A_133 = arith.constant 0 : i32
        %dma_start3A_134 = tpu.memref_slice %arg7[%add3A_127, %dma_start3A_133] : memref<40x128xi32, #tpu.memory_space<vmem>> -> memref<1x128xi32, #tpu.memory_space<vmem>>
        %dma_start3A_135 = tpu.memref_squeeze %dma_start3A_134 : memref<1x128xi32, #tpu.memory_space<vmem>> -> memref<128xi32, #tpu.memory_space<vmem>>
        %dma_start3A_136 = arith.constant 0 : i32
        %dma_start3A_137 = arith.constant 0 : i32
        %dma_start3A_138 = tpu.memref_slice %arg2[%dma_start3A_136, %dma_start3A_137] : memref<10000x128xf32, #tpu.memory_space<hbm>> -> memref<10000x128xf32, #tpu.memory_space<hbm>>
        tpu.enqueue_indirect_dma source(%dma_start3A_138 : memref<10000x128xf32, #tpu.memory_space<hbm>>) target(%dma_start3A_132 : memref<128x128xf32, #tpu.memory_space<vmem>>) offsets(%dma_start3A_135 : memref<128xi32, #tpu.memory_space<vmem>>) semaphore(%arg11 : memref<!tpu.dma_semaphore, #tpu.memory_space<semaphore_mem>>)
      } else {
      }
      %mul3A_103 = arith.constant 2 : i32
      %mul3A_104 = arith.muli %scan3A_81, %mul3A_103 : i32
      %add3A_105 = arith.constant 1 : i32
      %add3A_106 = arith.addi %mul3A_104, %add3A_105 : i32
      %dma_wait3A_107 = arith.constant 1 : i32
      %dma_wait3A_108 = arith.constant 0 : i32
      %dma_wait3A_109 = arith.constant 0 : i32
      %dma_wait3A_110 = tpu.memref_slice %arg9[%dma_wait3A_107, %dma_wait3A_108, %dma_wait3A_109] : memref<2x128x128xf32, #tpu.memory_space<vmem>> -> memref<1x128x128xf32, #tpu.memory_space<vmem>>
      %dma_wait3A_111 = tpu.memref_squeeze %dma_wait3A_110 : memref<1x128x128xf32, #tpu.memory_space<vmem>> -> memref<128x128xf32, #tpu.memory_space<vmem>>
      %dma_wait3A_112 = arith.constant 0 : i32
      %dma_wait3A_113 = tpu.memref_slice %arg7[%add3A_106, %dma_wait3A_112] : memref<40x128xi32, #tpu.memory_space<vmem>> -> memref<1x128xi32, #tpu.memory_space<vmem>>
      %dma_wait3A_114 = tpu.memref_squeeze %dma_wait3A_113 : memref<1x128xi32, #tpu.memory_space<vmem>> -> memref<128xi32, #tpu.memory_space<vmem>>
      %dma_wait3A_115 = arith.constant 0 : i32
      %dma_wait3A_116 = arith.constant 0 : i32
      %dma_wait3A_117 = tpu.memref_slice %arg2[%dma_wait3A_115, %dma_wait3A_116] : memref<10000x128xf32, #tpu.memory_space<hbm>> -> memref<10000x128xf32, #tpu.memory_space<hbm>>
      tpu.wait_indirect_dma semaphore(%arg12 : memref<!tpu.dma_semaphore, #tpu.memory_space<semaphore_mem>>) src(%dma_wait3A_117 : memref<10000x128xf32, #tpu.memory_space<hbm>>) dst(%dma_wait3A_111 : memref<128x128xf32, #tpu.memory_space<vmem>>)
      %run_scoped3A_118 = arith.constant 1 : i32
      "tpu.region"() ({
        %run_scoped3A_126 = tpu.sem_alloc : memref<!tpu.dma_semaphore, #tpu.memory_space<semaphore_mem>>
        %dma_start3A_127 = arith.constant 0 : i32
        %dma_start3A_128 = arith.constant 0 : i32
        %dma_start3A_129 = tpu.memref_slice %arg9[%run_scoped3A_118, %dma_start3A_127, %dma_start3A_128] : memref<2x128x128xf32, #tpu.memory_space<vmem>> -> memref<1x128x128xf32, #tpu.memory_space<vmem>>
        %dma_start3A_130 = tpu.memref_squeeze %dma_start3A_129 : memref<1x128x128xf32, #tpu.memory_space<vmem>> -> memref<128x128xf32, #tpu.memory_space<vmem>>
        %dma_start3A_131 = arith.constant 0 : i32
        %dma_start3A_132 = tpu.memref_slice %arg8[%add3A_106, %dma_start3A_131] : memref<40x128xi32, #tpu.memory_space<vmem>> -> memref<1x128xi32, #tpu.memory_space<vmem>>
        %dma_start3A_133 = tpu.memref_squeeze %dma_start3A_132 : memref<1x128xi32, #tpu.memory_space<vmem>> -> memref<128xi32, #tpu.memory_space<vmem>>
        %dma_start3A_134 = arith.constant 0 : i32
        %dma_start3A_135 = arith.constant 0 : i32
        %dma_start3A_136 = tpu.memref_slice %arg10[%dma_start3A_134, %dma_start3A_135] : memref<10016x128xf32, #tpu.memory_space<vmem_shared>> -> memref<10016x128xf32, #tpu.memory_space<vmem_shared>>
        tpu.enqueue_indirect_dma source(%dma_start3A_130 : memref<128x128xf32, #tpu.memory_space<vmem>>) target(%dma_start3A_136 : memref<10016x128xf32, #tpu.memory_space<vmem_shared>>) offsets(%dma_start3A_133 : memref<128xi32, #tpu.memory_space<vmem>>) semaphore(%run_scoped3A_126 : memref<!tpu.dma_semaphore, #tpu.memory_space<semaphore_mem>>) {add = true}
        %dma_wait3A_137 = arith.constant 0 : i32
        %dma_wait3A_138 = arith.constant 0 : i32
        %dma_wait3A_139 = tpu.memref_slice %arg9[%run_scoped3A_118, %dma_wait3A_137, %dma_wait3A_138] : memref<2x128x128xf32, #tpu.memory_space<vmem>> -> memref<1x128x128xf32, #tpu.memory_space<vmem>>
        %dma_wait3A_140 = tpu.memref_squeeze %dma_wait3A_139 : memref<1x128x128xf32, #tpu.memory_space<vmem>> -> memref<128x128xf32, #tpu.memory_space<vmem>>
        %dma_wait3A_141 = arith.constant 0 : i32
        %dma_wait3A_142 = tpu.memref_slice %arg8[%add3A_106, %dma_wait3A_141] : memref<40x128xi32, #tpu.memory_space<vmem>> -> memref<1x128xi32, #tpu.memory_space<vmem>>
        %dma_wait3A_143 = tpu.memref_squeeze %dma_wait3A_142 : memref<1x128xi32, #tpu.memory_space<vmem>> -> memref<128xi32, #tpu.memory_space<vmem>>
        %dma_wait3A_144 = arith.constant 0 : i32
        %dma_wait3A_145 = arith.constant 0 : i32
        %dma_wait3A_146 = tpu.memref_slice %arg10[%dma_wait3A_144, %dma_wait3A_145] : memref<10016x128xf32, #tpu.memory_space<vmem_shared>> -> memref<10016x128xf32, #tpu.memory_space<vmem_shared>>
        tpu.wait_indirect_dma semaphore(%run_scoped3A_126 : memref<!tpu.dma_semaphore, #tpu.memory_space<semaphore_mem>>) src(%dma_wait3A_140 : memref<128x128xf32, #tpu.memory_space<vmem>>) dst(%dma_wait3A_146 : memref<10016x128xf32, #tpu.memory_space<vmem_shared>>)
        tpu.yield
      }) : () -> ()
      %add3A_119 = arith.constant 2 : i32
      %add3A_120 = arith.addi %add3A_106, %add3A_119 : i32
      %lt3A_121 = arith.constant 40 : i32
      %lt3A_122 = arith.cmpi slt, %add3A_120, %lt3A_121 : i32
      %convert_element_type3A_123 = arith.extui %lt3A_122 : i1 to i32
      %cond3A_124 = arith.constant 0 : i32
      %cond3A_125 = arith.cmpi ne, %convert_element_type3A_123, %cond3A_124 : i32
      scf.if %cond3A_125 {
        %add3A_126 = arith.constant 2 : i32
        %add3A_127 = arith.addi %add3A_106, %add3A_126 : i32
        %dma_start3A_128 = arith.constant 1 : i32
        %dma_start3A_129 = arith.constant 0 : i32
        %dma_start3A_130 = arith.constant 0 : i32
        %dma_start3A_131 = tpu.memref_slice %arg9[%dma_start3A_128, %dma_start3A_129, %dma_start3A_130] : memref<2x128x128xf32, #tpu.memory_space<vmem>> -> memref<1x128x128xf32, #tpu.memory_space<vmem>>
        %dma_start3A_132 = tpu.memref_squeeze %dma_start3A_131 : memref<1x128x128xf32, #tpu.memory_space<vmem>> -> memref<128x128xf32, #tpu.memory_space<vmem>>
        %dma_start3A_133 = arith.constant 0 : i32
        %dma_start3A_134 = tpu.memref_slice %arg7[%add3A_127, %dma_start3A_133] : memref<40x128xi32, #tpu.memory_space<vmem>> -> memref<1x128xi32, #tpu.memory_space<vmem>>
        %dma_start3A_135 = tpu.memref_squeeze %dma_start3A_134 : memref<1x128xi32, #tpu.memory_space<vmem>> -> memref<128xi32, #tpu.memory_space<vmem>>
        %dma_start3A_136 = arith.constant 0 : i32
        %dma_start3A_137 = arith.constant 0 : i32
        %dma_start3A_138 = tpu.memref_slice %arg2[%dma_start3A_136, %dma_start3A_137] : memref<10000x128xf32, #tpu.memory_space<hbm>> -> memref<10000x128xf32, #tpu.memory_space<hbm>>
        tpu.enqueue_indirect_dma source(%dma_start3A_138 : memref<10000x128xf32, #tpu.memory_space<hbm>>) target(%dma_start3A_132 : memref<128x128xf32, #tpu.memory_space<vmem>>) offsets(%dma_start3A_135 : memref<128xi32, #tpu.memory_space<vmem>>) semaphore(%arg12 : memref<!tpu.dma_semaphore, #tpu.memory_space<semaphore_mem>>)
      } else {
      }
    }
    %scan3A_69 = arith.constant 20 : i32
    %barrier3A_70 = arith.constant 0 : index
    tpu.barrier barrier_id(%barrier3A_70)
    %lt3A_71 = arith.constant 15 : i32
    %lt3A_72 = arith.cmpi slt, %arg1, %lt3A_71 : i32
    %convert_element_type3A_73 = arith.extui %lt3A_72 : i1 to i32
    %cond3A_74 = arith.constant 0 : i32
    %cond3A_75 = arith.cmpi ne, %convert_element_type3A_73, %cond3A_74 : i32
    scf.if %cond3A_75 {
      "tpu.region"() ({
        %run_scoped3A = tpu.sem_alloc : memref<!tpu.dma_semaphore, #tpu.memory_space<semaphore_mem>>
        %dma_start3A_81 = arith.constant 0 : i32
        %dma_start3A_82 = tpu.memref_slice %arg6[%arg0, %multiple_of3A_5, %dma_start3A_81] : memref<2x10000x128xf32, #tpu.memory_space<hbm>> -> memref<1x632x128xf32, #tpu.memory_space<hbm>>
        %dma_start3A_83 = tpu.memref_squeeze %dma_start3A_82 : memref<1x632x128xf32, #tpu.memory_space<hbm>> -> memref<632x128xf32, #tpu.memory_space<hbm>>
        %dma_start3A_84 = arith.constant 0 : i32
        %dma_start3A_85 = tpu.memref_slice %arg10[%multiple_of3A_5, %dma_start3A_84] : memref<10016x128xf32, #tpu.memory_space<vmem_shared>> -> memref<632x128xf32, #tpu.memory_space<vmem_shared>>
        tpu.enqueue_dma source(%dma_start3A_85 : memref<632x128xf32, #tpu.memory_space<vmem_shared>>) target(%dma_start3A_83 : memref<632x128xf32, #tpu.memory_space<hbm>>) target_semaphore(%run_scoped3A : memref<!tpu.dma_semaphore, #tpu.memory_space<semaphore_mem>>)
        %dma_wait3A = arith.constant 0 : i32
        %dma_wait3A_86 = tpu.memref_slice %arg6[%arg0, %multiple_of3A_5, %dma_wait3A] : memref<2x10000x128xf32, #tpu.memory_space<hbm>> -> memref<1x632x128xf32, #tpu.memory_space<hbm>>
        %dma_wait3A_87 = tpu.memref_squeeze %dma_wait3A_86 : memref<1x632x128xf32, #tpu.memory_space<hbm>> -> memref<632x128xf32, #tpu.memory_space<hbm>>
        %dma_wait3A_88 = arith.constant 0 : i32
        %dma_wait3A_89 = tpu.memref_slice %arg10[%multiple_of3A_5, %dma_wait3A_88] : memref<10016x128xf32, #tpu.memory_space<vmem_shared>> -> memref<632x128xf32, #tpu.memory_space<vmem_shared>>
        tpu.wait_dma2 semaphore(%run_scoped3A : memref<!tpu.dma_semaphore, #tpu.memory_space<semaphore_mem>>) src(%dma_wait3A_89 : memref<632x128xf32, #tpu.memory_space<vmem_shared>>) dst(%dma_wait3A_87 : memref<632x128xf32, #tpu.memory_space<hbm>>)
        tpu.yield
      }) : () -> ()
    } else {
    }
    %eq3A_76 = arith.constant 15 : i32
    %eq3A_77 = arith.cmpi eq, %arg1, %eq3A_76 : i32
    %convert_element_type3A_78 = arith.extui %eq3A_77 : i1 to i32
    %cond3A_79 = arith.constant 0 : i32
    %cond3A_80 = arith.cmpi ne, %convert_element_type3A_78, %cond3A_79 : i32
    scf.if %cond3A_80 {
      "tpu.region"() ({
        %run_scoped3A = tpu.sem_alloc : memref<!tpu.dma_semaphore, #tpu.memory_space<semaphore_mem>>
        %dma_start3A_81 = arith.constant 9480 : i32
        %dma_start3A_82 = arith.constant 0 : i32
        %dma_start3A_83 = tpu.memref_slice %arg6[%arg0, %dma_start3A_81, %dma_start3A_82] : memref<2x10000x128xf32, #tpu.memory_space<hbm>> -> memref<1x520x128xf32, #tpu.memory_space<hbm>>
        %dma_start3A_84 = tpu.memref_squeeze %dma_start3A_83 : memref<1x520x128xf32, #tpu.memory_space<hbm>> -> memref<520x128xf32, #tpu.memory_space<hbm>>
        %dma_start3A_85 = arith.constant 9480 : i32
        %dma_start3A_86 = arith.constant 0 : i32
        %dma_start3A_87 = tpu.memref_slice %arg10[%dma_start3A_85, %dma_start3A_86] : memref<10016x128xf32, #tpu.memory_space<vmem_shared>> -> memref<520x128xf32, #tpu.memory_space<vmem_shared>>
        tpu.enqueue_dma source(%dma_start3A_87 : memref<520x128xf32, #tpu.memory_space<vmem_shared>>) target(%dma_start3A_84 : memref<520x128xf32, #tpu.memory_space<hbm>>) target_semaphore(%run_scoped3A : memref<!tpu.dma_semaphore, #tpu.memory_space<semaphore_mem>>)
        %dma_wait3A = arith.constant 9480 : i32
        %dma_wait3A_88 = arith.constant 0 : i32
        %dma_wait3A_89 = tpu.memref_slice %arg6[%arg0, %dma_wait3A, %dma_wait3A_88] : memref<2x10000x128xf32, #tpu.memory_space<hbm>> -> memref<1x520x128xf32, #tpu.memory_space<hbm>>
        %dma_wait3A_90 = tpu.memref_squeeze %dma_wait3A_89 : memref<1x520x128xf32, #tpu.memory_space<hbm>> -> memref<520x128xf32, #tpu.memory_space<hbm>>
        %dma_wait3A_91 = arith.constant 9480 : i32
        %dma_wait3A_92 = arith.constant 0 : i32
        %dma_wait3A_93 = tpu.memref_slice %arg10[%dma_wait3A_91, %dma_wait3A_92] : memref<10016x128xf32, #tpu.memory_space<vmem_shared>> -> memref<520x128xf32, #tpu.memory_space<vmem_shared>>
        tpu.wait_dma2 semaphore(%run_scoped3A : memref<!tpu.dma_semaphore, #tpu.memory_space<semaphore_mem>>) src(%dma_wait3A_93 : memref<520x128xf32, #tpu.memory_space<vmem_shared>>) dst(%dma_wait3A_90 : memref<520x128xf32, #tpu.memory_space<hbm>>)
        tpu.yield
      }) : () -> ()
    } else {
    }
    return
  }
}

#map = affine_map<(d0, d1) -> (0, 0)>
#map1 = affine_map<(d0, d1) -> (0, 0, 0)>
module attributes {stable_mosaic.version = 14 : i64} {
  func.func @sc_scatter(%arg0: i32, %arg1: i32, %arg2: memref<10000x128xf32, #tpu.memory_space<hbm>>, %arg3: memref<32x80x128xi32, #tpu.memory_space<hbm>>, %arg4: memref<32x80x128xi32, #tpu.memory_space<hbm>>, %arg5: memref<632x128xf32, #tpu.memory_space<hbm>>, %arg6: memref<2x10000x128xf32, #tpu.memory_space<hbm>>, %arg7: memref<40x128xi32, #tpu.memory_space<vmem>>, %arg8: memref<40x128xi32, #tpu.memory_space<vmem>>, %arg9: memref<2x128x128xf32, #tpu.memory_space<vmem>>, %arg10: memref<10016x128xf32, #tpu.memory_space<vmem_shared>>, %arg11: memref<!tpu.dma_semaphore, #tpu.memory_space<semaphore_mem>>, %arg12: memref<!tpu.dma_semaphore, #tpu.memory_space<semaphore_mem>>) attributes {dimension_semantics = [#tpu.dimension_semantics<core_parallel>, #tpu.dimension_semantics<subcore_parallel>], iteration_bounds = array<i64: 2, 16>, scalar_prefetch = 0 : i64, scratch_operands = 6 : i64, tpu.core_type = #tpu.core_type<sc_vector_subcore>, window_params = [{transform_indices = #map}, {transform_indices = #map1}, {transform_indices = #map1}, {transform_indices = #map}, {transform_indices = #map1}]} {
    %mul3A = arith.constant 16 : i32
    %mul3A_0 = arith.muli %arg0, %mul3A : i32
    %add3A = arith.addi %mul3A_0, %arg1 : i32
    %mul3A_1 = arith.constant 632 : i32
    %mul3A_2 = arith.muli %arg1, %mul3A_1 : i32
    %multiple_of3A = tpu.assume_multiple %mul3A_2, 8 : i32
    %mul3A_3 = arith.constant 632 : i32
    %mul3A_4 = arith.muli %arg1, %mul3A_3 : i32
    %multiple_of3A_5 = tpu.assume_multiple %mul3A_4, 8 : i32
    %lt3A = arith.constant 15 : i32
    %lt3A_6 = arith.cmpi slt, %arg1, %lt3A : i32
    %convert_element_type3A = arith.extui %lt3A_6 : i1 to i32
    %cond3A = arith.constant 0 : i32
    %cond3A_7 = arith.cmpi ne, %convert_element_type3A, %cond3A : i32
    scf.if %cond3A_7 {
      "tpu.region"() ({
        %run_scoped3A = tpu.sem_alloc : memref<!tpu.dma_semaphore, #tpu.memory_space<semaphore_mem>>
        %dma_start3A_81 = arith.constant 0 : i32
        %dma_start3A_82 = tpu.memref_slice %arg10[%multiple_of3A, %dma_start3A_81] : memref<10016x128xf32, #tpu.memory_space<vmem_shared>> -> memref<632x128xf32, #tpu.memory_space<vmem_shared>>
        tpu.enqueue_dma source(%arg5 : memref<632x128xf32, #tpu.memory_space<hbm>>) target(%dma_start3A_82 : memref<632x128xf32, #tpu.memory_space<vmem_shared>>) target_semaphore(%run_scoped3A : memref<!tpu.dma_semaphore, #tpu.memory_space<semaphore_mem>>)
        %dma_wait3A = arith.constant 0 : i32
        %dma_wait3A_83 = tpu.memref_slice %arg10[%multiple_of3A, %dma_wait3A] : memref<10016x128xf32, #tpu.memory_space<vmem_shared>> -> memref<632x128xf32, #tpu.memory_space<vmem_shared>>
        tpu.wait_dma2 semaphore(%run_scoped3A : memref<!tpu.dma_semaphore, #tpu.memory_space<semaphore_mem>>) src(%arg5 : memref<632x128xf32, #tpu.memory_space<hbm>>) dst(%dma_wait3A_83 : memref<632x128xf32, #tpu.memory_space<vmem_shared>>)
        tpu.yield
      }) : () -> ()
    } else {
    }
    %eq3A = arith.constant 15 : i32
    %eq3A_8 = arith.cmpi eq, %arg1, %eq3A : i32
    %convert_element_type3A_9 = arith.extui %eq3A_8 : i1 to i32
    %cond3A_10 = arith.constant 0 : i32
    %cond3A_11 = arith.cmpi ne, %convert_element_type3A_9, %cond3A_10 : i32
    scf.if %cond3A_11 {
      "tpu.region"() ({
        %run_scoped3A = tpu.sem_alloc : memref<!tpu.dma_semaphore, #tpu.memory_space<semaphore_mem>>
        %dma_start3A_81 = arith.constant 9480 : i32
        %dma_start3A_82 = arith.constant 0 : i32
        %dma_start3A_83 = tpu.memref_slice %arg10[%dma_start3A_81, %dma_start3A_82] : memref<10016x128xf32, #tpu.memory_space<vmem_shared>> -> memref<536x128xf32, #tpu.memory_space<vmem_shared>>
        %dma_start3A_84 = arith.constant 0 : i32
        %dma_start3A_85 = arith.constant 0 : i32
        %dma_start3A_86 = tpu.memref_slice %arg5[%dma_start3A_84, %dma_start3A_85] : memref<632x128xf32, #tpu.memory_space<hbm>> -> memref<536x128xf32, #tpu.memory_space<hbm>>
        tpu.enqueue_dma source(%dma_start3A_86 : memref<536x128xf32, #tpu.memory_space<hbm>>) target(%dma_start3A_83 : memref<536x128xf32, #tpu.memory_space<vmem_shared>>) target_semaphore(%run_scoped3A : memref<!tpu.dma_semaphore, #tpu.memory_space<semaphore_mem>>)
        %dma_wait3A = arith.constant 9480 : i32
        %dma_wait3A_87 = arith.constant 0 : i32
        %dma_wait3A_88 = tpu.memref_slice %arg10[%dma_wait3A, %dma_wait3A_87] : memref<10016x128xf32, #tpu.memory_space<vmem_shared>> -> memref<536x128xf32, #tpu.memory_space<vmem_shared>>
        %dma_wait3A_89 = arith.constant 0 : i32
        %dma_wait3A_90 = arith.constant 0 : i32
        %dma_wait3A_91 = tpu.memref_slice %arg5[%dma_wait3A_89, %dma_wait3A_90] : memref<632x128xf32, #tpu.memory_space<hbm>> -> memref<536x128xf32, #tpu.memory_space<hbm>>
        tpu.wait_dma2 semaphore(%run_scoped3A : memref<!tpu.dma_semaphore, #tpu.memory_space<semaphore_mem>>) src(%dma_wait3A_91 : memref<536x128xf32, #tpu.memory_space<hbm>>) dst(%dma_wait3A_88 : memref<536x128xf32, #tpu.memory_space<vmem_shared>>)
        tpu.yield
      }) : () -> ()
    } else {
    }
    "tpu.region"() ({
      %run_scoped3A = tpu.sem_alloc : memref<!tpu.dma_semaphore, #tpu.memory_space<semaphore_mem>>
      %dma_start3A_81 = arith.constant 0 : i32
      %dma_start3A_82 = arith.constant 0 : i32
      %dma_start3A_83 = tpu.memref_slice %arg3[%add3A, %dma_start3A_81, %dma_start3A_82] : memref<32x80x128xi32, #tpu.memory_space<hbm>> -> memref<1x40x128xi32, #tpu.memory_space<hbm>>
      %dma_start3A_84 = tpu.memref_squeeze %dma_start3A_83 : memref<1x40x128xi32, #tpu.memory_space<hbm>> -> memref<40x128xi32, #tpu.memory_space<hbm>>
      %dma_start3A_85 = arith.constant 0 : i32
      %dma_start3A_86 = arith.constant 0 : i32
      %dma_start3A_87 = tpu.memref_slice %arg3[%add3A, %dma_start3A_85, %dma_start3A_86] : memref<32x80x128xi32, #tpu.memory_space<hbm>> -> memref<1x40x128xi32, #tpu.memory_space<hbm>>
      %dma_start3A_88 = tpu.memref_squeeze %dma_start3A_87 : memref<1x40x128xi32, #tpu.memory_space<hbm>> -> memref<40x128xi32, #tpu.memory_space<hbm>>
      tpu.enqueue_dma source(%dma_start3A_88 : memref<40x128xi32, #tpu.memory_space<hbm>>) target(%arg7 : memref<40x128xi32, #tpu.memory_space<vmem>>) target_semaphore(%run_scoped3A : memref<!tpu.dma_semaphore, #tpu.memory_space<semaphore_mem>>)
      %dma_wait3A = arith.constant 0 : i32
      %dma_wait3A_89 = arith.constant 0 : i32
      %dma_wait3A_90 = tpu.memref_slice %arg3[%add3A, %dma_wait3A, %dma_wait3A_89] : memref<32x80x128xi32, #tpu.memory_space<hbm>> -> memref<1x40x128xi32, #tpu.memory_space<hbm>>
      %dma_wait3A_91 = tpu.memref_squeeze %dma_wait3A_90 : memref<1x40x128xi32, #tpu.memory_space<hbm>> -> memref<40x128xi32, #tpu.memory_space<hbm>>
      %dma_wait3A_92 = arith.constant 0 : i32
      %dma_wait3A_93 = arith.constant 0 : i32
      %dma_wait3A_94 = tpu.memref_slice %arg3[%add3A, %dma_wait3A_92, %dma_wait3A_93] : memref<32x80x128xi32, #tpu.memory_space<hbm>> -> memref<1x40x128xi32, #tpu.memory_space<hbm>>
      %dma_wait3A_95 = tpu.memref_squeeze %dma_wait3A_94 : memref<1x40x128xi32, #tpu.memory_space<hbm>> -> memref<40x128xi32, #tpu.memory_space<hbm>>
      tpu.wait_dma2 semaphore(%run_scoped3A : memref<!tpu.dma_semaphore, #tpu.memory_space<semaphore_mem>>) src(%dma_wait3A_95 : memref<40x128xi32, #tpu.memory_space<hbm>>) dst(%arg7 : memref<40x128xi32, #tpu.memory_space<vmem>>)
      tpu.yield
    }) : () -> ()
    "tpu.region"() ({
      %run_scoped3A = tpu.sem_alloc : memref<!tpu.dma_semaphore, #tpu.memory_space<semaphore_mem>>
      %dma_start3A_81 = arith.constant 0 : i32
      %dma_start3A_82 = arith.constant 0 : i32
      %dma_start3A_83 = tpu.memref_slice %arg4[%add3A, %dma_start3A_81, %dma_start3A_82] : memref<32x80x128xi32, #tpu.memory_space<hbm>> -> memref<1x40x128xi32, #tpu.memory_space<hbm>>
      %dma_start3A_84 = tpu.memref_squeeze %dma_start3A_83 : memref<1x40x128xi32, #tpu.memory_space<hbm>> -> memref<40x128xi32, #tpu.memory_space<hbm>>
      %dma_start3A_85 = arith.constant 0 : i32
      %dma_start3A_86 = arith.constant 0 : i32
      %dma_start3A_87 = tpu.memref_slice %arg4[%add3A, %dma_start3A_85, %dma_start3A_86] : memref<32x80x128xi32, #tpu.memory_space<hbm>> -> memref<1x40x128xi32, #tpu.memory_space<hbm>>
      %dma_start3A_88 = tpu.memref_squeeze %dma_start3A_87 : memref<1x40x128xi32, #tpu.memory_space<hbm>> -> memref<40x128xi32, #tpu.memory_space<hbm>>
      tpu.enqueue_dma source(%dma_start3A_88 : memref<40x128xi32, #tpu.memory_space<hbm>>) target(%arg8 : memref<40x128xi32, #tpu.memory_space<vmem>>) target_semaphore(%run_scoped3A : memref<!tpu.dma_semaphore, #tpu.memory_space<semaphore_mem>>)
      %dma_wait3A = arith.constant 0 : i32
      %dma_wait3A_89 = arith.constant 0 : i32
      %dma_wait3A_90 = tpu.memref_slice %arg4[%add3A, %dma_wait3A, %dma_wait3A_89] : memref<32x80x128xi32, #tpu.memory_space<hbm>> -> memref<1x40x128xi32, #tpu.memory_space<hbm>>
      %dma_wait3A_91 = tpu.memref_squeeze %dma_wait3A_90 : memref<1x40x128xi32, #tpu.memory_space<hbm>> -> memref<40x128xi32, #tpu.memory_space<hbm>>
      %dma_wait3A_92 = arith.constant 0 : i32
      %dma_wait3A_93 = arith.constant 0 : i32
      %dma_wait3A_94 = tpu.memref_slice %arg4[%add3A, %dma_wait3A_92, %dma_wait3A_93] : memref<32x80x128xi32, #tpu.memory_space<hbm>> -> memref<1x40x128xi32, #tpu.memory_space<hbm>>
      %dma_wait3A_95 = tpu.memref_squeeze %dma_wait3A_94 : memref<1x40x128xi32, #tpu.memory_space<hbm>> -> memref<40x128xi32, #tpu.memory_space<hbm>>
      tpu.wait_dma2 semaphore(%run_scoped3A : memref<!tpu.dma_semaphore, #tpu.memory_space<semaphore_mem>>) src(%dma_wait3A_95 : memref<40x128xi32, #tpu.memory_space<hbm>>) dst(%arg8 : memref<40x128xi32, #tpu.memory_space<vmem>>)
      tpu.yield
    }) : () -> ()
    %dma_start3A = arith.constant 0 : i32
    %dma_start3A_12 = arith.constant 0 : i32
    %dma_start3A_13 = arith.constant 0 : i32
    %dma_start3A_14 = arith.constant 0 : i32
    %dma_start3A_15 = tpu.memref_slice %arg9[%dma_start3A_12, %dma_start3A_13, %dma_start3A_14] : memref<2x128x128xf32, #tpu.memory_space<vmem>> -> memref<1x128x128xf32, #tpu.memory_space<vmem>>
    %dma_start3A_16 = tpu.memref_squeeze %dma_start3A_15 : memref<1x128x128xf32, #tpu.memory_space<vmem>> -> memref<128x128xf32, #tpu.memory_space<vmem>>
    %dma_start3A_17 = arith.constant 0 : i32
    %dma_start3A_18 = tpu.memref_slice %arg7[%dma_start3A, %dma_start3A_17] : memref<40x128xi32, #tpu.memory_space<vmem>> -> memref<1x128xi32, #tpu.memory_space<vmem>>
    %dma_start3A_19 = tpu.memref_squeeze %dma_start3A_18 : memref<1x128xi32, #tpu.memory_space<vmem>> -> memref<128xi32, #tpu.memory_space<vmem>>
    %dma_start3A_20 = arith.constant 0 : i32
    %dma_start3A_21 = arith.constant 0 : i32
    %dma_start3A_22 = tpu.memref_slice %arg2[%dma_start3A_20, %dma_start3A_21] : memref<10000x128xf32, #tpu.memory_space<hbm>> -> memref<10000x128xf32, #tpu.memory_space<hbm>>
    tpu.enqueue_indirect_dma source(%dma_start3A_22 : memref<10000x128xf32, #tpu.memory_space<hbm>>) target(%dma_start3A_16 : memref<128x128xf32, #tpu.memory_space<vmem>>) offsets(%dma_start3A_19 : memref<128xi32, #tpu.memory_space<vmem>>) semaphore(%arg11 : memref<!tpu.dma_semaphore, #tpu.memory_space<semaphore_mem>>)
    %dma_start3A_23 = arith.constant 1 : i32
    %dma_start3A_24 = arith.constant 1 : i32
    %dma_start3A_25 = arith.constant 0 : i32
    %dma_start3A_26 = arith.constant 0 : i32
    %dma_start3A_27 = tpu.memref_slice %arg9[%dma_start3A_24, %dma_start3A_25, %dma_start3A_26] : memref<2x128x128xf32, #tpu.memory_space<vmem>> -> memref<1x128x128xf32, #tpu.memory_space<vmem>>
    %dma_start3A_28 = tpu.memref_squeeze %dma_start3A_27 : memref<1x128x128xf32, #tpu.memory_space<vmem>> -> memref<128x128xf32, #tpu.memory_space<vmem>>
    %dma_start3A_29 = arith.constant 0 : i32
    %dma_start3A_30 = tpu.memref_slice %arg7[%dma_start3A_23, %dma_start3A_29] : memref<40x128xi32, #tpu.memory_space<vmem>> -> memref<1x128xi32, #tpu.memory_space<vmem>>
    %dma_start3A_31 = tpu.memref_squeeze %dma_start3A_30 : memref<1x128xi32, #tpu.memory_space<vmem>> -> memref<128xi32, #tpu.memory_space<vmem>>
    %dma_start3A_32 = arith.constant 0 : i32
    %dma_start3A_33 = arith.constant 0 : i32
    %dma_start3A_34 = tpu.memref_slice %arg2[%dma_start3A_32, %dma_start3A_33] : memref<10000x128xf32, #tpu.memory_space<hbm>> -> memref<10000x128xf32, #tpu.memory_space<hbm>>
    tpu.enqueue_indirect_dma source(%dma_start3A_34 : memref<10000x128xf32, #tpu.memory_space<hbm>>) target(%dma_start3A_28 : memref<128x128xf32, #tpu.memory_space<vmem>>) offsets(%dma_start3A_31 : memref<128xi32, #tpu.memory_space<vmem>>) semaphore(%arg12 : memref<!tpu.dma_semaphore, #tpu.memory_space<semaphore_mem>>)
    %barrier3A = arith.constant 0 : index
    tpu.barrier barrier_id(%barrier3A)
    %scan3A = arith.constant 0 : i32
    %scan3A_35 = arith.constant 0 : i32
    %scan3A_36 = arith.constant 20 : i32
    %scan3A_37 = arith.addi %scan3A_35, %scan3A_36 : i32
    %scan3A_38 = arith.constant 1 : i32
    scf.for %scan3A_81 = %scan3A_35 to %scan3A_37 step %scan3A_38  : i32 {
      %mul3A_82 = arith.constant 2 : i32
      %mul3A_83 = arith.muli %scan3A_81, %mul3A_82 : i32
      %add3A_84 = arith.constant 0 : i32
      %add3A_85 = arith.addi %mul3A_83, %add3A_84 : i32
      %dma_wait3A = arith.constant 0 : i32
      %dma_wait3A_86 = arith.constant 0 : i32
      %dma_wait3A_87 = arith.constant 0 : i32
      %dma_wait3A_88 = tpu.memref_slice %arg9[%dma_wait3A, %dma_wait3A_86, %dma_wait3A_87] : memref<2x128x128xf32, #tpu.memory_space<vmem>> -> memref<1x128x128xf32, #tpu.memory_space<vmem>>
      %dma_wait3A_89 = tpu.memref_squeeze %dma_wait3A_88 : memref<1x128x128xf32, #tpu.memory_space<vmem>> -> memref<128x128xf32, #tpu.memory_space<vmem>>
      %dma_wait3A_90 = arith.constant 0 : i32
      %dma_wait3A_91 = tpu.memref_slice %arg7[%add3A_85, %dma_wait3A_90] : memref<40x128xi32, #tpu.memory_space<vmem>> -> memref<1x128xi32, #tpu.memory_space<vmem>>
      %dma_wait3A_92 = tpu.memref_squeeze %dma_wait3A_91 : memref<1x128xi32, #tpu.memory_space<vmem>> -> memref<128xi32, #tpu.memory_space<vmem>>
      %dma_wait3A_93 = arith.constant 0 : i32
      %dma_wait3A_94 = arith.constant 0 : i32
      %dma_wait3A_95 = tpu.memref_slice %arg2[%dma_wait3A_93, %dma_wait3A_94] : memref<10000x128xf32, #tpu.memory_space<hbm>> -> memref<10000x128xf32, #tpu.memory_space<hbm>>
      tpu.wait_indirect_dma semaphore(%arg11 : memref<!tpu.dma_semaphore, #tpu.memory_space<semaphore_mem>>) src(%dma_wait3A_95 : memref<10000x128xf32, #tpu.memory_space<hbm>>) dst(%dma_wait3A_89 : memref<128x128xf32, #tpu.memory_space<vmem>>)
      %run_scoped3A = arith.constant 0 : i32
      "tpu.region"() ({
        %run_scoped3A_126 = tpu.sem_alloc : memref<!tpu.dma_semaphore, #tpu.memory_space<semaphore_mem>>
        %dma_start3A_127 = arith.constant 0 : i32
        %dma_start3A_128 = arith.constant 0 : i32
        %dma_start3A_129 = tpu.memref_slice %arg9[%run_scoped3A, %dma_start3A_127, %dma_start3A_128] : memref<2x128x128xf32, #tpu.memory_space<vmem>> -> memref<1x128x128xf32, #tpu.memory_space<vmem>>
        %dma_start3A_130 = tpu.memref_squeeze %dma_start3A_129 : memref<1x128x128xf32, #tpu.memory_space<vmem>> -> memref<128x128xf32, #tpu.memory_space<vmem>>
        %dma_start3A_131 = arith.constant 0 : i32
        %dma_start3A_132 = tpu.memref_slice %arg8[%add3A_85, %dma_start3A_131] : memref<40x128xi32, #tpu.memory_space<vmem>> -> memref<1x128xi32, #tpu.memory_space<vmem>>
        %dma_start3A_133 = tpu.memref_squeeze %dma_start3A_132 : memref<1x128xi32, #tpu.memory_space<vmem>> -> memref<128xi32, #tpu.memory_space<vmem>>
        %dma_start3A_134 = arith.constant 0 : i32
        %dma_start3A_135 = arith.constant 0 : i32
        %dma_start3A_136 = tpu.memref_slice %arg10[%dma_start3A_134, %dma_start3A_135] : memref<10016x128xf32, #tpu.memory_space<vmem_shared>> -> memref<10016x128xf32, #tpu.memory_space<vmem_shared>>
        tpu.enqueue_indirect_dma source(%dma_start3A_130 : memref<128x128xf32, #tpu.memory_space<vmem>>) target(%dma_start3A_136 : memref<10016x128xf32, #tpu.memory_space<vmem_shared>>) offsets(%dma_start3A_133 : memref<128xi32, #tpu.memory_space<vmem>>) semaphore(%run_scoped3A_126 : memref<!tpu.dma_semaphore, #tpu.memory_space<semaphore_mem>>) {add = true}
        %dma_wait3A_137 = arith.constant 0 : i32
        %dma_wait3A_138 = arith.constant 0 : i32
        %dma_wait3A_139 = tpu.memref_slice %arg9[%run_scoped3A, %dma_wait3A_137, %dma_wait3A_138] : memref<2x128x128xf32, #tpu.memory_space<vmem>> -> memref<1x128x128xf32, #tpu.memory_space<vmem>>
        %dma_wait3A_140 = tpu.memref_squeeze %dma_wait3A_139 : memref<1x128x128xf32, #tpu.memory_space<vmem>> -> memref<128x128xf32, #tpu.memory_space<vmem>>
        %dma_wait3A_141 = arith.constant 0 : i32
        %dma_wait3A_142 = tpu.memref_slice %arg8[%add3A_85, %dma_wait3A_141] : memref<40x128xi32, #tpu.memory_space<vmem>> -> memref<1x128xi32, #tpu.memory_space<vmem>>
        %dma_wait3A_143 = tpu.memref_squeeze %dma_wait3A_142 : memref<1x128xi32, #tpu.memory_space<vmem>> -> memref<128xi32, #tpu.memory_space<vmem>>
        %dma_wait3A_144 = arith.constant 0 : i32
        %dma_wait3A_145 = arith.constant 0 : i32
        %dma_wait3A_146 = tpu.memref_slice %arg10[%dma_wait3A_144, %dma_wait3A_145] : memref<10016x128xf32, #tpu.memory_space<vmem_shared>> -> memref<10016x128xf32, #tpu.memory_space<vmem_shared>>
        tpu.wait_indirect_dma semaphore(%run_scoped3A_126 : memref<!tpu.dma_semaphore, #tpu.memory_space<semaphore_mem>>) src(%dma_wait3A_140 : memref<128x128xf32, #tpu.memory_space<vmem>>) dst(%dma_wait3A_146 : memref<10016x128xf32, #tpu.memory_space<vmem_shared>>)
        tpu.yield
      }) : () -> ()
      %add3A_96 = arith.constant 2 : i32
      %add3A_97 = arith.addi %add3A_85, %add3A_96 : i32
      %lt3A_98 = arith.constant 40 : i32
      %lt3A_99 = arith.cmpi slt, %add3A_97, %lt3A_98 : i32
      %convert_element_type3A_100 = arith.extui %lt3A_99 : i1 to i32
      %cond3A_101 = arith.constant 0 : i32
      %cond3A_102 = arith.cmpi ne, %convert_element_type3A_100, %cond3A_101 : i32
      scf.if %cond3A_102 {
        %add3A_126 = arith.constant 2 : i32
        %add3A_127 = arith.addi %add3A_85, %add3A_126 : i32
        %dma_start3A_128 = arith.constant 0 : i32
        %dma_start3A_129 = arith.constant 0 : i32
        %dma_start3A_130 = arith.constant 0 : i32
        %dma_start3A_131 = tpu.memref_slice %arg9[%dma_start3A_128, %dma_start3A_129, %dma_start3A_130] : memref<2x128x128xf32, #tpu.memory_space<vmem>> -> memref<1x128x128xf32, #tpu.memory_space<vmem>>
        %dma_start3A_132 = tpu.memref_squeeze %dma_start3A_131 : memref<1x128x128xf32, #tpu.memory_space<vmem>> -> memref<128x128xf32, #tpu.memory_space<vmem>>
        %dma_start3A_133 = arith.constant 0 : i32
        %dma_start3A_134 = tpu.memref_slice %arg7[%add3A_127, %dma_start3A_133] : memref<40x128xi32, #tpu.memory_space<vmem>> -> memref<1x128xi32, #tpu.memory_space<vmem>>
        %dma_start3A_135 = tpu.memref_squeeze %dma_start3A_134 : memref<1x128xi32, #tpu.memory_space<vmem>> -> memref<128xi32, #tpu.memory_space<vmem>>
        %dma_start3A_136 = arith.constant 0 : i32
        %dma_start3A_137 = arith.constant 0 : i32
        %dma_start3A_138 = tpu.memref_slice %arg2[%dma_start3A_136, %dma_start3A_137] : memref<10000x128xf32, #tpu.memory_space<hbm>> -> memref<10000x128xf32, #tpu.memory_space<hbm>>
        tpu.enqueue_indirect_dma source(%dma_start3A_138 : memref<10000x128xf32, #tpu.memory_space<hbm>>) target(%dma_start3A_132 : memref<128x128xf32, #tpu.memory_space<vmem>>) offsets(%dma_start3A_135 : memref<128xi32, #tpu.memory_space<vmem>>) semaphore(%arg11 : memref<!tpu.dma_semaphore, #tpu.memory_space<semaphore_mem>>)
      } else {
      }
      %mul3A_103 = arith.constant 2 : i32
      %mul3A_104 = arith.muli %scan3A_81, %mul3A_103 : i32
      %add3A_105 = arith.constant 1 : i32
      %add3A_106 = arith.addi %mul3A_104, %add3A_105 : i32
      %dma_wait3A_107 = arith.constant 1 : i32
      %dma_wait3A_108 = arith.constant 0 : i32
      %dma_wait3A_109 = arith.constant 0 : i32
      %dma_wait3A_110 = tpu.memref_slice %arg9[%dma_wait3A_107, %dma_wait3A_108, %dma_wait3A_109] : memref<2x128x128xf32, #tpu.memory_space<vmem>> -> memref<1x128x128xf32, #tpu.memory_space<vmem>>
      %dma_wait3A_111 = tpu.memref_squeeze %dma_wait3A_110 : memref<1x128x128xf32, #tpu.memory_space<vmem>> -> memref<128x128xf32, #tpu.memory_space<vmem>>
      %dma_wait3A_112 = arith.constant 0 : i32
      %dma_wait3A_113 = tpu.memref_slice %arg7[%add3A_106, %dma_wait3A_112] : memref<40x128xi32, #tpu.memory_space<vmem>> -> memref<1x128xi32, #tpu.memory_space<vmem>>
      %dma_wait3A_114 = tpu.memref_squeeze %dma_wait3A_113 : memref<1x128xi32, #tpu.memory_space<vmem>> -> memref<128xi32, #tpu.memory_space<vmem>>
      %dma_wait3A_115 = arith.constant 0 : i32
      %dma_wait3A_116 = arith.constant 0 : i32
      %dma_wait3A_117 = tpu.memref_slice %arg2[%dma_wait3A_115, %dma_wait3A_116] : memref<10000x128xf32, #tpu.memory_space<hbm>> -> memref<10000x128xf32, #tpu.memory_space<hbm>>
      tpu.wait_indirect_dma semaphore(%arg12 : memref<!tpu.dma_semaphore, #tpu.memory_space<semaphore_mem>>) src(%dma_wait3A_117 : memref<10000x128xf32, #tpu.memory_space<hbm>>) dst(%dma_wait3A_111 : memref<128x128xf32, #tpu.memory_space<vmem>>)
      %run_scoped3A_118 = arith.constant 1 : i32
      "tpu.region"() ({
        %run_scoped3A_126 = tpu.sem_alloc : memref<!tpu.dma_semaphore, #tpu.memory_space<semaphore_mem>>
        %dma_start3A_127 = arith.constant 0 : i32
        %dma_start3A_128 = arith.constant 0 : i32
        %dma_start3A_129 = tpu.memref_slice %arg9[%run_scoped3A_118, %dma_start3A_127, %dma_start3A_128] : memref<2x128x128xf32, #tpu.memory_space<vmem>> -> memref<1x128x128xf32, #tpu.memory_space<vmem>>
        %dma_start3A_130 = tpu.memref_squeeze %dma_start3A_129 : memref<1x128x128xf32, #tpu.memory_space<vmem>> -> memref<128x128xf32, #tpu.memory_space<vmem>>
        %dma_start3A_131 = arith.constant 0 : i32
        %dma_start3A_132 = tpu.memref_slice %arg8[%add3A_106, %dma_start3A_131] : memref<40x128xi32, #tpu.memory_space<vmem>> -> memref<1x128xi32, #tpu.memory_space<vmem>>
        %dma_start3A_133 = tpu.memref_squeeze %dma_start3A_132 : memref<1x128xi32, #tpu.memory_space<vmem>> -> memref<128xi32, #tpu.memory_space<vmem>>
        %dma_start3A_134 = arith.constant 0 : i32
        %dma_start3A_135 = arith.constant 0 : i32
        %dma_start3A_136 = tpu.memref_slice %arg10[%dma_start3A_134, %dma_start3A_135] : memref<10016x128xf32, #tpu.memory_space<vmem_shared>> -> memref<10016x128xf32, #tpu.memory_space<vmem_shared>>
        tpu.enqueue_indirect_dma source(%dma_start3A_130 : memref<128x128xf32, #tpu.memory_space<vmem>>) target(%dma_start3A_136 : memref<10016x128xf32, #tpu.memory_space<vmem_shared>>) offsets(%dma_start3A_133 : memref<128xi32, #tpu.memory_space<vmem>>) semaphore(%run_scoped3A_126 : memref<!tpu.dma_semaphore, #tpu.memory_space<semaphore_mem>>) {add = true}
        %dma_wait3A_137 = arith.constant 0 : i32
        %dma_wait3A_138 = arith.constant 0 : i32
        %dma_wait3A_139 = tpu.memref_slice %arg9[%run_scoped3A_118, %dma_wait3A_137, %dma_wait3A_138] : memref<2x128x128xf32, #tpu.memory_space<vmem>> -> memref<1x128x128xf32, #tpu.memory_space<vmem>>
        %dma_wait3A_140 = tpu.memref_squeeze %dma_wait3A_139 : memref<1x128x128xf32, #tpu.memory_space<vmem>> -> memref<128x128xf32, #tpu.memory_space<vmem>>
        %dma_wait3A_141 = arith.constant 0 : i32
        %dma_wait3A_142 = tpu.memref_slice %arg8[%add3A_106, %dma_wait3A_141] : memref<40x128xi32, #tpu.memory_space<vmem>> -> memref<1x128xi32, #tpu.memory_space<vmem>>
        %dma_wait3A_143 = tpu.memref_squeeze %dma_wait3A_142 : memref<1x128xi32, #tpu.memory_space<vmem>> -> memref<128xi32, #tpu.memory_space<vmem>>
        %dma_wait3A_144 = arith.constant 0 : i32
        %dma_wait3A_145 = arith.constant 0 : i32
        %dma_wait3A_146 = tpu.memref_slice %arg10[%dma_wait3A_144, %dma_wait3A_145] : memref<10016x128xf32, #tpu.memory_space<vmem_shared>> -> memref<10016x128xf32, #tpu.memory_space<vmem_shared>>
        tpu.wait_indirect_dma semaphore(%run_scoped3A_126 : memref<!tpu.dma_semaphore, #tpu.memory_space<semaphore_mem>>) src(%dma_wait3A_140 : memref<128x128xf32, #tpu.memory_space<vmem>>) dst(%dma_wait3A_146 : memref<10016x128xf32, #tpu.memory_space<vmem_shared>>)
        tpu.yield
      }) : () -> ()
      %add3A_119 = arith.constant 2 : i32
      %add3A_120 = arith.addi %add3A_106, %add3A_119 : i32
      %lt3A_121 = arith.constant 40 : i32
      %lt3A_122 = arith.cmpi slt, %add3A_120, %lt3A_121 : i32
      %convert_element_type3A_123 = arith.extui %lt3A_122 : i1 to i32
      %cond3A_124 = arith.constant 0 : i32
      %cond3A_125 = arith.cmpi ne, %convert_element_type3A_123, %cond3A_124 : i32
      scf.if %cond3A_125 {
        %add3A_126 = arith.constant 2 : i32
        %add3A_127 = arith.addi %add3A_106, %add3A_126 : i32
        %dma_start3A_128 = arith.constant 1 : i32
        %dma_start3A_129 = arith.constant 0 : i32
        %dma_start3A_130 = arith.constant 0 : i32
        %dma_start3A_131 = tpu.memref_slice %arg9[%dma_start3A_128, %dma_start3A_129, %dma_start3A_130] : memref<2x128x128xf32, #tpu.memory_space<vmem>> -> memref<1x128x128xf32, #tpu.memory_space<vmem>>
        %dma_start3A_132 = tpu.memref_squeeze %dma_start3A_131 : memref<1x128x128xf32, #tpu.memory_space<vmem>> -> memref<128x128xf32, #tpu.memory_space<vmem>>
        %dma_start3A_133 = arith.constant 0 : i32
        %dma_start3A_134 = tpu.memref_slice %arg7[%add3A_127, %dma_start3A_133] : memref<40x128xi32, #tpu.memory_space<vmem>> -> memref<1x128xi32, #tpu.memory_space<vmem>>
        %dma_start3A_135 = tpu.memref_squeeze %dma_start3A_134 : memref<1x128xi32, #tpu.memory_space<vmem>> -> memref<128xi32, #tpu.memory_space<vmem>>
        %dma_start3A_136 = arith.constant 0 : i32
        %dma_start3A_137 = arith.constant 0 : i32
        %dma_start3A_138 = tpu.memref_slice %arg2[%dma_start3A_136, %dma_start3A_137] : memref<10000x128xf32, #tpu.memory_space<hbm>> -> memref<10000x128xf32, #tpu.memory_space<hbm>>
        tpu.enqueue_indirect_dma source(%dma_start3A_138 : memref<10000x128xf32, #tpu.memory_space<hbm>>) target(%dma_start3A_132 : memref<128x128xf32, #tpu.memory_space<vmem>>) offsets(%dma_start3A_135 : memref<128xi32, #tpu.memory_space<vmem>>) semaphore(%arg12 : memref<!tpu.dma_semaphore, #tpu.memory_space<semaphore_mem>>)
      } else {
      }
    }
    %scan3A_39 = arith.constant 20 : i32
    "tpu.region"() ({
      %run_scoped3A = tpu.sem_alloc : memref<!tpu.dma_semaphore, #tpu.memory_space<semaphore_mem>>
      %dma_start3A_81 = arith.constant 40 : i32
      %dma_start3A_82 = arith.constant 0 : i32
      %dma_start3A_83 = tpu.memref_slice %arg3[%add3A, %dma_start3A_81, %dma_start3A_82] : memref<32x80x128xi32, #tpu.memory_space<hbm>> -> memref<1x40x128xi32, #tpu.memory_space<hbm>>
      %dma_start3A_84 = tpu.memref_squeeze %dma_start3A_83 : memref<1x40x128xi32, #tpu.memory_space<hbm>> -> memref<40x128xi32, #tpu.memory_space<hbm>>
      %dma_start3A_85 = arith.constant 40 : i32
      %dma_start3A_86 = arith.constant 0 : i32
      %dma_start3A_87 = tpu.memref_slice %arg3[%add3A, %dma_start3A_85, %dma_start3A_86] : memref<32x80x128xi32, #tpu.memory_space<hbm>> -> memref<1x40x128xi32, #tpu.memory_space<hbm>>
      %dma_start3A_88 = tpu.memref_squeeze %dma_start3A_87 : memref<1x40x128xi32, #tpu.memory_space<hbm>> -> memref<40x128xi32, #tpu.memory_space<hbm>>
      tpu.enqueue_dma source(%dma_start3A_88 : memref<40x128xi32, #tpu.memory_space<hbm>>) target(%arg7 : memref<40x128xi32, #tpu.memory_space<vmem>>) target_semaphore(%run_scoped3A : memref<!tpu.dma_semaphore, #tpu.memory_space<semaphore_mem>>)
      %dma_wait3A = arith.constant 40 : i32
      %dma_wait3A_89 = arith.constant 0 : i32
      %dma_wait3A_90 = tpu.memref_slice %arg3[%add3A, %dma_wait3A, %dma_wait3A_89] : memref<32x80x128xi32, #tpu.memory_space<hbm>> -> memref<1x40x128xi32, #tpu.memory_space<hbm>>
      %dma_wait3A_91 = tpu.memref_squeeze %dma_wait3A_90 : memref<1x40x128xi32, #tpu.memory_space<hbm>> -> memref<40x128xi32, #tpu.memory_space<hbm>>
      %dma_wait3A_92 = arith.constant 40 : i32
      %dma_wait3A_93 = arith.constant 0 : i32
      %dma_wait3A_94 = tpu.memref_slice %arg3[%add3A, %dma_wait3A_92, %dma_wait3A_93] : memref<32x80x128xi32, #tpu.memory_space<hbm>> -> memref<1x40x128xi32, #tpu.memory_space<hbm>>
      %dma_wait3A_95 = tpu.memref_squeeze %dma_wait3A_94 : memref<1x40x128xi32, #tpu.memory_space<hbm>> -> memref<40x128xi32, #tpu.memory_space<hbm>>
      tpu.wait_dma2 semaphore(%run_scoped3A : memref<!tpu.dma_semaphore, #tpu.memory_space<semaphore_mem>>) src(%dma_wait3A_95 : memref<40x128xi32, #tpu.memory_space<hbm>>) dst(%arg7 : memref<40x128xi32, #tpu.memory_space<vmem>>)
      tpu.yield
    }) : () -> ()
    "tpu.region"() ({
      %run_scoped3A = tpu.sem_alloc : memref<!tpu.dma_semaphore, #tpu.memory_space<semaphore_mem>>
      %dma_start3A_81 = arith.constant 40 : i32
      %dma_start3A_82 = arith.constant 0 : i32
      %dma_start3A_83 = tpu.memref_slice %arg4[%add3A, %dma_start3A_81, %dma_start3A_82] : memref<32x80x128xi32, #tpu.memory_space<hbm>> -> memref<1x40x128xi32, #tpu.memory_space<hbm>>
      %dma_start3A_84 = tpu.memref_squeeze %dma_start3A_83 : memref<1x40x128xi32, #tpu.memory_space<hbm>> -> memref<40x128xi32, #tpu.memory_space<hbm>>
      %dma_start3A_85 = arith.constant 40 : i32
      %dma_start3A_86 = arith.constant 0 : i32
      %dma_start3A_87 = tpu.memref_slice %arg4[%add3A, %dma_start3A_85, %dma_start3A_86] : memref<32x80x128xi32, #tpu.memory_space<hbm>> -> memref<1x40x128xi32, #tpu.memory_space<hbm>>
      %dma_start3A_88 = tpu.memref_squeeze %dma_start3A_87 : memref<1x40x128xi32, #tpu.memory_space<hbm>> -> memref<40x128xi32, #tpu.memory_space<hbm>>
      tpu.enqueue_dma source(%dma_start3A_88 : memref<40x128xi32, #tpu.memory_space<hbm>>) target(%arg8 : memref<40x128xi32, #tpu.memory_space<vmem>>) target_semaphore(%run_scoped3A : memref<!tpu.dma_semaphore, #tpu.memory_space<semaphore_mem>>)
      %dma_wait3A = arith.constant 40 : i32
      %dma_wait3A_89 = arith.constant 0 : i32
      %dma_wait3A_90 = tpu.memref_slice %arg4[%add3A, %dma_wait3A, %dma_wait3A_89] : memref<32x80x128xi32, #tpu.memory_space<hbm>> -> memref<1x40x128xi32, #tpu.memory_space<hbm>>
      %dma_wait3A_91 = tpu.memref_squeeze %dma_wait3A_90 : memref<1x40x128xi32, #tpu.memory_space<hbm>> -> memref<40x128xi32, #tpu.memory_space<hbm>>
      %dma_wait3A_92 = arith.constant 40 : i32
      %dma_wait3A_93 = arith.constant 0 : i32
      %dma_wait3A_94 = tpu.memref_slice %arg4[%add3A, %dma_wait3A_92, %dma_wait3A_93] : memref<32x80x128xi32, #tpu.memory_space<hbm>> -> memref<1x40x128xi32, #tpu.memory_space<hbm>>
      %dma_wait3A_95 = tpu.memref_squeeze %dma_wait3A_94 : memref<1x40x128xi32, #tpu.memory_space<hbm>> -> memref<40x128xi32, #tpu.memory_space<hbm>>
      tpu.wait_dma2 semaphore(%run_scoped3A : memref<!tpu.dma_semaphore, #tpu.memory_space<semaphore_mem>>) src(%dma_wait3A_95 : memref<40x128xi32, #tpu.memory_space<hbm>>) dst(%arg8 : memref<40x128xi32, #tpu.memory_space<vmem>>)
      tpu.yield
    }) : () -> ()
    %dma_start3A_40 = arith.constant 0 : i32
    %dma_start3A_41 = arith.constant 0 : i32
    %dma_start3A_42 = arith.constant 0 : i32
    %dma_start3A_43 = arith.constant 0 : i32
    %dma_start3A_44 = tpu.memref_slice %arg9[%dma_start3A_41, %dma_start3A_42, %dma_start3A_43] : memref<2x128x128xf32, #tpu.memory_space<vmem>> -> memref<1x128x128xf32, #tpu.memory_space<vmem>>
    %dma_start3A_45 = tpu.memref_squeeze %dma_start3A_44 : memref<1x128x128xf32, #tpu.memory_space<vmem>> -> memref<128x128xf32, #tpu.memory_space<vmem>>
    %dma_start3A_46 = arith.constant 0 : i32
    %dma_start3A_47 = tpu.memref_slice %arg7[%dma_start3A_40, %dma_start3A_46] : memref<40x128xi32, #tpu.memory_space<vmem>> -> memref<1x128xi32, #tpu.memory_space<vmem>>
    %dma_start3A_48 = tpu.memref_squeeze %dma_start3A_47 : memref<1x128xi32, #tpu.memory_space<vmem>> -> memref<128xi32, #tpu.memory_space<vmem>>
    %dma_start3A_49 = arith.constant 0 : i32
    %dma_start3A_50 = arith.constant 0 : i32
    %dma_start3A_51 = tpu.memref_slice %arg2[%dma_start3A_49, %dma_start3A_50] : memref<10000x128xf32, #tpu.memory_space<hbm>> -> memref<10000x128xf32, #tpu.memory_space<hbm>>
    tpu.enqueue_indirect_dma source(%dma_start3A_51 : memref<10000x128xf32, #tpu.memory_space<hbm>>) target(%dma_start3A_45 : memref<128x128xf32, #tpu.memory_space<vmem>>) offsets(%dma_start3A_48 : memref<128xi32, #tpu.memory_space<vmem>>) semaphore(%arg11 : memref<!tpu.dma_semaphore, #tpu.memory_space<semaphore_mem>>)
    %dma_start3A_52 = arith.constant 1 : i32
    %dma_start3A_53 = arith.constant 1 : i32
    %dma_start3A_54 = arith.constant 0 : i32
    %dma_start3A_55 = arith.constant 0 : i32
    %dma_start3A_56 = tpu.memref_slice %arg9[%dma_start3A_53, %dma_start3A_54, %dma_start3A_55] : memref<2x128x128xf32, #tpu.memory_space<vmem>> -> memref<1x128x128xf32, #tpu.memory_space<vmem>>
    %dma_start3A_57 = tpu.memref_squeeze %dma_start3A_56 : memref<1x128x128xf32, #tpu.memory_space<vmem>> -> memref<128x128xf32, #tpu.memory_space<vmem>>
    %dma_start3A_58 = arith.constant 0 : i32
    %dma_start3A_59 = tpu.memref_slice %arg7[%dma_start3A_52, %dma_start3A_58] : memref<40x128xi32, #tpu.memory_space<vmem>> -> memref<1x128xi32, #tpu.memory_space<vmem>>
    %dma_start3A_60 = tpu.memref_squeeze %dma_start3A_59 : memref<1x128xi32, #tpu.memory_space<vmem>> -> memref<128xi32, #tpu.memory_space<vmem>>
    %dma_start3A_61 = arith.constant 0 : i32
    %dma_start3A_62 = arith.constant 0 : i32
    %dma_start3A_63 = tpu.memref_slice %arg2[%dma_start3A_61, %dma_start3A_62] : memref<10000x128xf32, #tpu.memory_space<hbm>> -> memref<10000x128xf32, #tpu.memory_space<hbm>>
    tpu.enqueue_indirect_dma source(%dma_start3A_63 : memref<10000x128xf32, #tpu.memory_space<hbm>>) target(%dma_start3A_57 : memref<128x128xf32, #tpu.memory_space<vmem>>) offsets(%dma_start3A_60 : memref<128xi32, #tpu.memory_space<vmem>>) semaphore(%arg12 : memref<!tpu.dma_semaphore, #tpu.memory_space<semaphore_mem>>)
    %scan3A_64 = arith.constant 0 : i32
    %scan3A_65 = arith.constant 0 : i32
    %scan3A_66 = arith.constant 20 : i32
    %scan3A_67 = arith.addi %scan3A_65, %scan3A_66 : i32
    %scan3A_68 = arith.constant 1 : i32
    scf.for %scan3A_81 = %scan3A_65 to %scan3A_67 step %scan3A_68  : i32 {
      %mul3A_82 = arith.constant 2 : i32
      %mul3A_83 = arith.muli %scan3A_81, %mul3A_82 : i32
      %add3A_84 = arith.constant 0 : i32
      %add3A_85 = arith.addi %mul3A_83, %add3A_84 : i32
      %dma_wait3A = arith.constant 0 : i32
      %dma_wait3A_86 = arith.constant 0 : i32
      %dma_wait3A_87 = arith.constant 0 : i32
      %dma_wait3A_88 = tpu.memref_slice %arg9[%dma_wait3A, %dma_wait3A_86, %dma_wait3A_87] : memref<2x128x128xf32, #tpu.memory_space<vmem>> -> memref<1x128x128xf32, #tpu.memory_space<vmem>>
      %dma_wait3A_89 = tpu.memref_squeeze %dma_wait3A_88 : memref<1x128x128xf32, #tpu.memory_space<vmem>> -> memref<128x128xf32, #tpu.memory_space<vmem>>
      %dma_wait3A_90 = arith.constant 0 : i32
      %dma_wait3A_91 = tpu.memref_slice %arg7[%add3A_85, %dma_wait3A_90] : memref<40x128xi32, #tpu.memory_space<vmem>> -> memref<1x128xi32, #tpu.memory_space<vmem>>
      %dma_wait3A_92 = tpu.memref_squeeze %dma_wait3A_91 : memref<1x128xi32, #tpu.memory_space<vmem>> -> memref<128xi32, #tpu.memory_space<vmem>>
      %dma_wait3A_93 = arith.constant 0 : i32
      %dma_wait3A_94 = arith.constant 0 : i32
      %dma_wait3A_95 = tpu.memref_slice %arg2[%dma_wait3A_93, %dma_wait3A_94] : memref<10000x128xf32, #tpu.memory_space<hbm>> -> memref<10000x128xf32, #tpu.memory_space<hbm>>
      tpu.wait_indirect_dma semaphore(%arg11 : memref<!tpu.dma_semaphore, #tpu.memory_space<semaphore_mem>>) src(%dma_wait3A_95 : memref<10000x128xf32, #tpu.memory_space<hbm>>) dst(%dma_wait3A_89 : memref<128x128xf32, #tpu.memory_space<vmem>>)
      %run_scoped3A = arith.constant 0 : i32
      "tpu.region"() ({
        %run_scoped3A_126 = tpu.sem_alloc : memref<!tpu.dma_semaphore, #tpu.memory_space<semaphore_mem>>
        %dma_start3A_127 = arith.constant 0 : i32
        %dma_start3A_128 = arith.constant 0 : i32
        %dma_start3A_129 = tpu.memref_slice %arg9[%run_scoped3A, %dma_start3A_127, %dma_start3A_128] : memref<2x128x128xf32, #tpu.memory_space<vmem>> -> memref<1x128x128xf32, #tpu.memory_space<vmem>>
        %dma_start3A_130 = tpu.memref_squeeze %dma_start3A_129 : memref<1x128x128xf32, #tpu.memory_space<vmem>> -> memref<128x128xf32, #tpu.memory_space<vmem>>
        %dma_start3A_131 = arith.constant 0 : i32
        %dma_start3A_132 = tpu.memref_slice %arg8[%add3A_85, %dma_start3A_131] : memref<40x128xi32, #tpu.memory_space<vmem>> -> memref<1x128xi32, #tpu.memory_space<vmem>>
        %dma_start3A_133 = tpu.memref_squeeze %dma_start3A_132 : memref<1x128xi32, #tpu.memory_space<vmem>> -> memref<128xi32, #tpu.memory_space<vmem>>
        %dma_start3A_134 = arith.constant 0 : i32
        %dma_start3A_135 = arith.constant 0 : i32
        %dma_start3A_136 = tpu.memref_slice %arg10[%dma_start3A_134, %dma_start3A_135] : memref<10016x128xf32, #tpu.memory_space<vmem_shared>> -> memref<10016x128xf32, #tpu.memory_space<vmem_shared>>
        tpu.enqueue_indirect_dma source(%dma_start3A_130 : memref<128x128xf32, #tpu.memory_space<vmem>>) target(%dma_start3A_136 : memref<10016x128xf32, #tpu.memory_space<vmem_shared>>) offsets(%dma_start3A_133 : memref<128xi32, #tpu.memory_space<vmem>>) semaphore(%run_scoped3A_126 : memref<!tpu.dma_semaphore, #tpu.memory_space<semaphore_mem>>) {add = true}
        %dma_wait3A_137 = arith.constant 0 : i32
        %dma_wait3A_138 = arith.constant 0 : i32
        %dma_wait3A_139 = tpu.memref_slice %arg9[%run_scoped3A, %dma_wait3A_137, %dma_wait3A_138] : memref<2x128x128xf32, #tpu.memory_space<vmem>> -> memref<1x128x128xf32, #tpu.memory_space<vmem>>
        %dma_wait3A_140 = tpu.memref_squeeze %dma_wait3A_139 : memref<1x128x128xf32, #tpu.memory_space<vmem>> -> memref<128x128xf32, #tpu.memory_space<vmem>>
        %dma_wait3A_141 = arith.constant 0 : i32
        %dma_wait3A_142 = tpu.memref_slice %arg8[%add3A_85, %dma_wait3A_141] : memref<40x128xi32, #tpu.memory_space<vmem>> -> memref<1x128xi32, #tpu.memory_space<vmem>>
        %dma_wait3A_143 = tpu.memref_squeeze %dma_wait3A_142 : memref<1x128xi32, #tpu.memory_space<vmem>> -> memref<128xi32, #tpu.memory_space<vmem>>
        %dma_wait3A_144 = arith.constant 0 : i32
        %dma_wait3A_145 = arith.constant 0 : i32
        %dma_wait3A_146 = tpu.memref_slice %arg10[%dma_wait3A_144, %dma_wait3A_145] : memref<10016x128xf32, #tpu.memory_space<vmem_shared>> -> memref<10016x128xf32, #tpu.memory_space<vmem_shared>>
        tpu.wait_indirect_dma semaphore(%run_scoped3A_126 : memref<!tpu.dma_semaphore, #tpu.memory_space<semaphore_mem>>) src(%dma_wait3A_140 : memref<128x128xf32, #tpu.memory_space<vmem>>) dst(%dma_wait3A_146 : memref<10016x128xf32, #tpu.memory_space<vmem_shared>>)
        tpu.yield
      }) : () -> ()
      %add3A_96 = arith.constant 2 : i32
      %add3A_97 = arith.addi %add3A_85, %add3A_96 : i32
      %lt3A_98 = arith.constant 40 : i32
      %lt3A_99 = arith.cmpi slt, %add3A_97, %lt3A_98 : i32
      %convert_element_type3A_100 = arith.extui %lt3A_99 : i1 to i32
      %cond3A_101 = arith.constant 0 : i32
      %cond3A_102 = arith.cmpi ne, %convert_element_type3A_100, %cond3A_101 : i32
      scf.if %cond3A_102 {
        %add3A_126 = arith.constant 2 : i32
        %add3A_127 = arith.addi %add3A_85, %add3A_126 : i32
        %dma_start3A_128 = arith.constant 0 : i32
        %dma_start3A_129 = arith.constant 0 : i32
        %dma_start3A_130 = arith.constant 0 : i32
        %dma_start3A_131 = tpu.memref_slice %arg9[%dma_start3A_128, %dma_start3A_129, %dma_start3A_130] : memref<2x128x128xf32, #tpu.memory_space<vmem>> -> memref<1x128x128xf32, #tpu.memory_space<vmem>>
        %dma_start3A_132 = tpu.memref_squeeze %dma_start3A_131 : memref<1x128x128xf32, #tpu.memory_space<vmem>> -> memref<128x128xf32, #tpu.memory_space<vmem>>
        %dma_start3A_133 = arith.constant 0 : i32
        %dma_start3A_134 = tpu.memref_slice %arg7[%add3A_127, %dma_start3A_133] : memref<40x128xi32, #tpu.memory_space<vmem>> -> memref<1x128xi32, #tpu.memory_space<vmem>>
        %dma_start3A_135 = tpu.memref_squeeze %dma_start3A_134 : memref<1x128xi32, #tpu.memory_space<vmem>> -> memref<128xi32, #tpu.memory_space<vmem>>
        %dma_start3A_136 = arith.constant 0 : i32
        %dma_start3A_137 = arith.constant 0 : i32
        %dma_start3A_138 = tpu.memref_slice %arg2[%dma_start3A_136, %dma_start3A_137] : memref<10000x128xf32, #tpu.memory_space<hbm>> -> memref<10000x128xf32, #tpu.memory_space<hbm>>
        tpu.enqueue_indirect_dma source(%dma_start3A_138 : memref<10000x128xf32, #tpu.memory_space<hbm>>) target(%dma_start3A_132 : memref<128x128xf32, #tpu.memory_space<vmem>>) offsets(%dma_start3A_135 : memref<128xi32, #tpu.memory_space<vmem>>) semaphore(%arg11 : memref<!tpu.dma_semaphore, #tpu.memory_space<semaphore_mem>>)
      } else {
      }
      %mul3A_103 = arith.constant 2 : i32
      %mul3A_104 = arith.muli %scan3A_81, %mul3A_103 : i32
      %add3A_105 = arith.constant 1 : i32
      %add3A_106 = arith.addi %mul3A_104, %add3A_105 : i32
      %dma_wait3A_107 = arith.constant 1 : i32
      %dma_wait3A_108 = arith.constant 0 : i32
      %dma_wait3A_109 = arith.constant 0 : i32
      %dma_wait3A_110 = tpu.memref_slice %arg9[%dma_wait3A_107, %dma_wait3A_108, %dma_wait3A_109] : memref<2x128x128xf32, #tpu.memory_space<vmem>> -> memref<1x128x128xf32, #tpu.memory_space<vmem>>
      %dma_wait3A_111 = tpu.memref_squeeze %dma_wait3A_110 : memref<1x128x128xf32, #tpu.memory_space<vmem>> -> memref<128x128xf32, #tpu.memory_space<vmem>>
      %dma_wait3A_112 = arith.constant 0 : i32
      %dma_wait3A_113 = tpu.memref_slice %arg7[%add3A_106, %dma_wait3A_112] : memref<40x128xi32, #tpu.memory_space<vmem>> -> memref<1x128xi32, #tpu.memory_space<vmem>>
      %dma_wait3A_114 = tpu.memref_squeeze %dma_wait3A_113 : memref<1x128xi32, #tpu.memory_space<vmem>> -> memref<128xi32, #tpu.memory_space<vmem>>
      %dma_wait3A_115 = arith.constant 0 : i32
      %dma_wait3A_116 = arith.constant 0 : i32
      %dma_wait3A_117 = tpu.memref_slice %arg2[%dma_wait3A_115, %dma_wait3A_116] : memref<10000x128xf32, #tpu.memory_space<hbm>> -> memref<10000x128xf32, #tpu.memory_space<hbm>>
      tpu.wait_indirect_dma semaphore(%arg12 : memref<!tpu.dma_semaphore, #tpu.memory_space<semaphore_mem>>) src(%dma_wait3A_117 : memref<10000x128xf32, #tpu.memory_space<hbm>>) dst(%dma_wait3A_111 : memref<128x128xf32, #tpu.memory_space<vmem>>)
      %run_scoped3A_118 = arith.constant 1 : i32
      "tpu.region"() ({
        %run_scoped3A_126 = tpu.sem_alloc : memref<!tpu.dma_semaphore, #tpu.memory_space<semaphore_mem>>
        %dma_start3A_127 = arith.constant 0 : i32
        %dma_start3A_128 = arith.constant 0 : i32
        %dma_start3A_129 = tpu.memref_slice %arg9[%run_scoped3A_118, %dma_start3A_127, %dma_start3A_128] : memref<2x128x128xf32, #tpu.memory_space<vmem>> -> memref<1x128x128xf32, #tpu.memory_space<vmem>>
        %dma_start3A_130 = tpu.memref_squeeze %dma_start3A_129 : memref<1x128x128xf32, #tpu.memory_space<vmem>> -> memref<128x128xf32, #tpu.memory_space<vmem>>
        %dma_start3A_131 = arith.constant 0 : i32
        %dma_start3A_132 = tpu.memref_slice %arg8[%add3A_106, %dma_start3A_131] : memref<40x128xi32, #tpu.memory_space<vmem>> -> memref<1x128xi32, #tpu.memory_space<vmem>>
        %dma_start3A_133 = tpu.memref_squeeze %dma_start3A_132 : memref<1x128xi32, #tpu.memory_space<vmem>> -> memref<128xi32, #tpu.memory_space<vmem>>
        %dma_start3A_134 = arith.constant 0 : i32
        %dma_start3A_135 = arith.constant 0 : i32
        %dma_start3A_136 = tpu.memref_slice %arg10[%dma_start3A_134, %dma_start3A_135] : memref<10016x128xf32, #tpu.memory_space<vmem_shared>> -> memref<10016x128xf32, #tpu.memory_space<vmem_shared>>
        tpu.enqueue_indirect_dma source(%dma_start3A_130 : memref<128x128xf32, #tpu.memory_space<vmem>>) target(%dma_start3A_136 : memref<10016x128xf32, #tpu.memory_space<vmem_shared>>) offsets(%dma_start3A_133 : memref<128xi32, #tpu.memory_space<vmem>>) semaphore(%run_scoped3A_126 : memref<!tpu.dma_semaphore, #tpu.memory_space<semaphore_mem>>) {add = true}
        %dma_wait3A_137 = arith.constant 0 : i32
        %dma_wait3A_138 = arith.constant 0 : i32
        %dma_wait3A_139 = tpu.memref_slice %arg9[%run_scoped3A_118, %dma_wait3A_137, %dma_wait3A_138] : memref<2x128x128xf32, #tpu.memory_space<vmem>> -> memref<1x128x128xf32, #tpu.memory_space<vmem>>
        %dma_wait3A_140 = tpu.memref_squeeze %dma_wait3A_139 : memref<1x128x128xf32, #tpu.memory_space<vmem>> -> memref<128x128xf32, #tpu.memory_space<vmem>>
        %dma_wait3A_141 = arith.constant 0 : i32
        %dma_wait3A_142 = tpu.memref_slice %arg8[%add3A_106, %dma_wait3A_141] : memref<40x128xi32, #tpu.memory_space<vmem>> -> memref<1x128xi32, #tpu.memory_space<vmem>>
        %dma_wait3A_143 = tpu.memref_squeeze %dma_wait3A_142 : memref<1x128xi32, #tpu.memory_space<vmem>> -> memref<128xi32, #tpu.memory_space<vmem>>
        %dma_wait3A_144 = arith.constant 0 : i32
        %dma_wait3A_145 = arith.constant 0 : i32
        %dma_wait3A_146 = tpu.memref_slice %arg10[%dma_wait3A_144, %dma_wait3A_145] : memref<10016x128xf32, #tpu.memory_space<vmem_shared>> -> memref<10016x128xf32, #tpu.memory_space<vmem_shared>>
        tpu.wait_indirect_dma semaphore(%run_scoped3A_126 : memref<!tpu.dma_semaphore, #tpu.memory_space<semaphore_mem>>) src(%dma_wait3A_140 : memref<128x128xf32, #tpu.memory_space<vmem>>) dst(%dma_wait3A_146 : memref<10016x128xf32, #tpu.memory_space<vmem_shared>>)
        tpu.yield
      }) : () -> ()
      %add3A_119 = arith.constant 2 : i32
      %add3A_120 = arith.addi %add3A_106, %add3A_119 : i32
      %lt3A_121 = arith.constant 40 : i32
      %lt3A_122 = arith.cmpi slt, %add3A_120, %lt3A_121 : i32
      %convert_element_type3A_123 = arith.extui %lt3A_122 : i1 to i32
      %cond3A_124 = arith.constant 0 : i32
      %cond3A_125 = arith.cmpi ne, %convert_element_type3A_123, %cond3A_124 : i32
      scf.if %cond3A_125 {
        %add3A_126 = arith.constant 2 : i32
        %add3A_127 = arith.addi %add3A_106, %add3A_126 : i32
        %dma_start3A_128 = arith.constant 1 : i32
        %dma_start3A_129 = arith.constant 0 : i32
        %dma_start3A_130 = arith.constant 0 : i32
        %dma_start3A_131 = tpu.memref_slice %arg9[%dma_start3A_128, %dma_start3A_129, %dma_start3A_130] : memref<2x128x128xf32, #tpu.memory_space<vmem>> -> memref<1x128x128xf32, #tpu.memory_space<vmem>>
        %dma_start3A_132 = tpu.memref_squeeze %dma_start3A_131 : memref<1x128x128xf32, #tpu.memory_space<vmem>> -> memref<128x128xf32, #tpu.memory_space<vmem>>
        %dma_start3A_133 = arith.constant 0 : i32
        %dma_start3A_134 = tpu.memref_slice %arg7[%add3A_127, %dma_start3A_133] : memref<40x128xi32, #tpu.memory_space<vmem>> -> memref<1x128xi32, #tpu.memory_space<vmem>>
        %dma_start3A_135 = tpu.memref_squeeze %dma_start3A_134 : memref<1x128xi32, #tpu.memory_space<vmem>> -> memref<128xi32, #tpu.memory_space<vmem>>
        %dma_start3A_136 = arith.constant 0 : i32
        %dma_start3A_137 = arith.constant 0 : i32
        %dma_start3A_138 = tpu.memref_slice %arg2[%dma_start3A_136, %dma_start3A_137] : memref<10000x128xf32, #tpu.memory_space<hbm>> -> memref<10000x128xf32, #tpu.memory_space<hbm>>
        tpu.enqueue_indirect_dma source(%dma_start3A_138 : memref<10000x128xf32, #tpu.memory_space<hbm>>) target(%dma_start3A_132 : memref<128x128xf32, #tpu.memory_space<vmem>>) offsets(%dma_start3A_135 : memref<128xi32, #tpu.memory_space<vmem>>) semaphore(%arg12 : memref<!tpu.dma_semaphore, #tpu.memory_space<semaphore_mem>>)
      } else {
      }
    }
    %scan3A_69 = arith.constant 20 : i32
    %barrier3A_70 = arith.constant 0 : index
    tpu.barrier barrier_id(%barrier3A_70)
    %lt3A_71 = arith.constant 15 : i32
    %lt3A_72 = arith.cmpi slt, %arg1, %lt3A_71 : i32
    %convert_element_type3A_73 = arith.extui %lt3A_72 : i1 to i32
    %cond3A_74 = arith.constant 0 : i32
    %cond3A_75 = arith.cmpi ne, %convert_element_type3A_73, %cond3A_74 : i32
    scf.if %cond3A_75 {
      "tpu.region"() ({
        %run_scoped3A = tpu.sem_alloc : memref<!tpu.dma_semaphore, #tpu.memory_space<semaphore_mem>>
        %dma_start3A_81 = arith.constant 0 : i32
        %dma_start3A_82 = tpu.memref_slice %arg6[%arg0, %multiple_of3A_5, %dma_start3A_81] : memref<2x10000x128xf32, #tpu.memory_space<hbm>> -> memref<1x632x128xf32, #tpu.memory_space<hbm>>
        %dma_start3A_83 = tpu.memref_squeeze %dma_start3A_82 : memref<1x632x128xf32, #tpu.memory_space<hbm>> -> memref<632x128xf32, #tpu.memory_space<hbm>>
        %dma_start3A_84 = arith.constant 0 : i32
        %dma_start3A_85 = tpu.memref_slice %arg10[%multiple_of3A_5, %dma_start3A_84] : memref<10016x128xf32, #tpu.memory_space<vmem_shared>> -> memref<632x128xf32, #tpu.memory_space<vmem_shared>>
        tpu.enqueue_dma source(%dma_start3A_85 : memref<632x128xf32, #tpu.memory_space<vmem_shared>>) target(%dma_start3A_83 : memref<632x128xf32, #tpu.memory_space<hbm>>) target_semaphore(%run_scoped3A : memref<!tpu.dma_semaphore, #tpu.memory_space<semaphore_mem>>)
        %dma_wait3A = arith.constant 0 : i32
        %dma_wait3A_86 = tpu.memref_slice %arg6[%arg0, %multiple_of3A_5, %dma_wait3A] : memref<2x10000x128xf32, #tpu.memory_space<hbm>> -> memref<1x632x128xf32, #tpu.memory_space<hbm>>
        %dma_wait3A_87 = tpu.memref_squeeze %dma_wait3A_86 : memref<1x632x128xf32, #tpu.memory_space<hbm>> -> memref<632x128xf32, #tpu.memory_space<hbm>>
        %dma_wait3A_88 = arith.constant 0 : i32
        %dma_wait3A_89 = tpu.memref_slice %arg10[%multiple_of3A_5, %dma_wait3A_88] : memref<10016x128xf32, #tpu.memory_space<vmem_shared>> -> memref<632x128xf32, #tpu.memory_space<vmem_shared>>
        tpu.wait_dma2 semaphore(%run_scoped3A : memref<!tpu.dma_semaphore, #tpu.memory_space<semaphore_mem>>) src(%dma_wait3A_89 : memref<632x128xf32, #tpu.memory_space<vmem_shared>>) dst(%dma_wait3A_87 : memref<632x128xf32, #tpu.memory_space<hbm>>)
        tpu.yield
      }) : () -> ()
    } else {
    }
    %eq3A_76 = arith.constant 15 : i32
    %eq3A_77 = arith.cmpi eq, %arg1, %eq3A_76 : i32
    %convert_element_type3A_78 = arith.extui %eq3A_77 : i1 to i32
    %cond3A_79 = arith.constant 0 : i32
    %cond3A_80 = arith.cmpi ne, %convert_element_type3A_78, %cond3A_79 : i32
    scf.if %cond3A_80 {
      "tpu.region"() ({
        %run_scoped3A = tpu.sem_alloc : memref<!tpu.dma_semaphore, #tpu.memory_space<semaphore_mem>>
        %dma_start3A_81 = arith.constant 9480 : i32
        %dma_start3A_82 = arith.constant 0 : i32
        %dma_start3A_83 = tpu.memref_slice %arg6[%arg0, %dma_start3A_81, %dma_start3A_82] : memref<2x10000x128xf32, #tpu.memory_space<hbm>> -> memref<1x520x128xf32, #tpu.memory_space<hbm>>
        %dma_start3A_84 = tpu.memref_squeeze %dma_start3A_83 : memref<1x520x128xf32, #tpu.memory_space<hbm>> -> memref<520x128xf32, #tpu.memory_space<hbm>>
        %dma_start3A_85 = arith.constant 9480 : i32
        %dma_start3A_86 = arith.constant 0 : i32
        %dma_start3A_87 = tpu.memref_slice %arg10[%dma_start3A_85, %dma_start3A_86] : memref<10016x128xf32, #tpu.memory_space<vmem_shared>> -> memref<520x128xf32, #tpu.memory_space<vmem_shared>>
        tpu.enqueue_dma source(%dma_start3A_87 : memref<520x128xf32, #tpu.memory_space<vmem_shared>>) target(%dma_start3A_84 : memref<520x128xf32, #tpu.memory_space<hbm>>) target_semaphore(%run_scoped3A : memref<!tpu.dma_semaphore, #tpu.memory_space<semaphore_mem>>)
        %dma_wait3A = arith.constant 9480 : i32
        %dma_wait3A_88 = arith.constant 0 : i32
        %dma_wait3A_89 = tpu.memref_slice %arg6[%arg0, %dma_wait3A, %dma_wait3A_88] : memref<2x10000x128xf32, #tpu.memory_space<hbm>> -> memref<1x520x128xf32, #tpu.memory_space<hbm>>
        %dma_wait3A_90 = tpu.memref_squeeze %dma_wait3A_89 : memref<1x520x128xf32, #tpu.memory_space<hbm>> -> memref<520x128xf32, #tpu.memory_space<hbm>>
        %dma_wait3A_91 = arith.constant 9480 : i32
        %dma_wait3A_92 = arith.constant 0 : i32
        %dma_wait3A_93 = tpu.memref_slice %arg10[%dma_wait3A_91, %dma_wait3A_92] : memref<10016x128xf32, #tpu.memory_space<vmem_shared>> -> memref<520x128xf32, #tpu.memory_space<vmem_shared>>
        tpu.wait_dma2 semaphore(%run_scoped3A : memref<!tpu.dma_semaphore, #tpu.memory_space<semaphore_mem>>) src(%dma_wait3A_93 : memref<520x128xf32, #tpu.memory_space<vmem_shared>>) dst(%dma_wait3A_90 : memref<520x128xf32, #tpu.memory_space<hbm>>)
        tpu.yield
      }) : () -> ()
    } else {
    }
    return
  }
}

#map = affine_map<(d0, d1) -> (0, 0)>
#map1 = affine_map<(d0, d1) -> (0, 0, 0)>
module attributes {stable_mosaic.version = 14 : i64} {
  func.func @sc_scatter(%arg0: i32, %arg1: i32, %arg2: memref<10000x128xf32, #tpu.memory_space<hbm>>, %arg3: memref<32x80x128xi32, #tpu.memory_space<hbm>>, %arg4: memref<32x80x128xi32, #tpu.memory_space<hbm>>, %arg5: memref<632x128xf32, #tpu.memory_space<hbm>>, %arg6: memref<2x10000x128xf32, #tpu.memory_space<hbm>>, %arg7: memref<40x128xi32, #tpu.memory_space<vmem>>, %arg8: memref<40x128xi32, #tpu.memory_space<vmem>>, %arg9: memref<2x128x128xf32, #tpu.memory_space<vmem>>, %arg10: memref<10016x128xf32, #tpu.memory_space<vmem_shared>>, %arg11: memref<!tpu.dma_semaphore, #tpu.memory_space<semaphore_mem>>, %arg12: memref<!tpu.dma_semaphore, #tpu.memory_space<semaphore_mem>>) attributes {dimension_semantics = [#tpu.dimension_semantics<core_parallel>, #tpu.dimension_semantics<subcore_parallel>], iteration_bounds = array<i64: 2, 16>, scalar_prefetch = 0 : i64, scratch_operands = 6 : i64, tpu.core_type = #tpu.core_type<sc_vector_subcore>, window_params = [{transform_indices = #map}, {transform_indices = #map1}, {transform_indices = #map1}, {transform_indices = #map}, {transform_indices = #map1}]} {
    %mul3A = arith.constant 16 : i32
    %mul3A_0 = arith.muli %arg0, %mul3A : i32
    %add3A = arith.addi %mul3A_0, %arg1 : i32
    %mul3A_1 = arith.constant 632 : i32
    %mul3A_2 = arith.muli %arg1, %mul3A_1 : i32
    %multiple_of3A = tpu.assume_multiple %mul3A_2, 8 : i32
    %mul3A_3 = arith.constant 632 : i32
    %mul3A_4 = arith.muli %arg1, %mul3A_3 : i32
    %multiple_of3A_5 = tpu.assume_multiple %mul3A_4, 8 : i32
    %lt3A = arith.constant 15 : i32
    %lt3A_6 = arith.cmpi slt, %arg1, %lt3A : i32
    %convert_element_type3A = arith.extui %lt3A_6 : i1 to i32
    %cond3A = arith.constant 0 : i32
    %cond3A_7 = arith.cmpi ne, %convert_element_type3A, %cond3A : i32
    scf.if %cond3A_7 {
      "tpu.region"() ({
        %run_scoped3A = tpu.sem_alloc : memref<!tpu.dma_semaphore, #tpu.memory_space<semaphore_mem>>
        %dma_start3A_81 = arith.constant 0 : i32
        %dma_start3A_82 = tpu.memref_slice %arg10[%multiple_of3A, %dma_start3A_81] : memref<10016x128xf32, #tpu.memory_space<vmem_shared>> -> memref<632x128xf32, #tpu.memory_space<vmem_shared>>
        tpu.enqueue_dma source(%arg5 : memref<632x128xf32, #tpu.memory_space<hbm>>) target(%dma_start3A_82 : memref<632x128xf32, #tpu.memory_space<vmem_shared>>) target_semaphore(%run_scoped3A : memref<!tpu.dma_semaphore, #tpu.memory_space<semaphore_mem>>)
        %dma_wait3A = arith.constant 0 : i32
        %dma_wait3A_83 = tpu.memref_slice %arg10[%multiple_of3A, %dma_wait3A] : memref<10016x128xf32, #tpu.memory_space<vmem_shared>> -> memref<632x128xf32, #tpu.memory_space<vmem_shared>>
        tpu.wait_dma2 semaphore(%run_scoped3A : memref<!tpu.dma_semaphore, #tpu.memory_space<semaphore_mem>>) src(%arg5 : memref<632x128xf32, #tpu.memory_space<hbm>>) dst(%dma_wait3A_83 : memref<632x128xf32, #tpu.memory_space<vmem_shared>>)
        tpu.yield
      }) : () -> ()
    } else {
    }
    %eq3A = arith.constant 15 : i32
    %eq3A_8 = arith.cmpi eq, %arg1, %eq3A : i32
    %convert_element_type3A_9 = arith.extui %eq3A_8 : i1 to i32
    %cond3A_10 = arith.constant 0 : i32
    %cond3A_11 = arith.cmpi ne, %convert_element_type3A_9, %cond3A_10 : i32
    scf.if %cond3A_11 {
      "tpu.region"() ({
        %run_scoped3A = tpu.sem_alloc : memref<!tpu.dma_semaphore, #tpu.memory_space<semaphore_mem>>
        %dma_start3A_81 = arith.constant 9480 : i32
        %dma_start3A_82 = arith.constant 0 : i32
        %dma_start3A_83 = tpu.memref_slice %arg10[%dma_start3A_81, %dma_start3A_82] : memref<10016x128xf32, #tpu.memory_space<vmem_shared>> -> memref<536x128xf32, #tpu.memory_space<vmem_shared>>
        %dma_start3A_84 = arith.constant 0 : i32
        %dma_start3A_85 = arith.constant 0 : i32
        %dma_start3A_86 = tpu.memref_slice %arg5[%dma_start3A_84, %dma_start3A_85] : memref<632x128xf32, #tpu.memory_space<hbm>> -> memref<536x128xf32, #tpu.memory_space<hbm>>
        tpu.enqueue_dma source(%dma_start3A_86 : memref<536x128xf32, #tpu.memory_space<hbm>>) target(%dma_start3A_83 : memref<536x128xf32, #tpu.memory_space<vmem_shared>>) target_semaphore(%run_scoped3A : memref<!tpu.dma_semaphore, #tpu.memory_space<semaphore_mem>>)
        %dma_wait3A = arith.constant 9480 : i32
        %dma_wait3A_87 = arith.constant 0 : i32
        %dma_wait3A_88 = tpu.memref_slice %arg10[%dma_wait3A, %dma_wait3A_87] : memref<10016x128xf32, #tpu.memory_space<vmem_shared>> -> memref<536x128xf32, #tpu.memory_space<vmem_shared>>
        %dma_wait3A_89 = arith.constant 0 : i32
        %dma_wait3A_90 = arith.constant 0 : i32
        %dma_wait3A_91 = tpu.memref_slice %arg5[%dma_wait3A_89, %dma_wait3A_90] : memref<632x128xf32, #tpu.memory_space<hbm>> -> memref<536x128xf32, #tpu.memory_space<hbm>>
        tpu.wait_dma2 semaphore(%run_scoped3A : memref<!tpu.dma_semaphore, #tpu.memory_space<semaphore_mem>>) src(%dma_wait3A_91 : memref<536x128xf32, #tpu.memory_space<hbm>>) dst(%dma_wait3A_88 : memref<536x128xf32, #tpu.memory_space<vmem_shared>>)
        tpu.yield
      }) : () -> ()
    } else {
    }
    "tpu.region"() ({
      %run_scoped3A = tpu.sem_alloc : memref<!tpu.dma_semaphore, #tpu.memory_space<semaphore_mem>>
      %dma_start3A_81 = arith.constant 0 : i32
      %dma_start3A_82 = arith.constant 0 : i32
      %dma_start3A_83 = tpu.memref_slice %arg3[%add3A, %dma_start3A_81, %dma_start3A_82] : memref<32x80x128xi32, #tpu.memory_space<hbm>> -> memref<1x40x128xi32, #tpu.memory_space<hbm>>
      %dma_start3A_84 = tpu.memref_squeeze %dma_start3A_83 : memref<1x40x128xi32, #tpu.memory_space<hbm>> -> memref<40x128xi32, #tpu.memory_space<hbm>>
      %dma_start3A_85 = arith.constant 0 : i32
      %dma_start3A_86 = arith.constant 0 : i32
      %dma_start3A_87 = tpu.memref_slice %arg3[%add3A, %dma_start3A_85, %dma_start3A_86] : memref<32x80x128xi32, #tpu.memory_space<hbm>> -> memref<1x40x128xi32, #tpu.memory_space<hbm>>
      %dma_start3A_88 = tpu.memref_squeeze %dma_start3A_87 : memref<1x40x128xi32, #tpu.memory_space<hbm>> -> memref<40x128xi32, #tpu.memory_space<hbm>>
      tpu.enqueue_dma source(%dma_start3A_88 : memref<40x128xi32, #tpu.memory_space<hbm>>) target(%arg7 : memref<40x128xi32, #tpu.memory_space<vmem>>) target_semaphore(%run_scoped3A : memref<!tpu.dma_semaphore, #tpu.memory_space<semaphore_mem>>)
      %dma_wait3A = arith.constant 0 : i32
      %dma_wait3A_89 = arith.constant 0 : i32
      %dma_wait3A_90 = tpu.memref_slice %arg3[%add3A, %dma_wait3A, %dma_wait3A_89] : memref<32x80x128xi32, #tpu.memory_space<hbm>> -> memref<1x40x128xi32, #tpu.memory_space<hbm>>
      %dma_wait3A_91 = tpu.memref_squeeze %dma_wait3A_90 : memref<1x40x128xi32, #tpu.memory_space<hbm>> -> memref<40x128xi32, #tpu.memory_space<hbm>>
      %dma_wait3A_92 = arith.constant 0 : i32
      %dma_wait3A_93 = arith.constant 0 : i32
      %dma_wait3A_94 = tpu.memref_slice %arg3[%add3A, %dma_wait3A_92, %dma_wait3A_93] : memref<32x80x128xi32, #tpu.memory_space<hbm>> -> memref<1x40x128xi32, #tpu.memory_space<hbm>>
      %dma_wait3A_95 = tpu.memref_squeeze %dma_wait3A_94 : memref<1x40x128xi32, #tpu.memory_space<hbm>> -> memref<40x128xi32, #tpu.memory_space<hbm>>
      tpu.wait_dma2 semaphore(%run_scoped3A : memref<!tpu.dma_semaphore, #tpu.memory_space<semaphore_mem>>) src(%dma_wait3A_95 : memref<40x128xi32, #tpu.memory_space<hbm>>) dst(%arg7 : memref<40x128xi32, #tpu.memory_space<vmem>>)
      tpu.yield
    }) : () -> ()
    "tpu.region"() ({
      %run_scoped3A = tpu.sem_alloc : memref<!tpu.dma_semaphore, #tpu.memory_space<semaphore_mem>>
      %dma_start3A_81 = arith.constant 0 : i32
      %dma_start3A_82 = arith.constant 0 : i32
      %dma_start3A_83 = tpu.memref_slice %arg4[%add3A, %dma_start3A_81, %dma_start3A_82] : memref<32x80x128xi32, #tpu.memory_space<hbm>> -> memref<1x40x128xi32, #tpu.memory_space<hbm>>
      %dma_start3A_84 = tpu.memref_squeeze %dma_start3A_83 : memref<1x40x128xi32, #tpu.memory_space<hbm>> -> memref<40x128xi32, #tpu.memory_space<hbm>>
      %dma_start3A_85 = arith.constant 0 : i32
      %dma_start3A_86 = arith.constant 0 : i32
      %dma_start3A_87 = tpu.memref_slice %arg4[%add3A, %dma_start3A_85, %dma_start3A_86] : memref<32x80x128xi32, #tpu.memory_space<hbm>> -> memref<1x40x128xi32, #tpu.memory_space<hbm>>
      %dma_start3A_88 = tpu.memref_squeeze %dma_start3A_87 : memref<1x40x128xi32, #tpu.memory_space<hbm>> -> memref<40x128xi32, #tpu.memory_space<hbm>>
      tpu.enqueue_dma source(%dma_start3A_88 : memref<40x128xi32, #tpu.memory_space<hbm>>) target(%arg8 : memref<40x128xi32, #tpu.memory_space<vmem>>) target_semaphore(%run_scoped3A : memref<!tpu.dma_semaphore, #tpu.memory_space<semaphore_mem>>)
      %dma_wait3A = arith.constant 0 : i32
      %dma_wait3A_89 = arith.constant 0 : i32
      %dma_wait3A_90 = tpu.memref_slice %arg4[%add3A, %dma_wait3A, %dma_wait3A_89] : memref<32x80x128xi32, #tpu.memory_space<hbm>> -> memref<1x40x128xi32, #tpu.memory_space<hbm>>
      %dma_wait3A_91 = tpu.memref_squeeze %dma_wait3A_90 : memref<1x40x128xi32, #tpu.memory_space<hbm>> -> memref<40x128xi32, #tpu.memory_space<hbm>>
      %dma_wait3A_92 = arith.constant 0 : i32
      %dma_wait3A_93 = arith.constant 0 : i32
      %dma_wait3A_94 = tpu.memref_slice %arg4[%add3A, %dma_wait3A_92, %dma_wait3A_93] : memref<32x80x128xi32, #tpu.memory_space<hbm>> -> memref<1x40x128xi32, #tpu.memory_space<hbm>>
      %dma_wait3A_95 = tpu.memref_squeeze %dma_wait3A_94 : memref<1x40x128xi32, #tpu.memory_space<hbm>> -> memref<40x128xi32, #tpu.memory_space<hbm>>
      tpu.wait_dma2 semaphore(%run_scoped3A : memref<!tpu.dma_semaphore, #tpu.memory_space<semaphore_mem>>) src(%dma_wait3A_95 : memref<40x128xi32, #tpu.memory_space<hbm>>) dst(%arg8 : memref<40x128xi32, #tpu.memory_space<vmem>>)
      tpu.yield
    }) : () -> ()
    %dma_start3A = arith.constant 0 : i32
    %dma_start3A_12 = arith.constant 0 : i32
    %dma_start3A_13 = arith.constant 0 : i32
    %dma_start3A_14 = arith.constant 0 : i32
    %dma_start3A_15 = tpu.memref_slice %arg9[%dma_start3A_12, %dma_start3A_13, %dma_start3A_14] : memref<2x128x128xf32, #tpu.memory_space<vmem>> -> memref<1x128x128xf32, #tpu.memory_space<vmem>>
    %dma_start3A_16 = tpu.memref_squeeze %dma_start3A_15 : memref<1x128x128xf32, #tpu.memory_space<vmem>> -> memref<128x128xf32, #tpu.memory_space<vmem>>
    %dma_start3A_17 = arith.constant 0 : i32
    %dma_start3A_18 = tpu.memref_slice %arg7[%dma_start3A, %dma_start3A_17] : memref<40x128xi32, #tpu.memory_space<vmem>> -> memref<1x128xi32, #tpu.memory_space<vmem>>
    %dma_start3A_19 = tpu.memref_squeeze %dma_start3A_18 : memref<1x128xi32, #tpu.memory_space<vmem>> -> memref<128xi32, #tpu.memory_space<vmem>>
    %dma_start3A_20 = arith.constant 0 : i32
    %dma_start3A_21 = arith.constant 0 : i32
    %dma_start3A_22 = tpu.memref_slice %arg2[%dma_start3A_20, %dma_start3A_21] : memref<10000x128xf32, #tpu.memory_space<hbm>> -> memref<10000x128xf32, #tpu.memory_space<hbm>>
    tpu.enqueue_indirect_dma source(%dma_start3A_22 : memref<10000x128xf32, #tpu.memory_space<hbm>>) target(%dma_start3A_16 : memref<128x128xf32, #tpu.memory_space<vmem>>) offsets(%dma_start3A_19 : memref<128xi32, #tpu.memory_space<vmem>>) semaphore(%arg11 : memref<!tpu.dma_semaphore, #tpu.memory_space<semaphore_mem>>)
    %dma_start3A_23 = arith.constant 1 : i32
    %dma_start3A_24 = arith.constant 1 : i32
    %dma_start3A_25 = arith.constant 0 : i32
    %dma_start3A_26 = arith.constant 0 : i32
    %dma_start3A_27 = tpu.memref_slice %arg9[%dma_start3A_24, %dma_start3A_25, %dma_start3A_26] : memref<2x128x128xf32, #tpu.memory_space<vmem>> -> memref<1x128x128xf32, #tpu.memory_space<vmem>>
    %dma_start3A_28 = tpu.memref_squeeze %dma_start3A_27 : memref<1x128x128xf32, #tpu.memory_space<vmem>> -> memref<128x128xf32, #tpu.memory_space<vmem>>
    %dma_start3A_29 = arith.constant 0 : i32
    %dma_start3A_30 = tpu.memref_slice %arg7[%dma_start3A_23, %dma_start3A_29] : memref<40x128xi32, #tpu.memory_space<vmem>> -> memref<1x128xi32, #tpu.memory_space<vmem>>
    %dma_start3A_31 = tpu.memref_squeeze %dma_start3A_30 : memref<1x128xi32, #tpu.memory_space<vmem>> -> memref<128xi32, #tpu.memory_space<vmem>>
    %dma_start3A_32 = arith.constant 0 : i32
    %dma_start3A_33 = arith.constant 0 : i32
    %dma_start3A_34 = tpu.memref_slice %arg2[%dma_start3A_32, %dma_start3A_33] : memref<10000x128xf32, #tpu.memory_space<hbm>> -> memref<10000x128xf32, #tpu.memory_space<hbm>>
    tpu.enqueue_indirect_dma source(%dma_start3A_34 : memref<10000x128xf32, #tpu.memory_space<hbm>>) target(%dma_start3A_28 : memref<128x128xf32, #tpu.memory_space<vmem>>) offsets(%dma_start3A_31 : memref<128xi32, #tpu.memory_space<vmem>>) semaphore(%arg12 : memref<!tpu.dma_semaphore, #tpu.memory_space<semaphore_mem>>)
    %barrier3A = arith.constant 0 : index
    tpu.barrier barrier_id(%barrier3A)
    %scan3A = arith.constant 0 : i32
    %scan3A_35 = arith.constant 0 : i32
    %scan3A_36 = arith.constant 20 : i32
    %scan3A_37 = arith.addi %scan3A_35, %scan3A_36 : i32
    %scan3A_38 = arith.constant 1 : i32
    scf.for %scan3A_81 = %scan3A_35 to %scan3A_37 step %scan3A_38  : i32 {
      %mul3A_82 = arith.constant 2 : i32
      %mul3A_83 = arith.muli %scan3A_81, %mul3A_82 : i32
      %add3A_84 = arith.constant 0 : i32
      %add3A_85 = arith.addi %mul3A_83, %add3A_84 : i32
      %dma_wait3A = arith.constant 0 : i32
      %dma_wait3A_86 = arith.constant 0 : i32
      %dma_wait3A_87 = arith.constant 0 : i32
      %dma_wait3A_88 = tpu.memref_slice %arg9[%dma_wait3A, %dma_wait3A_86, %dma_wait3A_87] : memref<2x128x128xf32, #tpu.memory_space<vmem>> -> memref<1x128x128xf32, #tpu.memory_space<vmem>>
      %dma_wait3A_89 = tpu.memref_squeeze %dma_wait3A_88 : memref<1x128x128xf32, #tpu.memory_space<vmem>> -> memref<128x128xf32, #tpu.memory_space<vmem>>
      %dma_wait3A_90 = arith.constant 0 : i32
      %dma_wait3A_91 = tpu.memref_slice %arg7[%add3A_85, %dma_wait3A_90] : memref<40x128xi32, #tpu.memory_space<vmem>> -> memref<1x128xi32, #tpu.memory_space<vmem>>
      %dma_wait3A_92 = tpu.memref_squeeze %dma_wait3A_91 : memref<1x128xi32, #tpu.memory_space<vmem>> -> memref<128xi32, #tpu.memory_space<vmem>>
      %dma_wait3A_93 = arith.constant 0 : i32
      %dma_wait3A_94 = arith.constant 0 : i32
      %dma_wait3A_95 = tpu.memref_slice %arg2[%dma_wait3A_93, %dma_wait3A_94] : memref<10000x128xf32, #tpu.memory_space<hbm>> -> memref<10000x128xf32, #tpu.memory_space<hbm>>
      tpu.wait_indirect_dma semaphore(%arg11 : memref<!tpu.dma_semaphore, #tpu.memory_space<semaphore_mem>>) src(%dma_wait3A_95 : memref<10000x128xf32, #tpu.memory_space<hbm>>) dst(%dma_wait3A_89 : memref<128x128xf32, #tpu.memory_space<vmem>>)
      %run_scoped3A = arith.constant 0 : i32
      "tpu.region"() ({
        %run_scoped3A_126 = tpu.sem_alloc : memref<!tpu.dma_semaphore, #tpu.memory_space<semaphore_mem>>
        %dma_start3A_127 = arith.constant 0 : i32
        %dma_start3A_128 = arith.constant 0 : i32
        %dma_start3A_129 = tpu.memref_slice %arg9[%run_scoped3A, %dma_start3A_127, %dma_start3A_128] : memref<2x128x128xf32, #tpu.memory_space<vmem>> -> memref<1x128x128xf32, #tpu.memory_space<vmem>>
        %dma_start3A_130 = tpu.memref_squeeze %dma_start3A_129 : memref<1x128x128xf32, #tpu.memory_space<vmem>> -> memref<128x128xf32, #tpu.memory_space<vmem>>
        %dma_start3A_131 = arith.constant 0 : i32
        %dma_start3A_132 = tpu.memref_slice %arg8[%add3A_85, %dma_start3A_131] : memref<40x128xi32, #tpu.memory_space<vmem>> -> memref<1x128xi32, #tpu.memory_space<vmem>>
        %dma_start3A_133 = tpu.memref_squeeze %dma_start3A_132 : memref<1x128xi32, #tpu.memory_space<vmem>> -> memref<128xi32, #tpu.memory_space<vmem>>
        %dma_start3A_134 = arith.constant 0 : i32
        %dma_start3A_135 = arith.constant 0 : i32
        %dma_start3A_136 = tpu.memref_slice %arg10[%dma_start3A_134, %dma_start3A_135] : memref<10016x128xf32, #tpu.memory_space<vmem_shared>> -> memref<10016x128xf32, #tpu.memory_space<vmem_shared>>
        tpu.enqueue_indirect_dma source(%dma_start3A_130 : memref<128x128xf32, #tpu.memory_space<vmem>>) target(%dma_start3A_136 : memref<10016x128xf32, #tpu.memory_space<vmem_shared>>) offsets(%dma_start3A_133 : memref<128xi32, #tpu.memory_space<vmem>>) semaphore(%run_scoped3A_126 : memref<!tpu.dma_semaphore, #tpu.memory_space<semaphore_mem>>) {add = true}
        %dma_wait3A_137 = arith.constant 0 : i32
        %dma_wait3A_138 = arith.constant 0 : i32
        %dma_wait3A_139 = tpu.memref_slice %arg9[%run_scoped3A, %dma_wait3A_137, %dma_wait3A_138] : memref<2x128x128xf32, #tpu.memory_space<vmem>> -> memref<1x128x128xf32, #tpu.memory_space<vmem>>
        %dma_wait3A_140 = tpu.memref_squeeze %dma_wait3A_139 : memref<1x128x128xf32, #tpu.memory_space<vmem>> -> memref<128x128xf32, #tpu.memory_space<vmem>>
        %dma_wait3A_141 = arith.constant 0 : i32
        %dma_wait3A_142 = tpu.memref_slice %arg8[%add3A_85, %dma_wait3A_141] : memref<40x128xi32, #tpu.memory_space<vmem>> -> memref<1x128xi32, #tpu.memory_space<vmem>>
        %dma_wait3A_143 = tpu.memref_squeeze %dma_wait3A_142 : memref<1x128xi32, #tpu.memory_space<vmem>> -> memref<128xi32, #tpu.memory_space<vmem>>
        %dma_wait3A_144 = arith.constant 0 : i32
        %dma_wait3A_145 = arith.constant 0 : i32
        %dma_wait3A_146 = tpu.memref_slice %arg10[%dma_wait3A_144, %dma_wait3A_145] : memref<10016x128xf32, #tpu.memory_space<vmem_shared>> -> memref<10016x128xf32, #tpu.memory_space<vmem_shared>>
        tpu.wait_indirect_dma semaphore(%run_scoped3A_126 : memref<!tpu.dma_semaphore, #tpu.memory_space<semaphore_mem>>) src(%dma_wait3A_140 : memref<128x128xf32, #tpu.memory_space<vmem>>) dst(%dma_wait3A_146 : memref<10016x128xf32, #tpu.memory_space<vmem_shared>>)
        tpu.yield
      }) : () -> ()
      %add3A_96 = arith.constant 2 : i32
      %add3A_97 = arith.addi %add3A_85, %add3A_96 : i32
      %lt3A_98 = arith.constant 40 : i32
      %lt3A_99 = arith.cmpi slt, %add3A_97, %lt3A_98 : i32
      %convert_element_type3A_100 = arith.extui %lt3A_99 : i1 to i32
      %cond3A_101 = arith.constant 0 : i32
      %cond3A_102 = arith.cmpi ne, %convert_element_type3A_100, %cond3A_101 : i32
      scf.if %cond3A_102 {
        %add3A_126 = arith.constant 2 : i32
        %add3A_127 = arith.addi %add3A_85, %add3A_126 : i32
        %dma_start3A_128 = arith.constant 0 : i32
        %dma_start3A_129 = arith.constant 0 : i32
        %dma_start3A_130 = arith.constant 0 : i32
        %dma_start3A_131 = tpu.memref_slice %arg9[%dma_start3A_128, %dma_start3A_129, %dma_start3A_130] : memref<2x128x128xf32, #tpu.memory_space<vmem>> -> memref<1x128x128xf32, #tpu.memory_space<vmem>>
        %dma_start3A_132 = tpu.memref_squeeze %dma_start3A_131 : memref<1x128x128xf32, #tpu.memory_space<vmem>> -> memref<128x128xf32, #tpu.memory_space<vmem>>
        %dma_start3A_133 = arith.constant 0 : i32
        %dma_start3A_134 = tpu.memref_slice %arg7[%add3A_127, %dma_start3A_133] : memref<40x128xi32, #tpu.memory_space<vmem>> -> memref<1x128xi32, #tpu.memory_space<vmem>>
        %dma_start3A_135 = tpu.memref_squeeze %dma_start3A_134 : memref<1x128xi32, #tpu.memory_space<vmem>> -> memref<128xi32, #tpu.memory_space<vmem>>
        %dma_start3A_136 = arith.constant 0 : i32
        %dma_start3A_137 = arith.constant 0 : i32
        %dma_start3A_138 = tpu.memref_slice %arg2[%dma_start3A_136, %dma_start3A_137] : memref<10000x128xf32, #tpu.memory_space<hbm>> -> memref<10000x128xf32, #tpu.memory_space<hbm>>
        tpu.enqueue_indirect_dma source(%dma_start3A_138 : memref<10000x128xf32, #tpu.memory_space<hbm>>) target(%dma_start3A_132 : memref<128x128xf32, #tpu.memory_space<vmem>>) offsets(%dma_start3A_135 : memref<128xi32, #tpu.memory_space<vmem>>) semaphore(%arg11 : memref<!tpu.dma_semaphore, #tpu.memory_space<semaphore_mem>>)
      } else {
      }
      %mul3A_103 = arith.constant 2 : i32
      %mul3A_104 = arith.muli %scan3A_81, %mul3A_103 : i32
      %add3A_105 = arith.constant 1 : i32
      %add3A_106 = arith.addi %mul3A_104, %add3A_105 : i32
      %dma_wait3A_107 = arith.constant 1 : i32
      %dma_wait3A_108 = arith.constant 0 : i32
      %dma_wait3A_109 = arith.constant 0 : i32
      %dma_wait3A_110 = tpu.memref_slice %arg9[%dma_wait3A_107, %dma_wait3A_108, %dma_wait3A_109] : memref<2x128x128xf32, #tpu.memory_space<vmem>> -> memref<1x128x128xf32, #tpu.memory_space<vmem>>
      %dma_wait3A_111 = tpu.memref_squeeze %dma_wait3A_110 : memref<1x128x128xf32, #tpu.memory_space<vmem>> -> memref<128x128xf32, #tpu.memory_space<vmem>>
      %dma_wait3A_112 = arith.constant 0 : i32
      %dma_wait3A_113 = tpu.memref_slice %arg7[%add3A_106, %dma_wait3A_112] : memref<40x128xi32, #tpu.memory_space<vmem>> -> memref<1x128xi32, #tpu.memory_space<vmem>>
      %dma_wait3A_114 = tpu.memref_squeeze %dma_wait3A_113 : memref<1x128xi32, #tpu.memory_space<vmem>> -> memref<128xi32, #tpu.memory_space<vmem>>
      %dma_wait3A_115 = arith.constant 0 : i32
      %dma_wait3A_116 = arith.constant 0 : i32
      %dma_wait3A_117 = tpu.memref_slice %arg2[%dma_wait3A_115, %dma_wait3A_116] : memref<10000x128xf32, #tpu.memory_space<hbm>> -> memref<10000x128xf32, #tpu.memory_space<hbm>>
      tpu.wait_indirect_dma semaphore(%arg12 : memref<!tpu.dma_semaphore, #tpu.memory_space<semaphore_mem>>) src(%dma_wait3A_117 : memref<10000x128xf32, #tpu.memory_space<hbm>>) dst(%dma_wait3A_111 : memref<128x128xf32, #tpu.memory_space<vmem>>)
      %run_scoped3A_118 = arith.constant 1 : i32
      "tpu.region"() ({
        %run_scoped3A_126 = tpu.sem_alloc : memref<!tpu.dma_semaphore, #tpu.memory_space<semaphore_mem>>
        %dma_start3A_127 = arith.constant 0 : i32
        %dma_start3A_128 = arith.constant 0 : i32
        %dma_start3A_129 = tpu.memref_slice %arg9[%run_scoped3A_118, %dma_start3A_127, %dma_start3A_128] : memref<2x128x128xf32, #tpu.memory_space<vmem>> -> memref<1x128x128xf32, #tpu.memory_space<vmem>>
        %dma_start3A_130 = tpu.memref_squeeze %dma_start3A_129 : memref<1x128x128xf32, #tpu.memory_space<vmem>> -> memref<128x128xf32, #tpu.memory_space<vmem>>
        %dma_start3A_131 = arith.constant 0 : i32
        %dma_start3A_132 = tpu.memref_slice %arg8[%add3A_106, %dma_start3A_131] : memref<40x128xi32, #tpu.memory_space<vmem>> -> memref<1x128xi32, #tpu.memory_space<vmem>>
        %dma_start3A_133 = tpu.memref_squeeze %dma_start3A_132 : memref<1x128xi32, #tpu.memory_space<vmem>> -> memref<128xi32, #tpu.memory_space<vmem>>
        %dma_start3A_134 = arith.constant 0 : i32
        %dma_start3A_135 = arith.constant 0 : i32
        %dma_start3A_136 = tpu.memref_slice %arg10[%dma_start3A_134, %dma_start3A_135] : memref<10016x128xf32, #tpu.memory_space<vmem_shared>> -> memref<10016x128xf32, #tpu.memory_space<vmem_shared>>
        tpu.enqueue_indirect_dma source(%dma_start3A_130 : memref<128x128xf32, #tpu.memory_space<vmem>>) target(%dma_start3A_136 : memref<10016x128xf32, #tpu.memory_space<vmem_shared>>) offsets(%dma_start3A_133 : memref<128xi32, #tpu.memory_space<vmem>>) semaphore(%run_scoped3A_126 : memref<!tpu.dma_semaphore, #tpu.memory_space<semaphore_mem>>) {add = true}
        %dma_wait3A_137 = arith.constant 0 : i32
        %dma_wait3A_138 = arith.constant 0 : i32
        %dma_wait3A_139 = tpu.memref_slice %arg9[%run_scoped3A_118, %dma_wait3A_137, %dma_wait3A_138] : memref<2x128x128xf32, #tpu.memory_space<vmem>> -> memref<1x128x128xf32, #tpu.memory_space<vmem>>
        %dma_wait3A_140 = tpu.memref_squeeze %dma_wait3A_139 : memref<1x128x128xf32, #tpu.memory_space<vmem>> -> memref<128x128xf32, #tpu.memory_space<vmem>>
        %dma_wait3A_141 = arith.constant 0 : i32
        %dma_wait3A_142 = tpu.memref_slice %arg8[%add3A_106, %dma_wait3A_141] : memref<40x128xi32, #tpu.memory_space<vmem>> -> memref<1x128xi32, #tpu.memory_space<vmem>>
        %dma_wait3A_143 = tpu.memref_squeeze %dma_wait3A_142 : memref<1x128xi32, #tpu.memory_space<vmem>> -> memref<128xi32, #tpu.memory_space<vmem>>
        %dma_wait3A_144 = arith.constant 0 : i32
        %dma_wait3A_145 = arith.constant 0 : i32
        %dma_wait3A_146 = tpu.memref_slice %arg10[%dma_wait3A_144, %dma_wait3A_145] : memref<10016x128xf32, #tpu.memory_space<vmem_shared>> -> memref<10016x128xf32, #tpu.memory_space<vmem_shared>>
        tpu.wait_indirect_dma semaphore(%run_scoped3A_126 : memref<!tpu.dma_semaphore, #tpu.memory_space<semaphore_mem>>) src(%dma_wait3A_140 : memref<128x128xf32, #tpu.memory_space<vmem>>) dst(%dma_wait3A_146 : memref<10016x128xf32, #tpu.memory_space<vmem_shared>>)
        tpu.yield
      }) : () -> ()
      %add3A_119 = arith.constant 2 : i32
      %add3A_120 = arith.addi %add3A_106, %add3A_119 : i32
      %lt3A_121 = arith.constant 40 : i32
      %lt3A_122 = arith.cmpi slt, %add3A_120, %lt3A_121 : i32
      %convert_element_type3A_123 = arith.extui %lt3A_122 : i1 to i32
      %cond3A_124 = arith.constant 0 : i32
      %cond3A_125 = arith.cmpi ne, %convert_element_type3A_123, %cond3A_124 : i32
      scf.if %cond3A_125 {
        %add3A_126 = arith.constant 2 : i32
        %add3A_127 = arith.addi %add3A_106, %add3A_126 : i32
        %dma_start3A_128 = arith.constant 1 : i32
        %dma_start3A_129 = arith.constant 0 : i32
        %dma_start3A_130 = arith.constant 0 : i32
        %dma_start3A_131 = tpu.memref_slice %arg9[%dma_start3A_128, %dma_start3A_129, %dma_start3A_130] : memref<2x128x128xf32, #tpu.memory_space<vmem>> -> memref<1x128x128xf32, #tpu.memory_space<vmem>>
        %dma_start3A_132 = tpu.memref_squeeze %dma_start3A_131 : memref<1x128x128xf32, #tpu.memory_space<vmem>> -> memref<128x128xf32, #tpu.memory_space<vmem>>
        %dma_start3A_133 = arith.constant 0 : i32
        %dma_start3A_134 = tpu.memref_slice %arg7[%add3A_127, %dma_start3A_133] : memref<40x128xi32, #tpu.memory_space<vmem>> -> memref<1x128xi32, #tpu.memory_space<vmem>>
        %dma_start3A_135 = tpu.memref_squeeze %dma_start3A_134 : memref<1x128xi32, #tpu.memory_space<vmem>> -> memref<128xi32, #tpu.memory_space<vmem>>
        %dma_start3A_136 = arith.constant 0 : i32
        %dma_start3A_137 = arith.constant 0 : i32
        %dma_start3A_138 = tpu.memref_slice %arg2[%dma_start3A_136, %dma_start3A_137] : memref<10000x128xf32, #tpu.memory_space<hbm>> -> memref<10000x128xf32, #tpu.memory_space<hbm>>
        tpu.enqueue_indirect_dma source(%dma_start3A_138 : memref<10000x128xf32, #tpu.memory_space<hbm>>) target(%dma_start3A_132 : memref<128x128xf32, #tpu.memory_space<vmem>>) offsets(%dma_start3A_135 : memref<128xi32, #tpu.memory_space<vmem>>) semaphore(%arg12 : memref<!tpu.dma_semaphore, #tpu.memory_space<semaphore_mem>>)
      } else {
      }
    }
    %scan3A_39 = arith.constant 20 : i32
    "tpu.region"() ({
      %run_scoped3A = tpu.sem_alloc : memref<!tpu.dma_semaphore, #tpu.memory_space<semaphore_mem>>
      %dma_start3A_81 = arith.constant 40 : i32
      %dma_start3A_82 = arith.constant 0 : i32
      %dma_start3A_83 = tpu.memref_slice %arg3[%add3A, %dma_start3A_81, %dma_start3A_82] : memref<32x80x128xi32, #tpu.memory_space<hbm>> -> memref<1x40x128xi32, #tpu.memory_space<hbm>>
      %dma_start3A_84 = tpu.memref_squeeze %dma_start3A_83 : memref<1x40x128xi32, #tpu.memory_space<hbm>> -> memref<40x128xi32, #tpu.memory_space<hbm>>
      %dma_start3A_85 = arith.constant 40 : i32
      %dma_start3A_86 = arith.constant 0 : i32
      %dma_start3A_87 = tpu.memref_slice %arg3[%add3A, %dma_start3A_85, %dma_start3A_86] : memref<32x80x128xi32, #tpu.memory_space<hbm>> -> memref<1x40x128xi32, #tpu.memory_space<hbm>>
      %dma_start3A_88 = tpu.memref_squeeze %dma_start3A_87 : memref<1x40x128xi32, #tpu.memory_space<hbm>> -> memref<40x128xi32, #tpu.memory_space<hbm>>
      tpu.enqueue_dma source(%dma_start3A_88 : memref<40x128xi32, #tpu.memory_space<hbm>>) target(%arg7 : memref<40x128xi32, #tpu.memory_space<vmem>>) target_semaphore(%run_scoped3A : memref<!tpu.dma_semaphore, #tpu.memory_space<semaphore_mem>>)
      %dma_wait3A = arith.constant 40 : i32
      %dma_wait3A_89 = arith.constant 0 : i32
      %dma_wait3A_90 = tpu.memref_slice %arg3[%add3A, %dma_wait3A, %dma_wait3A_89] : memref<32x80x128xi32, #tpu.memory_space<hbm>> -> memref<1x40x128xi32, #tpu.memory_space<hbm>>
      %dma_wait3A_91 = tpu.memref_squeeze %dma_wait3A_90 : memref<1x40x128xi32, #tpu.memory_space<hbm>> -> memref<40x128xi32, #tpu.memory_space<hbm>>
      %dma_wait3A_92 = arith.constant 40 : i32
      %dma_wait3A_93 = arith.constant 0 : i32
      %dma_wait3A_94 = tpu.memref_slice %arg3[%add3A, %dma_wait3A_92, %dma_wait3A_93] : memref<32x80x128xi32, #tpu.memory_space<hbm>> -> memref<1x40x128xi32, #tpu.memory_space<hbm>>
      %dma_wait3A_95 = tpu.memref_squeeze %dma_wait3A_94 : memref<1x40x128xi32, #tpu.memory_space<hbm>> -> memref<40x128xi32, #tpu.memory_space<hbm>>
      tpu.wait_dma2 semaphore(%run_scoped3A : memref<!tpu.dma_semaphore, #tpu.memory_space<semaphore_mem>>) src(%dma_wait3A_95 : memref<40x128xi32, #tpu.memory_space<hbm>>) dst(%arg7 : memref<40x128xi32, #tpu.memory_space<vmem>>)
      tpu.yield
    }) : () -> ()
    "tpu.region"() ({
      %run_scoped3A = tpu.sem_alloc : memref<!tpu.dma_semaphore, #tpu.memory_space<semaphore_mem>>
      %dma_start3A_81 = arith.constant 40 : i32
      %dma_start3A_82 = arith.constant 0 : i32
      %dma_start3A_83 = tpu.memref_slice %arg4[%add3A, %dma_start3A_81, %dma_start3A_82] : memref<32x80x128xi32, #tpu.memory_space<hbm>> -> memref<1x40x128xi32, #tpu.memory_space<hbm>>
      %dma_start3A_84 = tpu.memref_squeeze %dma_start3A_83 : memref<1x40x128xi32, #tpu.memory_space<hbm>> -> memref<40x128xi32, #tpu.memory_space<hbm>>
      %dma_start3A_85 = arith.constant 40 : i32
      %dma_start3A_86 = arith.constant 0 : i32
      %dma_start3A_87 = tpu.memref_slice %arg4[%add3A, %dma_start3A_85, %dma_start3A_86] : memref<32x80x128xi32, #tpu.memory_space<hbm>> -> memref<1x40x128xi32, #tpu.memory_space<hbm>>
      %dma_start3A_88 = tpu.memref_squeeze %dma_start3A_87 : memref<1x40x128xi32, #tpu.memory_space<hbm>> -> memref<40x128xi32, #tpu.memory_space<hbm>>
      tpu.enqueue_dma source(%dma_start3A_88 : memref<40x128xi32, #tpu.memory_space<hbm>>) target(%arg8 : memref<40x128xi32, #tpu.memory_space<vmem>>) target_semaphore(%run_scoped3A : memref<!tpu.dma_semaphore, #tpu.memory_space<semaphore_mem>>)
      %dma_wait3A = arith.constant 40 : i32
      %dma_wait3A_89 = arith.constant 0 : i32
      %dma_wait3A_90 = tpu.memref_slice %arg4[%add3A, %dma_wait3A, %dma_wait3A_89] : memref<32x80x128xi32, #tpu.memory_space<hbm>> -> memref<1x40x128xi32, #tpu.memory_space<hbm>>
      %dma_wait3A_91 = tpu.memref_squeeze %dma_wait3A_90 : memref<1x40x128xi32, #tpu.memory_space<hbm>> -> memref<40x128xi32, #tpu.memory_space<hbm>>
      %dma_wait3A_92 = arith.constant 40 : i32
      %dma_wait3A_93 = arith.constant 0 : i32
      %dma_wait3A_94 = tpu.memref_slice %arg4[%add3A, %dma_wait3A_92, %dma_wait3A_93] : memref<32x80x128xi32, #tpu.memory_space<hbm>> -> memref<1x40x128xi32, #tpu.memory_space<hbm>>
      %dma_wait3A_95 = tpu.memref_squeeze %dma_wait3A_94 : memref<1x40x128xi32, #tpu.memory_space<hbm>> -> memref<40x128xi32, #tpu.memory_space<hbm>>
      tpu.wait_dma2 semaphore(%run_scoped3A : memref<!tpu.dma_semaphore, #tpu.memory_space<semaphore_mem>>) src(%dma_wait3A_95 : memref<40x128xi32, #tpu.memory_space<hbm>>) dst(%arg8 : memref<40x128xi32, #tpu.memory_space<vmem>>)
      tpu.yield
    }) : () -> ()
    %dma_start3A_40 = arith.constant 0 : i32
    %dma_start3A_41 = arith.constant 0 : i32
    %dma_start3A_42 = arith.constant 0 : i32
    %dma_start3A_43 = arith.constant 0 : i32
    %dma_start3A_44 = tpu.memref_slice %arg9[%dma_start3A_41, %dma_start3A_42, %dma_start3A_43] : memref<2x128x128xf32, #tpu.memory_space<vmem>> -> memref<1x128x128xf32, #tpu.memory_space<vmem>>
    %dma_start3A_45 = tpu.memref_squeeze %dma_start3A_44 : memref<1x128x128xf32, #tpu.memory_space<vmem>> -> memref<128x128xf32, #tpu.memory_space<vmem>>
    %dma_start3A_46 = arith.constant 0 : i32
    %dma_start3A_47 = tpu.memref_slice %arg7[%dma_start3A_40, %dma_start3A_46] : memref<40x128xi32, #tpu.memory_space<vmem>> -> memref<1x128xi32, #tpu.memory_space<vmem>>
    %dma_start3A_48 = tpu.memref_squeeze %dma_start3A_47 : memref<1x128xi32, #tpu.memory_space<vmem>> -> memref<128xi32, #tpu.memory_space<vmem>>
    %dma_start3A_49 = arith.constant 0 : i32
    %dma_start3A_50 = arith.constant 0 : i32
    %dma_start3A_51 = tpu.memref_slice %arg2[%dma_start3A_49, %dma_start3A_50] : memref<10000x128xf32, #tpu.memory_space<hbm>> -> memref<10000x128xf32, #tpu.memory_space<hbm>>
    tpu.enqueue_indirect_dma source(%dma_start3A_51 : memref<10000x128xf32, #tpu.memory_space<hbm>>) target(%dma_start3A_45 : memref<128x128xf32, #tpu.memory_space<vmem>>) offsets(%dma_start3A_48 : memref<128xi32, #tpu.memory_space<vmem>>) semaphore(%arg11 : memref<!tpu.dma_semaphore, #tpu.memory_space<semaphore_mem>>)
    %dma_start3A_52 = arith.constant 1 : i32
    %dma_start3A_53 = arith.constant 1 : i32
    %dma_start3A_54 = arith.constant 0 : i32
    %dma_start3A_55 = arith.constant 0 : i32
    %dma_start3A_56 = tpu.memref_slice %arg9[%dma_start3A_53, %dma_start3A_54, %dma_start3A_55] : memref<2x128x128xf32, #tpu.memory_space<vmem>> -> memref<1x128x128xf32, #tpu.memory_space<vmem>>
    %dma_start3A_57 = tpu.memref_squeeze %dma_start3A_56 : memref<1x128x128xf32, #tpu.memory_space<vmem>> -> memref<128x128xf32, #tpu.memory_space<vmem>>
    %dma_start3A_58 = arith.constant 0 : i32
    %dma_start3A_59 = tpu.memref_slice %arg7[%dma_start3A_52, %dma_start3A_58] : memref<40x128xi32, #tpu.memory_space<vmem>> -> memref<1x128xi32, #tpu.memory_space<vmem>>
    %dma_start3A_60 = tpu.memref_squeeze %dma_start3A_59 : memref<1x128xi32, #tpu.memory_space<vmem>> -> memref<128xi32, #tpu.memory_space<vmem>>
    %dma_start3A_61 = arith.constant 0 : i32
    %dma_start3A_62 = arith.constant 0 : i32
    %dma_start3A_63 = tpu.memref_slice %arg2[%dma_start3A_61, %dma_start3A_62] : memref<10000x128xf32, #tpu.memory_space<hbm>> -> memref<10000x128xf32, #tpu.memory_space<hbm>>
    tpu.enqueue_indirect_dma source(%dma_start3A_63 : memref<10000x128xf32, #tpu.memory_space<hbm>>) target(%dma_start3A_57 : memref<128x128xf32, #tpu.memory_space<vmem>>) offsets(%dma_start3A_60 : memref<128xi32, #tpu.memory_space<vmem>>) semaphore(%arg12 : memref<!tpu.dma_semaphore, #tpu.memory_space<semaphore_mem>>)
    %scan3A_64 = arith.constant 0 : i32
    %scan3A_65 = arith.constant 0 : i32
    %scan3A_66 = arith.constant 20 : i32
    %scan3A_67 = arith.addi %scan3A_65, %scan3A_66 : i32
    %scan3A_68 = arith.constant 1 : i32
    scf.for %scan3A_81 = %scan3A_65 to %scan3A_67 step %scan3A_68  : i32 {
      %mul3A_82 = arith.constant 2 : i32
      %mul3A_83 = arith.muli %scan3A_81, %mul3A_82 : i32
      %add3A_84 = arith.constant 0 : i32
      %add3A_85 = arith.addi %mul3A_83, %add3A_84 : i32
      %dma_wait3A = arith.constant 0 : i32
      %dma_wait3A_86 = arith.constant 0 : i32
      %dma_wait3A_87 = arith.constant 0 : i32
      %dma_wait3A_88 = tpu.memref_slice %arg9[%dma_wait3A, %dma_wait3A_86, %dma_wait3A_87] : memref<2x128x128xf32, #tpu.memory_space<vmem>> -> memref<1x128x128xf32, #tpu.memory_space<vmem>>
      %dma_wait3A_89 = tpu.memref_squeeze %dma_wait3A_88 : memref<1x128x128xf32, #tpu.memory_space<vmem>> -> memref<128x128xf32, #tpu.memory_space<vmem>>
      %dma_wait3A_90 = arith.constant 0 : i32
      %dma_wait3A_91 = tpu.memref_slice %arg7[%add3A_85, %dma_wait3A_90] : memref<40x128xi32, #tpu.memory_space<vmem>> -> memref<1x128xi32, #tpu.memory_space<vmem>>
      %dma_wait3A_92 = tpu.memref_squeeze %dma_wait3A_91 : memref<1x128xi32, #tpu.memory_space<vmem>> -> memref<128xi32, #tpu.memory_space<vmem>>
      %dma_wait3A_93 = arith.constant 0 : i32
      %dma_wait3A_94 = arith.constant 0 : i32
      %dma_wait3A_95 = tpu.memref_slice %arg2[%dma_wait3A_93, %dma_wait3A_94] : memref<10000x128xf32, #tpu.memory_space<hbm>> -> memref<10000x128xf32, #tpu.memory_space<hbm>>
      tpu.wait_indirect_dma semaphore(%arg11 : memref<!tpu.dma_semaphore, #tpu.memory_space<semaphore_mem>>) src(%dma_wait3A_95 : memref<10000x128xf32, #tpu.memory_space<hbm>>) dst(%dma_wait3A_89 : memref<128x128xf32, #tpu.memory_space<vmem>>)
      %run_scoped3A = arith.constant 0 : i32
      "tpu.region"() ({
        %run_scoped3A_126 = tpu.sem_alloc : memref<!tpu.dma_semaphore, #tpu.memory_space<semaphore_mem>>
        %dma_start3A_127 = arith.constant 0 : i32
        %dma_start3A_128 = arith.constant 0 : i32
        %dma_start3A_129 = tpu.memref_slice %arg9[%run_scoped3A, %dma_start3A_127, %dma_start3A_128] : memref<2x128x128xf32, #tpu.memory_space<vmem>> -> memref<1x128x128xf32, #tpu.memory_space<vmem>>
        %dma_start3A_130 = tpu.memref_squeeze %dma_start3A_129 : memref<1x128x128xf32, #tpu.memory_space<vmem>> -> memref<128x128xf32, #tpu.memory_space<vmem>>
        %dma_start3A_131 = arith.constant 0 : i32
        %dma_start3A_132 = tpu.memref_slice %arg8[%add3A_85, %dma_start3A_131] : memref<40x128xi32, #tpu.memory_space<vmem>> -> memref<1x128xi32, #tpu.memory_space<vmem>>
        %dma_start3A_133 = tpu.memref_squeeze %dma_start3A_132 : memref<1x128xi32, #tpu.memory_space<vmem>> -> memref<128xi32, #tpu.memory_space<vmem>>
        %dma_start3A_134 = arith.constant 0 : i32
        %dma_start3A_135 = arith.constant 0 : i32
        %dma_start3A_136 = tpu.memref_slice %arg10[%dma_start3A_134, %dma_start3A_135] : memref<10016x128xf32, #tpu.memory_space<vmem_shared>> -> memref<10016x128xf32, #tpu.memory_space<vmem_shared>>
        tpu.enqueue_indirect_dma source(%dma_start3A_130 : memref<128x128xf32, #tpu.memory_space<vmem>>) target(%dma_start3A_136 : memref<10016x128xf32, #tpu.memory_space<vmem_shared>>) offsets(%dma_start3A_133 : memref<128xi32, #tpu.memory_space<vmem>>) semaphore(%run_scoped3A_126 : memref<!tpu.dma_semaphore, #tpu.memory_space<semaphore_mem>>) {add = true}
        %dma_wait3A_137 = arith.constant 0 : i32
        %dma_wait3A_138 = arith.constant 0 : i32
        %dma_wait3A_139 = tpu.memref_slice %arg9[%run_scoped3A, %dma_wait3A_137, %dma_wait3A_138] : memref<2x128x128xf32, #tpu.memory_space<vmem>> -> memref<1x128x128xf32, #tpu.memory_space<vmem>>
        %dma_wait3A_140 = tpu.memref_squeeze %dma_wait3A_139 : memref<1x128x128xf32, #tpu.memory_space<vmem>> -> memref<128x128xf32, #tpu.memory_space<vmem>>
        %dma_wait3A_141 = arith.constant 0 : i32
        %dma_wait3A_142 = tpu.memref_slice %arg8[%add3A_85, %dma_wait3A_141] : memref<40x128xi32, #tpu.memory_space<vmem>> -> memref<1x128xi32, #tpu.memory_space<vmem>>
        %dma_wait3A_143 = tpu.memref_squeeze %dma_wait3A_142 : memref<1x128xi32, #tpu.memory_space<vmem>> -> memref<128xi32, #tpu.memory_space<vmem>>
        %dma_wait3A_144 = arith.constant 0 : i32
        %dma_wait3A_145 = arith.constant 0 : i32
        %dma_wait3A_146 = tpu.memref_slice %arg10[%dma_wait3A_144, %dma_wait3A_145] : memref<10016x128xf32, #tpu.memory_space<vmem_shared>> -> memref<10016x128xf32, #tpu.memory_space<vmem_shared>>
        tpu.wait_indirect_dma semaphore(%run_scoped3A_126 : memref<!tpu.dma_semaphore, #tpu.memory_space<semaphore_mem>>) src(%dma_wait3A_140 : memref<128x128xf32, #tpu.memory_space<vmem>>) dst(%dma_wait3A_146 : memref<10016x128xf32, #tpu.memory_space<vmem_shared>>)
        tpu.yield
      }) : () -> ()
      %add3A_96 = arith.constant 2 : i32
      %add3A_97 = arith.addi %add3A_85, %add3A_96 : i32
      %lt3A_98 = arith.constant 40 : i32
      %lt3A_99 = arith.cmpi slt, %add3A_97, %lt3A_98 : i32
      %convert_element_type3A_100 = arith.extui %lt3A_99 : i1 to i32
      %cond3A_101 = arith.constant 0 : i32
      %cond3A_102 = arith.cmpi ne, %convert_element_type3A_100, %cond3A_101 : i32
      scf.if %cond3A_102 {
        %add3A_126 = arith.constant 2 : i32
        %add3A_127 = arith.addi %add3A_85, %add3A_126 : i32
        %dma_start3A_128 = arith.constant 0 : i32
        %dma_start3A_129 = arith.constant 0 : i32
        %dma_start3A_130 = arith.constant 0 : i32
        %dma_start3A_131 = tpu.memref_slice %arg9[%dma_start3A_128, %dma_start3A_129, %dma_start3A_130] : memref<2x128x128xf32, #tpu.memory_space<vmem>> -> memref<1x128x128xf32, #tpu.memory_space<vmem>>
        %dma_start3A_132 = tpu.memref_squeeze %dma_start3A_131 : memref<1x128x128xf32, #tpu.memory_space<vmem>> -> memref<128x128xf32, #tpu.memory_space<vmem>>
        %dma_start3A_133 = arith.constant 0 : i32
        %dma_start3A_134 = tpu.memref_slice %arg7[%add3A_127, %dma_start3A_133] : memref<40x128xi32, #tpu.memory_space<vmem>> -> memref<1x128xi32, #tpu.memory_space<vmem>>
        %dma_start3A_135 = tpu.memref_squeeze %dma_start3A_134 : memref<1x128xi32, #tpu.memory_space<vmem>> -> memref<128xi32, #tpu.memory_space<vmem>>
        %dma_start3A_136 = arith.constant 0 : i32
        %dma_start3A_137 = arith.constant 0 : i32
        %dma_start3A_138 = tpu.memref_slice %arg2[%dma_start3A_136, %dma_start3A_137] : memref<10000x128xf32, #tpu.memory_space<hbm>> -> memref<10000x128xf32, #tpu.memory_space<hbm>>
        tpu.enqueue_indirect_dma source(%dma_start3A_138 : memref<10000x128xf32, #tpu.memory_space<hbm>>) target(%dma_start3A_132 : memref<128x128xf32, #tpu.memory_space<vmem>>) offsets(%dma_start3A_135 : memref<128xi32, #tpu.memory_space<vmem>>) semaphore(%arg11 : memref<!tpu.dma_semaphore, #tpu.memory_space<semaphore_mem>>)
      } else {
      }
      %mul3A_103 = arith.constant 2 : i32
      %mul3A_104 = arith.muli %scan3A_81, %mul3A_103 : i32
      %add3A_105 = arith.constant 1 : i32
      %add3A_106 = arith.addi %mul3A_104, %add3A_105 : i32
      %dma_wait3A_107 = arith.constant 1 : i32
      %dma_wait3A_108 = arith.constant 0 : i32
      %dma_wait3A_109 = arith.constant 0 : i32
      %dma_wait3A_110 = tpu.memref_slice %arg9[%dma_wait3A_107, %dma_wait3A_108, %dma_wait3A_109] : memref<2x128x128xf32, #tpu.memory_space<vmem>> -> memref<1x128x128xf32, #tpu.memory_space<vmem>>
      %dma_wait3A_111 = tpu.memref_squeeze %dma_wait3A_110 : memref<1x128x128xf32, #tpu.memory_space<vmem>> -> memref<128x128xf32, #tpu.memory_space<vmem>>
      %dma_wait3A_112 = arith.constant 0 : i32
      %dma_wait3A_113 = tpu.memref_slice %arg7[%add3A_106, %dma_wait3A_112] : memref<40x128xi32, #tpu.memory_space<vmem>> -> memref<1x128xi32, #tpu.memory_space<vmem>>
      %dma_wait3A_114 = tpu.memref_squeeze %dma_wait3A_113 : memref<1x128xi32, #tpu.memory_space<vmem>> -> memref<128xi32, #tpu.memory_space<vmem>>
      %dma_wait3A_115 = arith.constant 0 : i32
      %dma_wait3A_116 = arith.constant 0 : i32
      %dma_wait3A_117 = tpu.memref_slice %arg2[%dma_wait3A_115, %dma_wait3A_116] : memref<10000x128xf32, #tpu.memory_space<hbm>> -> memref<10000x128xf32, #tpu.memory_space<hbm>>
      tpu.wait_indirect_dma semaphore(%arg12 : memref<!tpu.dma_semaphore, #tpu.memory_space<semaphore_mem>>) src(%dma_wait3A_117 : memref<10000x128xf32, #tpu.memory_space<hbm>>) dst(%dma_wait3A_111 : memref<128x128xf32, #tpu.memory_space<vmem>>)
      %run_scoped3A_118 = arith.constant 1 : i32
      "tpu.region"() ({
        %run_scoped3A_126 = tpu.sem_alloc : memref<!tpu.dma_semaphore, #tpu.memory_space<semaphore_mem>>
        %dma_start3A_127 = arith.constant 0 : i32
        %dma_start3A_128 = arith.constant 0 : i32
        %dma_start3A_129 = tpu.memref_slice %arg9[%run_scoped3A_118, %dma_start3A_127, %dma_start3A_128] : memref<2x128x128xf32, #tpu.memory_space<vmem>> -> memref<1x128x128xf32, #tpu.memory_space<vmem>>
        %dma_start3A_130 = tpu.memref_squeeze %dma_start3A_129 : memref<1x128x128xf32, #tpu.memory_space<vmem>> -> memref<128x128xf32, #tpu.memory_space<vmem>>
        %dma_start3A_131 = arith.constant 0 : i32
        %dma_start3A_132 = tpu.memref_slice %arg8[%add3A_106, %dma_start3A_131] : memref<40x128xi32, #tpu.memory_space<vmem>> -> memref<1x128xi32, #tpu.memory_space<vmem>>
        %dma_start3A_133 = tpu.memref_squeeze %dma_start3A_132 : memref<1x128xi32, #tpu.memory_space<vmem>> -> memref<128xi32, #tpu.memory_space<vmem>>
        %dma_start3A_134 = arith.constant 0 : i32
        %dma_start3A_135 = arith.constant 0 : i32
        %dma_start3A_136 = tpu.memref_slice %arg10[%dma_start3A_134, %dma_start3A_135] : memref<10016x128xf32, #tpu.memory_space<vmem_shared>> -> memref<10016x128xf32, #tpu.memory_space<vmem_shared>>
        tpu.enqueue_indirect_dma source(%dma_start3A_130 : memref<128x128xf32, #tpu.memory_space<vmem>>) target(%dma_start3A_136 : memref<10016x128xf32, #tpu.memory_space<vmem_shared>>) offsets(%dma_start3A_133 : memref<128xi32, #tpu.memory_space<vmem>>) semaphore(%run_scoped3A_126 : memref<!tpu.dma_semaphore, #tpu.memory_space<semaphore_mem>>) {add = true}
        %dma_wait3A_137 = arith.constant 0 : i32
        %dma_wait3A_138 = arith.constant 0 : i32
        %dma_wait3A_139 = tpu.memref_slice %arg9[%run_scoped3A_118, %dma_wait3A_137, %dma_wait3A_138] : memref<2x128x128xf32, #tpu.memory_space<vmem>> -> memref<1x128x128xf32, #tpu.memory_space<vmem>>
        %dma_wait3A_140 = tpu.memref_squeeze %dma_wait3A_139 : memref<1x128x128xf32, #tpu.memory_space<vmem>> -> memref<128x128xf32, #tpu.memory_space<vmem>>
        %dma_wait3A_141 = arith.constant 0 : i32
        %dma_wait3A_142 = tpu.memref_slice %arg8[%add3A_106, %dma_wait3A_141] : memref<40x128xi32, #tpu.memory_space<vmem>> -> memref<1x128xi32, #tpu.memory_space<vmem>>
        %dma_wait3A_143 = tpu.memref_squeeze %dma_wait3A_142 : memref<1x128xi32, #tpu.memory_space<vmem>> -> memref<128xi32, #tpu.memory_space<vmem>>
        %dma_wait3A_144 = arith.constant 0 : i32
        %dma_wait3A_145 = arith.constant 0 : i32
        %dma_wait3A_146 = tpu.memref_slice %arg10[%dma_wait3A_144, %dma_wait3A_145] : memref<10016x128xf32, #tpu.memory_space<vmem_shared>> -> memref<10016x128xf32, #tpu.memory_space<vmem_shared>>
        tpu.wait_indirect_dma semaphore(%run_scoped3A_126 : memref<!tpu.dma_semaphore, #tpu.memory_space<semaphore_mem>>) src(%dma_wait3A_140 : memref<128x128xf32, #tpu.memory_space<vmem>>) dst(%dma_wait3A_146 : memref<10016x128xf32, #tpu.memory_space<vmem_shared>>)
        tpu.yield
      }) : () -> ()
      %add3A_119 = arith.constant 2 : i32
      %add3A_120 = arith.addi %add3A_106, %add3A_119 : i32
      %lt3A_121 = arith.constant 40 : i32
      %lt3A_122 = arith.cmpi slt, %add3A_120, %lt3A_121 : i32
      %convert_element_type3A_123 = arith.extui %lt3A_122 : i1 to i32
      %cond3A_124 = arith.constant 0 : i32
      %cond3A_125 = arith.cmpi ne, %convert_element_type3A_123, %cond3A_124 : i32
      scf.if %cond3A_125 {
        %add3A_126 = arith.constant 2 : i32
        %add3A_127 = arith.addi %add3A_106, %add3A_126 : i32
        %dma_start3A_128 = arith.constant 1 : i32
        %dma_start3A_129 = arith.constant 0 : i32
        %dma_start3A_130 = arith.constant 0 : i32
        %dma_start3A_131 = tpu.memref_slice %arg9[%dma_start3A_128, %dma_start3A_129, %dma_start3A_130] : memref<2x128x128xf32, #tpu.memory_space<vmem>> -> memref<1x128x128xf32, #tpu.memory_space<vmem>>
        %dma_start3A_132 = tpu.memref_squeeze %dma_start3A_131 : memref<1x128x128xf32, #tpu.memory_space<vmem>> -> memref<128x128xf32, #tpu.memory_space<vmem>>
        %dma_start3A_133 = arith.constant 0 : i32
        %dma_start3A_134 = tpu.memref_slice %arg7[%add3A_127, %dma_start3A_133] : memref<40x128xi32, #tpu.memory_space<vmem>> -> memref<1x128xi32, #tpu.memory_space<vmem>>
        %dma_start3A_135 = tpu.memref_squeeze %dma_start3A_134 : memref<1x128xi32, #tpu.memory_space<vmem>> -> memref<128xi32, #tpu.memory_space<vmem>>
        %dma_start3A_136 = arith.constant 0 : i32
        %dma_start3A_137 = arith.constant 0 : i32
        %dma_start3A_138 = tpu.memref_slice %arg2[%dma_start3A_136, %dma_start3A_137] : memref<10000x128xf32, #tpu.memory_space<hbm>> -> memref<10000x128xf32, #tpu.memory_space<hbm>>
        tpu.enqueue_indirect_dma source(%dma_start3A_138 : memref<10000x128xf32, #tpu.memory_space<hbm>>) target(%dma_start3A_132 : memref<128x128xf32, #tpu.memory_space<vmem>>) offsets(%dma_start3A_135 : memref<128xi32, #tpu.memory_space<vmem>>) semaphore(%arg12 : memref<!tpu.dma_semaphore, #tpu.memory_space<semaphore_mem>>)
      } else {
      }
    }
    %scan3A_69 = arith.constant 20 : i32
    %barrier3A_70 = arith.constant 0 : index
    tpu.barrier barrier_id(%barrier3A_70)
    %lt3A_71 = arith.constant 15 : i32
    %lt3A_72 = arith.cmpi slt, %arg1, %lt3A_71 : i32
    %convert_element_type3A_73 = arith.extui %lt3A_72 : i1 to i32
    %cond3A_74 = arith.constant 0 : i32
    %cond3A_75 = arith.cmpi ne, %convert_element_type3A_73, %cond3A_74 : i32
    scf.if %cond3A_75 {
      "tpu.region"() ({
        %run_scoped3A = tpu.sem_alloc : memref<!tpu.dma_semaphore, #tpu.memory_space<semaphore_mem>>
        %dma_start3A_81 = arith.constant 0 : i32
        %dma_start3A_82 = tpu.memref_slice %arg6[%arg0, %multiple_of3A_5, %dma_start3A_81] : memref<2x10000x128xf32, #tpu.memory_space<hbm>> -> memref<1x632x128xf32, #tpu.memory_space<hbm>>
        %dma_start3A_83 = tpu.memref_squeeze %dma_start3A_82 : memref<1x632x128xf32, #tpu.memory_space<hbm>> -> memref<632x128xf32, #tpu.memory_space<hbm>>
        %dma_start3A_84 = arith.constant 0 : i32
        %dma_start3A_85 = tpu.memref_slice %arg10[%multiple_of3A_5, %dma_start3A_84] : memref<10016x128xf32, #tpu.memory_space<vmem_shared>> -> memref<632x128xf32, #tpu.memory_space<vmem_shared>>
        tpu.enqueue_dma source(%dma_start3A_85 : memref<632x128xf32, #tpu.memory_space<vmem_shared>>) target(%dma_start3A_83 : memref<632x128xf32, #tpu.memory_space<hbm>>) target_semaphore(%run_scoped3A : memref<!tpu.dma_semaphore, #tpu.memory_space<semaphore_mem>>)
        %dma_wait3A = arith.constant 0 : i32
        %dma_wait3A_86 = tpu.memref_slice %arg6[%arg0, %multiple_of3A_5, %dma_wait3A] : memref<2x10000x128xf32, #tpu.memory_space<hbm>> -> memref<1x632x128xf32, #tpu.memory_space<hbm>>
        %dma_wait3A_87 = tpu.memref_squeeze %dma_wait3A_86 : memref<1x632x128xf32, #tpu.memory_space<hbm>> -> memref<632x128xf32, #tpu.memory_space<hbm>>
        %dma_wait3A_88 = arith.constant 0 : i32
        %dma_wait3A_89 = tpu.memref_slice %arg10[%multiple_of3A_5, %dma_wait3A_88] : memref<10016x128xf32, #tpu.memory_space<vmem_shared>> -> memref<632x128xf32, #tpu.memory_space<vmem_shared>>
        tpu.wait_dma2 semaphore(%run_scoped3A : memref<!tpu.dma_semaphore, #tpu.memory_space<semaphore_mem>>) src(%dma_wait3A_89 : memref<632x128xf32, #tpu.memory_space<vmem_shared>>) dst(%dma_wait3A_87 : memref<632x128xf32, #tpu.memory_space<hbm>>)
        tpu.yield
      }) : () -> ()
    } else {
    }
    %eq3A_76 = arith.constant 15 : i32
    %eq3A_77 = arith.cmpi eq, %arg1, %eq3A_76 : i32
    %convert_element_type3A_78 = arith.extui %eq3A_77 : i1 to i32
    %cond3A_79 = arith.constant 0 : i32
    %cond3A_80 = arith.cmpi ne, %convert_element_type3A_78, %cond3A_79 : i32
    scf.if %cond3A_80 {
      "tpu.region"() ({
        %run_scoped3A = tpu.sem_alloc : memref<!tpu.dma_semaphore, #tpu.memory_space<semaphore_mem>>
        %dma_start3A_81 = arith.constant 9480 : i32
        %dma_start3A_82 = arith.constant 0 : i32
        %dma_start3A_83 = tpu.memref_slice %arg6[%arg0, %dma_start3A_81, %dma_start3A_82] : memref<2x10000x128xf32, #tpu.memory_space<hbm>> -> memref<1x520x128xf32, #tpu.memory_space<hbm>>
        %dma_start3A_84 = tpu.memref_squeeze %dma_start3A_83 : memref<1x520x128xf32, #tpu.memory_space<hbm>> -> memref<520x128xf32, #tpu.memory_space<hbm>>
        %dma_start3A_85 = arith.constant 9480 : i32
        %dma_start3A_86 = arith.constant 0 : i32
        %dma_start3A_87 = tpu.memref_slice %arg10[%dma_start3A_85, %dma_start3A_86] : memref<10016x128xf32, #tpu.memory_space<vmem_shared>> -> memref<520x128xf32, #tpu.memory_space<vmem_shared>>
        tpu.enqueue_dma source(%dma_start3A_87 : memref<520x128xf32, #tpu.memory_space<vmem_shared>>) target(%dma_start3A_84 : memref<520x128xf32, #tpu.memory_space<hbm>>) target_semaphore(%run_scoped3A : memref<!tpu.dma_semaphore, #tpu.memory_space<semaphore_mem>>)
        %dma_wait3A = arith.constant 9480 : i32
        %dma_wait3A_88 = arith.constant 0 : i32
        %dma_wait3A_89 = tpu.memref_slice %arg6[%arg0, %dma_wait3A, %dma_wait3A_88] : memref<2x10000x128xf32, #tpu.memory_space<hbm>> -> memref<1x520x128xf32, #tpu.memory_space<hbm>>
        %dma_wait3A_90 = tpu.memref_squeeze %dma_wait3A_89 : memref<1x520x128xf32, #tpu.memory_space<hbm>> -> memref<520x128xf32, #tpu.memory_space<hbm>>
        %dma_wait3A_91 = arith.constant 9480 : i32
        %dma_wait3A_92 = arith.constant 0 : i32
        %dma_wait3A_93 = tpu.memref_slice %arg10[%dma_wait3A_91, %dma_wait3A_92] : memref<10016x128xf32, #tpu.memory_space<vmem_shared>> -> memref<520x128xf32, #tpu.memory_space<vmem_shared>>
        tpu.wait_dma2 semaphore(%run_scoped3A : memref<!tpu.dma_semaphore, #tpu.memory_space<semaphore_mem>>) src(%dma_wait3A_93 : memref<520x128xf32, #tpu.memory_space<vmem_shared>>) dst(%dma_wait3A_90 : memref<520x128xf32, #tpu.memory_space<hbm>>)
        tpu.yield
      }) : () -> ()
    } else {
    }
    return
  }
}

module attributes {stable_mosaic.version = 14 : i64} {
  func.func @body(%arg0: i32, %arg1: memref<1000x128xf32, #tpu.memory_space<vmem>>, %arg2: memref<128x128xf32, #tpu.memory_space<vmem>>, %arg3: memref<1x128xf32, #tpu.memory_space<vmem>>, %arg4: memref<1000x128xf32, #tpu.memory_space<vmem>>) attributes {dimension_semantics = [#tpu.dimension_semantics<parallel>], iteration_bounds = array<i64: 10>, scalar_prefetch = 0 : i64, scratch_operands = 0 : i64, tpu.core_type = #tpu.core_type<tc>, window_params = [{transform_indices = @transform_0, window_bounds = array<i64: 1000, 128>}, {pipeline_mode = #tpu.pipeline_mode<synchronous>, transform_indices = @transform_1, window_bounds = array<i64: 128, 128>}, {pipeline_mode = #tpu.pipeline_mode<synchronous>, transform_indices = @transform_2, window_bounds = array<i64: 1, 128>}, {transform_indices = @transform_3, window_bounds = array<i64: 1000, 128>}]} {
    %get3A = arith.constant 0 : index
    %get3A_0 = arith.constant 0 : index
    %get3A_1 = vector.load %arg1[%get3A, %get3A_0] : memref<1000x128xf32, #tpu.memory_space<vmem>>, vector<1000x128xf32>
    %get3A_2 = arith.constant 0 : index
    %get3A_3 = arith.constant 0 : index
    %get3A_4 = vector.load %arg2[%get3A_2, %get3A_3] : memref<128x128xf32, #tpu.memory_space<vmem>>, vector<128x128xf32>
    %dot_general3A = arith.constant dense<0.000000e+00> : vector<1000x128xf32>
    %dot_general3A_5 = tpu.matmul %get3A_1, %get3A_4, %dot_general3A {dimension_numbers = #tpu.dot_dimension_numbers<[1], [0], [0], [1], [0, 0, 1, 1], [], []>, precision = #tpu.contract_precision<fp32>, transpose_lhs_hint = false} : vector<1000x128xf32>, vector<128x128xf32>, vector<1000x128xf32> -> vector<1000x128xf32>
    %get3A_6 = arith.constant 0 : index
    %get3A_7 = arith.constant 0 : index
    %get3A_8 = vector.load %arg3[%get3A_6, %get3A_7] : memref<1x128xf32, #tpu.memory_space<vmem>>, vector<1x128xf32>
    %add3A = vector.broadcast %get3A_8 : vector<1x128xf32> to vector<1000x128xf32>
    %add3A_9 = arith.addf %dot_general3A_5, %add3A : vector<1000x128xf32>
    %swap3A = arith.constant 0 : index
    %swap3A_10 = arith.constant 0 : index
    %swap3A_11 = vector.load %arg4[%swap3A, %swap3A_10] : memref<1000x128xf32, #tpu.memory_space<vmem>>, vector<1000x128xf32>
    tpu.vector_store %arg4[%swap3A, %swap3A_10], %add3A_9 {strides = array<i32>} : memref<1000x128xf32, #tpu.memory_space<vmem>>, vector<1000x128xf32>,
    return
  }
  func.func @transform_0(%arg0: i32) -> (i32, i32) {
    %c0_i32 = arith.constant 0 : i32
    %c0_i32_0 = arith.constant 0 : i32
    return %arg0, %c0_i32 : i32, i32
  }
  func.func @transform_1(%arg0: i32) -> (i32, i32) {
    %c0_i32 = arith.constant 0 : i32
    %c0_i32_0 = arith.constant 0 : i32
    %c0_i32_1 = arith.constant 0 : i32
    return %c0_i32, %c0_i32_0 : i32, i32
  }
  func.func @transform_2(%arg0: i32) -> (i32, i32) {
    %c0_i32 = arith.constant 0 : i32
    %c0_i32_0 = arith.constant 0 : i32
    %c0_i32_1 = arith.constant 0 : i32
    return %c0_i32, %c0_i32_0 : i32, i32
  }
  func.func @transform_3(%arg0: i32) -> (i32, i32) {
    %c0_i32 = arith.constant 0 : i32
    %c0_i32_0 = arith.constant 0 : i32
    return %arg0, %c0_i32 : i32, i32
  }
}

module attributes {stable_mosaic.version = 14 : i64} {
  func.func @body(%arg0: i32, %arg1: memref<1x1xf32, #tpu.memory_space<smem>>, %arg2: memref<1000x128xf32, #tpu.memory_space<vmem>>, %arg3: memref<2x1000x128xf32, #tpu.memory_space<vmem>>, %arg4: memref<128x128xf32, #tpu.memory_space<vmem>>, %arg5: memref<1x128xf32, #tpu.memory_space<vmem>>, %arg6: memref<128x128xf32, #tpu.memory_space<vmem>>, %arg7: memref<1x128xf32, #tpu.memory_space<vmem>>, %arg8: memref<1000x128xf32, #tpu.memory_space<vmem>>) attributes {dimension_semantics = [#tpu.dimension_semantics<parallel>], iteration_bounds = array<i64: 10>, scalar_prefetch = 0 : i64, scratch_operands = 0 : i64, tpu.core_type = #tpu.core_type<tc>, window_params = [{transform_indices = @transform_0, window_bounds = array<i64: 1, 1>}, {transform_indices = @transform_1, window_bounds = array<i64: 1000, 128>}, {transform_indices = @transform_2, window_bounds = array<i64: 2, 1000, 128>}, {pipeline_mode = #tpu.pipeline_mode<synchronous>, transform_indices = @transform_3, window_bounds = array<i64: 128, 128>}, {pipeline_mode = #tpu.pipeline_mode<synchronous>, transform_indices = @transform_4, window_bounds = array<i64: 1, 128>}, {pipeline_mode = #tpu.pipeline_mode<synchronous>, transform_indices = @transform_5, window_bounds = array<i64: 128, 128>}, {pipeline_mode = #tpu.pipeline_mode<synchronous>, transform_indices = @transform_6, window_bounds = array<i64: 1, 128>}, {transform_indices = @transform_7, window_bounds = array<i64: 1000, 128>}]} {
    %get3A = arith.constant 0 : index
    %get3A_0 = arith.constant 0 : index
    %get3A_1 = vector.load %arg2[%get3A, %get3A_0] : memref<1000x128xf32, #tpu.memory_space<vmem>>, vector<1000x128xf32>
    %get3A_2 = arith.constant 0 : index
    %get3A_3 = arith.constant 0 : index
    %get3A_4 = memref.load %arg1[%get3A_2, %get3A_3] : memref<1x1xf32, #tpu.memory_space<smem>>
    %mul3A = vector.broadcast %get3A_4 : f32 to vector<1000x128xf32>
    %mul3A_5 = arith.mulf %get3A_1, %mul3A : vector<1000x128xf32>
    %get3A_6 = arith.constant 0 : index
    %get3A_7 = arith.constant 0 : index
    %get3A_8 = arith.constant 0 : index
    %get3A_9 = vector.load %arg3[%get3A_6, %get3A_7, %get3A_8] : memref<2x1000x128xf32, #tpu.memory_space<vmem>>, vector<1x1000x128xf32>
    %get3A_10 = vector.shape_cast %get3A_9 : vector<1x1000x128xf32> to vector<1000x128xf32>
    %add3A = arith.addf %mul3A_5, %get3A_10 : vector<1000x128xf32>
    %get3A_11 = arith.constant 1 : index
    %get3A_12 = arith.constant 0 : index
    %get3A_13 = arith.constant 0 : index
    %get3A_14 = vector.load %arg3[%get3A_11, %get3A_12, %get3A_13] : memref<2x1000x128xf32, #tpu.memory_space<vmem>>, vector<1x1000x128xf32>
    %get3A_15 = vector.shape_cast %get3A_14 : vector<1x1000x128xf32> to vector<1000x128xf32>
    %add3A_16 = arith.addf %add3A, %get3A_15 : vector<1000x128xf32>
    %get3A_17 = arith.constant 0 : index
    %get3A_18 = arith.constant 0 : index
    %get3A_19 = vector.load %arg4[%get3A_17, %get3A_18] : memref<128x128xf32, #tpu.memory_space<vmem>>, vector<128x128xf32>
    %dot_general3A = arith.constant dense<0.000000e+00> : vector<1000x128xf32>
    %dot_general3A_20 = tpu.matmul %add3A_16, %get3A_19, %dot_general3A {dimension_numbers = #tpu.dot_dimension_numbers<[1], [0], [0], [1], [0, 0, 1, 1], [], []>, precision = #tpu.contract_precision<fp32>, transpose_lhs_hint = false} : vector<1000x128xf32>, vector<128x128xf32>, vector<1000x128xf32> -> vector<1000x128xf32>
    %get3A_21 = arith.constant 0 : index
    %get3A_22 = arith.constant 0 : index
    %get3A_23 = vector.load %arg5[%get3A_21, %get3A_22] : memref<1x128xf32, #tpu.memory_space<vmem>>, vector<1x128xf32>
    %add3A_24 = vector.broadcast %get3A_23 : vector<1x128xf32> to vector<1000x128xf32>
    %add3A_25 = arith.addf %dot_general3A_20, %add3A_24 : vector<1000x128xf32>
    %max3A = arith.constant 0.000000e+00 : f32
    %max3A_26 = vector.broadcast %max3A : f32 to vector<1000x128xf32>
    %max3A_27 = arith.maximumf %add3A_25, %max3A_26 : vector<1000x128xf32>
    %get3A_28 = arith.constant 0 : index
    %get3A_29 = arith.constant 0 : index
    %get3A_30 = vector.load %arg6[%get3A_28, %get3A_29] : memref<128x128xf32, #tpu.memory_space<vmem>>, vector<128x128xf32>
    %dot_general3A_31 = arith.constant dense<0.000000e+00> : vector<1000x128xf32>
    %dot_general3A_32 = tpu.matmul %max3A_27, %get3A_30, %dot_general3A_31 {dimension_numbers = #tpu.dot_dimension_numbers<[1], [0], [0], [1], [0, 0, 1, 1], [], []>, precision = #tpu.contract_precision<fp32>, transpose_lhs_hint = false} : vector<1000x128xf32>, vector<128x128xf32>, vector<1000x128xf32> -> vector<1000x128xf32>
    %get3A_33 = arith.constant 0 : index
    %get3A_34 = arith.constant 0 : index
    %get3A_35 = vector.load %arg7[%get3A_33, %get3A_34] : memref<1x128xf32, #tpu.memory_space<vmem>>, vector<1x128xf32>
    %add3A_36 = vector.broadcast %get3A_35 : vector<1x128xf32> to vector<1000x128xf32>
    %add3A_37 = arith.addf %dot_general3A_32, %add3A_36 : vector<1000x128xf32>
    %max3A_38 = arith.constant 0.000000e+00 : f32
    %max3A_39 = vector.broadcast %max3A_38 : f32 to vector<1000x128xf32>
    %max3A_40 = arith.maximumf %add3A_37, %max3A_39 : vector<1000x128xf32>
    %swap3A = arith.constant 0 : index
    %swap3A_41 = arith.constant 0 : index
    %swap3A_42 = vector.load %arg8[%swap3A, %swap3A_41] : memref<1000x128xf32, #tpu.memory_space<vmem>>, vector<1000x128xf32>
    tpu.vector_store %arg8[%swap3A, %swap3A_41], %max3A_40 {strides = array<i32>} : memref<1000x128xf32, #tpu.memory_space<vmem>>, vector<1000x128xf32>,
    return
  }
  func.func @transform_0(%arg0: i32) -> (i32, i32) {
    %c0_i32 = arith.constant 0 : i32
    %c0_i32_0 = arith.constant 0 : i32
    %c0_i32_1 = arith.constant 0 : i32
    return %c0_i32, %c0_i32_0 : i32, i32
  }
  func.func @transform_1(%arg0: i32) -> (i32, i32) {
    %c0_i32 = arith.constant 0 : i32
    %c0_i32_0 = arith.constant 0 : i32
    return %arg0, %c0_i32 : i32, i32
  }
  func.func @transform_2(%arg0: i32) -> (i32, i32, i32) {
    %c0_i32 = arith.constant 0 : i32
    %c0_i32_0 = arith.constant 0 : i32
    %c0_i32_1 = arith.constant 0 : i32
    return %c0_i32, %arg0, %c0_i32_0 : i32, i32, i32
  }
  func.func @transform_3(%arg0: i32) -> (i32, i32) {
    %c0_i32 = arith.constant 0 : i32
    %c0_i32_0 = arith.constant 0 : i32
    %c0_i32_1 = arith.constant 0 : i32
    return %c0_i32, %c0_i32_0 : i32, i32
  }
  func.func @transform_4(%arg0: i32) -> (i32, i32) {
    %c0_i32 = arith.constant 0 : i32
    %c0_i32_0 = arith.constant 0 : i32
    %c0_i32_1 = arith.constant 0 : i32
    return %c0_i32, %c0_i32_0 : i32, i32
  }
  func.func @transform_5(%arg0: i32) -> (i32, i32) {
    %c0_i32 = arith.constant 0 : i32
    %c0_i32_0 = arith.constant 0 : i32
    %c0_i32_1 = arith.constant 0 : i32
    return %c0_i32, %c0_i32_0 : i32, i32
  }
  func.func @transform_6(%arg0: i32) -> (i32, i32) {
    %c0_i32 = arith.constant 0 : i32
    %c0_i32_0 = arith.constant 0 : i32
    %c0_i32_1 = arith.constant 0 : i32
    return %c0_i32, %c0_i32_0 : i32, i32
  }
  func.func @transform_7(%arg0: i32) -> (i32, i32) {
    %c0_i32 = arith.constant 0 : i32
    %c0_i32_0 = arith.constant 0 : i32
    return %arg0, %c0_i32 : i32, i32
  }
}

module attributes {stable_mosaic.version = 14 : i64} {
  func.func @body(%arg0: i32, %arg1: memref<1000x128xf32, #tpu.memory_space<vmem>>, %arg2: memref<1000x1xi32, #tpu.memory_space<vmem>>, %arg3: memref<128x128xf32, #tpu.memory_space<vmem>>, %arg4: memref<1x128xf32, #tpu.memory_space<vmem>>, %arg5: memref<128x128xf32, #tpu.memory_space<vmem>>, %arg6: memref<1x128xf32, #tpu.memory_space<vmem>>, %arg7: memref<128x128xf32, #tpu.memory_space<vmem>>, %arg8: memref<128x128xf32, #tpu.memory_space<vmem>>, %arg9: memref<1x128xf32, #tpu.memory_space<vmem>>) attributes {dimension_semantics = [#tpu.dimension_semantics<arbitrary>], iteration_bounds = array<i64: 10>, scalar_prefetch = 0 : i64, scratch_operands = 2 : i64, tpu.core_type = #tpu.core_type<tc>, window_params = [{transform_indices = @transform_0, window_bounds = array<i64: 1000, 128>}, {transform_indices = @transform_1, window_bounds = array<i64: 1000, 1>}, {pipeline_mode = #tpu.pipeline_mode<synchronous>, transform_indices = @transform_2, window_bounds = array<i64: 128, 128>}, {pipeline_mode = #tpu.pipeline_mode<synchronous>, transform_indices = @transform_3, window_bounds = array<i64: 1, 128>}, {pipeline_mode = #tpu.pipeline_mode<synchronous>, transform_indices = @transform_4, window_bounds = array<i64: 128, 128>}, {pipeline_mode = #tpu.pipeline_mode<synchronous>, transform_indices = @transform_5, window_bounds = array<i64: 1, 128>}, {pipeline_mode = #tpu.pipeline_mode<synchronous>, transform_indices = @transform_6, window_bounds = array<i64: 128, 128>}]} {
    %eq3A = arith.constant 0 : i32
    %eq3A_0 = arith.cmpi eq, %arg0, %eq3A : i32
    %convert_element_type3A = arith.extui %eq3A_0 : i1 to i32
    %cond3A = arith.constant 0 : i32
    %cond3A_1 = arith.cmpi ne, %convert_element_type3A, %cond3A : i32
    scf.if %cond3A_1 {
      %broadcast_in_dim3A_30 = arith.constant 0.000000e+00 : f32
      %broadcast_in_dim3A_31 = vector.broadcast %broadcast_in_dim3A_30 : f32 to vector<128x128xf32>
      %swap3A_32 = arith.constant 0 : index
      %swap3A_33 = arith.constant 0 : index
      %swap3A_34 = vector.load %arg8[%swap3A_32, %swap3A_33] : memref<128x128xf32, #tpu.memory_space<vmem>>, vector<128x128xf32>
      tpu.vector_store %arg8[%swap3A_32, %swap3A_33], %broadcast_in_dim3A_31 {strides = array<i32>} : memref<128x128xf32, #tpu.memory_space<vmem>>, vector<128x128xf32>,
      %broadcast_in_dim3A_35 = arith.constant 0.000000e+00 : f32
      %broadcast_in_dim3A_36 = vector.broadcast %broadcast_in_dim3A_35 : f32 to vector<1x128xf32>
      %swap3A_37 = arith.constant 0 : index
      %swap3A_38 = arith.constant 0 : index
      %swap3A_39 = vector.load %arg9[%swap3A_37, %swap3A_38] : memref<1x128xf32, #tpu.memory_space<vmem>>, vector<1x128xf32>
      tpu.vector_store %arg9[%swap3A_37, %swap3A_38], %broadcast_in_dim3A_36 {strides = array<i32>} : memref<1x128xf32, #tpu.memory_space<vmem>>, vector<1x128xf32>,
    } else {
    }
    %get3A = arith.constant 0 : index
    %get3A_2 = arith.constant 0 : index
    %get3A_3 = vector.load %arg2[%get3A, %get3A_2] : memref<1000x1xi32, #tpu.memory_space<vmem>>, vector<1000x1xi32>
    %iota3A = tpu.iota {dimensions = array<i32: 1>} : vector<1000x128xi32>
    %eq3A_4 = vector.broadcast %get3A_3 : vector<1000x1xi32> to vector<1000x128xi32>
    %eq3A_5 = arith.cmpi eq, %eq3A_4, %iota3A : vector<1000x128xi32>
    %convert_element_type3A_6 = arith.extui %eq3A_5 : vector<1000x128xi1> to vector<1000x128xi32>
    %convert_element_type3A_7 = arith.sitofp %convert_element_type3A_6 : vector<1000x128xi32> to vector<1000x128xf32>
    %get3A_8 = arith.constant 0 : index
    %get3A_9 = arith.constant 0 : index
    %get3A_10 = vector.load %arg8[%get3A_8, %get3A_9] : memref<128x128xf32, #tpu.memory_space<vmem>>, vector<128x128xf32>
    %get3A_11 = arith.constant 0 : index
    %get3A_12 = arith.constant 0 : index
    %get3A_13 = vector.load %arg1[%get3A_11, %get3A_12] : memref<1000x128xf32, #tpu.memory_space<vmem>>, vector<1000x128xf32>
    %dot_general3A = arith.constant dense<0.000000e+00> : vector<128x128xf32>
    %dot_general3A_14 = tpu.matmul %convert_element_type3A_7, %get3A_13, %dot_general3A {dimension_numbers = #tpu.dot_dimension_numbers<[0], [0], [1], [1], [0, 1, 1, 1], [], []>, precision = #tpu.contract_precision<fp32>, transpose_lhs_hint = false} : vector<1000x128xf32>, vector<1000x128xf32>, vector<128x128xf32> -> vector<128x128xf32>
    %add3A = arith.addf %get3A_10, %dot_general3A_14 : vector<128x128xf32>
    %swap3A = arith.constant 0 : index
    %swap3A_15 = arith.constant 0 : index
    %swap3A_16 = vector.load %arg8[%swap3A, %swap3A_15] : memref<128x128xf32, #tpu.memory_space<vmem>>, vector<128x128xf32>
    tpu.vector_store %arg8[%swap3A, %swap3A_15], %add3A {strides = array<i32>} : memref<128x128xf32, #tpu.memory_space<vmem>>, vector<128x128xf32>,
    %get3A_17 = arith.constant 0 : index
    %get3A_18 = arith.constant 0 : index
    %get3A_19 = vector.load %arg9[%get3A_17, %get3A_18] : memref<1x128xf32, #tpu.memory_space<vmem>>, vector<1x128xf32>
    %reduce_sum3A = arith.constant dense<0.000000e+00> : vector<128xf32>
    %reduce_sum3A_20 = vector.multi_reduction <add>, %convert_element_type3A_7, %reduce_sum3A [0] : vector<1000x128xf32> to vector<128xf32>
    %broadcast_in_dim3A = vector.shape_cast %reduce_sum3A_20 : vector<128xf32> to vector<1x128xf32>
    %add3A_21 = arith.addf %get3A_19, %broadcast_in_dim3A : vector<1x128xf32>
    %swap3A_22 = arith.constant 0 : index
    %swap3A_23 = arith.constant 0 : index
    %swap3A_24 = vector.load %arg9[%swap3A_22, %swap3A_23] : memref<1x128xf32, #tpu.memory_space<vmem>>, vector<1x128xf32>
    tpu.vector_store %arg9[%swap3A_22, %swap3A_23], %add3A_21 {strides = array<i32>} : memref<1x128xf32, #tpu.memory_space<vmem>>, vector<1x128xf32>,
    %eq3A_25 = arith.constant 9 : i32
    %eq3A_26 = arith.cmpi eq, %arg0, %eq3A_25 : i32
    %convert_element_type3A_27 = arith.extui %eq3A_26 : i1 to i32
    %cond3A_28 = arith.constant 0 : i32
    %cond3A_29 = arith.cmpi ne, %convert_element_type3A_27, %cond3A_28 : i32
    scf.if %cond3A_29 {
      %get3A_30 = arith.constant 0 : index
      %get3A_31 = arith.constant 0 : index
      %get3A_32 = vector.load %arg9[%get3A_30, %get3A_31] : memref<1x128xf32, #tpu.memory_space<vmem>>, vector<1x128xf32>
      %max3A = arith.constant 1.000000e+00 : f32
      %max3A_33 = vector.broadcast %max3A : f32 to vector<1x128xf32>
      %max3A_34 = arith.maximumf %get3A_32, %max3A_33 : vector<1x128xf32>
      %div3A = arith.constant 1.000000e+00 : f32
      %div3A_35 = vector.broadcast %div3A : f32 to vector<1x128xf32>
      %div3A_36 = arith.divf %div3A_35, %max3A_34 : vector<1x128xf32>
      %iota3A_37 = tpu.iota {dimensions = array<i32: 0>} : vector<128x128xi32>
      %iota3A_38 = tpu.iota {dimensions = array<i32: 1>} : vector<128x128xi32>
      %eq3A_39 = arith.cmpi eq, %iota3A_37, %iota3A_38 : vector<128x128xi32>
      %jit3A = arith.constant 0.000000e+00 : f32
      %broadcast_in_dim3A_40 = vector.shape_cast %div3A_36 : vector<1x128xf32> to vector<1x128xf32>
      %broadcast_in_dim3A_41 = vector.broadcast %broadcast_in_dim3A_40 : vector<1x128xf32> to vector<128x128xf32>
      %broadcast_in_dim3A_42 = vector.broadcast %jit3A : f32 to vector<128x128xf32>
      %select_n3A = arith.select %eq3A_39, %broadcast_in_dim3A_41, %broadcast_in_dim3A_42 : vector<128x128xi1>, vector<128x128xf32>
      %get3A_43 = arith.constant 0 : index
      %get3A_44 = arith.constant 0 : index
      %get3A_45 = vector.load %arg8[%get3A_43, %get3A_44] : memref<128x128xf32, #tpu.memory_space<vmem>>, vector<128x128xf32>
      %dot_general3A_46 = arith.constant dense<0.000000e+00> : vector<128x128xf32>
      %dot_general3A_47 = tpu.matmul %select_n3A, %get3A_45, %dot_general3A_46 {dimension_numbers = #tpu.dot_dimension_numbers<[1], [0], [0], [1], [0, 0, 1, 1], [], []>, precision = #tpu.contract_precision<fp32>, transpose_lhs_hint = false} : vector<128x128xf32>, vector<128x128xf32>, vector<128x128xf32> -> vector<128x128xf32>
      %get3A_48 = arith.constant 0 : index
      %get3A_49 = arith.constant 0 : index
      %get3A_50 = vector.load %arg3[%get3A_48, %get3A_49] : memref<128x128xf32, #tpu.memory_space<vmem>>, vector<128x128xf32>
      %dot_general3A_51 = arith.constant dense<0.000000e+00> : vector<128x128xf32>
      %dot_general3A_52 = tpu.matmul %dot_general3A_47, %get3A_50, %dot_general3A_51 {dimension_numbers = #tpu.dot_dimension_numbers<[1], [0], [0], [1], [0, 0, 1, 1], [], []>, precision = #tpu.contract_precision<fp32>, transpose_lhs_hint = false} : vector<128x128xf32>, vector<128x128xf32>, vector<128x128xf32> -> vector<128x128xf32>
      %get3A_53 = arith.constant 0 : index
      %get3A_54 = arith.constant 0 : index
      %get3A_55 = vector.load %arg4[%get3A_53, %get3A_54] : memref<1x128xf32, #tpu.memory_space<vmem>>, vector<1x128xf32>
      %add3A_56 = vector.broadcast %get3A_55 : vector<1x128xf32> to vector<128x128xf32>
      %add3A_57 = arith.addf %dot_general3A_52, %add3A_56 : vector<128x128xf32>
      %max3A_58 = arith.constant 0.000000e+00 : f32
      %max3A_59 = vector.broadcast %max3A_58 : f32 to vector<128x128xf32>
      %max3A_60 = arith.maximumf %add3A_57, %max3A_59 : vector<128x128xf32>
      %get3A_61 = arith.constant 0 : index
      %get3A_62 = arith.constant 0 : index
      %get3A_63 = vector.load %arg5[%get3A_61, %get3A_62] : memref<128x128xf32, #tpu.memory_space<vmem>>, vector<128x128xf32>
      %dot_general3A_64 = arith.constant dense<0.000000e+00> : vector<128x128xf32>
      %dot_general3A_65 = tpu.matmul %max3A_60, %get3A_63, %dot_general3A_64 {dimension_numbers = #tpu.dot_dimension_numbers<[1], [0], [0], [1], [0, 0, 1, 1], [], []>, precision = #tpu.contract_precision<fp32>, transpose_lhs_hint = false} : vector<128x128xf32>, vector<128x128xf32>, vector<128x128xf32> -> vector<128x128xf32>
      %get3A_66 = arith.constant 0 : index
      %get3A_67 = arith.constant 0 : index
      %get3A_68 = vector.load %arg6[%get3A_66, %get3A_67] : memref<1x128xf32, #tpu.memory_space<vmem>>, vector<1x128xf32>
      %add3A_69 = vector.broadcast %get3A_68 : vector<1x128xf32> to vector<128x128xf32>
      %add3A_70 = arith.addf %dot_general3A_65, %add3A_69 : vector<128x128xf32>
      %swap3A_71 = arith.constant 0 : index
      %swap3A_72 = arith.constant 0 : index
      %swap3A_73 = vector.load %arg7[%swap3A_71, %swap3A_72] : memref<128x128xf32, #tpu.memory_space<vmem>>, vector<128x128xf32>
      tpu.vector_store %arg7[%swap3A_71, %swap3A_72], %add3A_70 {strides = array<i32>} : memref<128x128xf32, #tpu.memory_space<vmem>>, vector<128x128xf32>,
    } else {
    }
    return
  }
  func.func @transform_0(%arg0: i32) -> (i32, i32) {
    %c0_i32 = arith.constant 0 : i32
    %c0_i32_0 = arith.constant 0 : i32
    return %arg0, %c0_i32 : i32, i32
  }
  func.func @transform_1(%arg0: i32) -> (i32, i32) {
    %c0_i32 = arith.constant 0 : i32
    %c0_i32_0 = arith.constant 0 : i32
    return %arg0, %c0_i32 : i32, i32
  }
  func.func @transform_2(%arg0: i32) -> (i32, i32) {
    %c0_i32 = arith.constant 0 : i32
    %c0_i32_0 = arith.constant 0 : i32
    %c0_i32_1 = arith.constant 0 : i32
    return %c0_i32, %c0_i32_0 : i32, i32
  }
  func.func @transform_3(%arg0: i32) -> (i32, i32) {
    %c0_i32 = arith.constant 0 : i32
    %c0_i32_0 = arith.constant 0 : i32
    %c0_i32_1 = arith.constant 0 : i32
    return %c0_i32, %c0_i32_0 : i32, i32
  }
  func.func @transform_4(%arg0: i32) -> (i32, i32) {
    %c0_i32 = arith.constant 0 : i32
    %c0_i32_0 = arith.constant 0 : i32
    %c0_i32_1 = arith.constant 0 : i32
    return %c0_i32, %c0_i32_0 : i32, i32
  }
  func.func @transform_5(%arg0: i32) -> (i32, i32) {
    %c0_i32 = arith.constant 0 : i32
    %c0_i32_0 = arith.constant 0 : i32
    %c0_i32_1 = arith.constant 0 : i32
    return %c0_i32, %c0_i32_0 : i32, i32
  }
  func.func @transform_6(%arg0: i32) -> (i32, i32) {
    %c0_i32 = arith.constant 0 : i32
    %c0_i32_0 = arith.constant 0 : i32
    %c0_i32_1 = arith.constant 0 : i32
    return %c0_i32, %c0_i32_0 : i32, i32
  }
}

</mosaic_0001>

<sc_bundles>
// kernel: kernel.10.cloned.1.call-start
scs
__scs_entry_jumppad:
0x0: {  	(pc) =	sbr.rel $0x88, $3  }
0x1: {  	(tag) =	ssettag $0x0;
	lr =	simm.s32 $0x1  }
0x2: {  	[smem:$0x3F7B] =	sst lr;
	_ =	strace $0xD0000000  }
0x3: {  	_ = 	snop  }
0x4: {  	_ = 	snop  }
0x5: {  	_ = 	snop  }
0x6: {  	_ = 	snop  }
0x7: {  	_ = 	snop  }
__scs_overlays_trampoline_lowered:
0x8: {  	[smem:$0x3F8A] =	sst s0  }
0x9: {  	[smem:$0x3F8B] =	sst s1  }
0xa: {  	[smem:$0x3F8C] =	sst s2  }
0xb: {  	[smem:$0x3F8D] =	sst s3  }
0xc: {  	[smem:$0x3F8E] =	sst s4  }
0xd: {  	[smem:$0x3F8F] =	sst s5  }
0xe: {  	[smem:$0x3F90] =	sst s6  }
0xf: {  	[smem:$0x3F91] =	sst s7  }
0x10: {  	[smem:$0x3F92] =	sst s8  }
0x11: {  	[smem:$0x3F93] =	sst s9;
	s0 =	simm.s32 @!p0 $0x0  }
0x12: {  	s1 =	sld [smem:$0x3F79];
	s0 =	simm.s32 @p0 $0x1  }
0x13: {  	[smem:$0x3F94] =	sst s0;
	s0 =	simm.s32 @!p1 $0x0  }
0x14: {  	s2 =	sld [smem:$0x3F78];
	s0 =	simm.s32 @p1 $0x1  }
0x15: {  	[smem:$0x3F95] =	sst s0;
	s0 =	simm.s32 @!p2 $0x0  }
0x16: {  	s3 =	sld [smem:$0x3FDB];
	s0 =	simm.s32 @p2 $0x1  }
0x17: {  	s4 =	simm.s32 $0x1BF5;
	[smem:$0x3F97] =	sst s0  }
0x18: {  	s0 =	sld [smem:$0x3F7A];
	_ =	swait.ge [sflag:s4], $0x0  }
0x19: {  	s7 =	sld [smem:$0x3F7B]  }
0x1a: {  	s8 =	sadd.s32 $0xFFFFE003, lr  }
0x1b: {  	s9 =	sadd.s32 $0xFFFFFEF7, lr;
	s5 =	simm.s32 $0xFFFFFFFF;
	p2 =	slt.u32 s8, $0xFFFFF086  }
0x1c: {  	p1 =	slt.u32 s9, $0xF7A;
	s5 =	simm.s32 @!p2 $0x0  }
0x1d: {  	s5 =	simm.s32 @p1 $0x1;
	p0 =	seq.s32 s7, s2  }
0x1e: {  	s7 =	smul.u32 @!p0 $0xF7A, s2;
	p2 =	seq.s32 @!p0 s5, $0x0  }
0x1f: {  	s9 =	smul.u32 $0xF7A, s1;
	s8 =	simm.s32 @!p0 $0x1BF5;
	p2 =	por !p2, p0  }
0x20: {  	[sflag:s8] =	ssyncset.s32 @!p0 $0xFFFFF086;
	s6 =	sadd.s32 @!p0 s3, s7;
	s7 =	simm.s32 @!p0 $0x108  }
0x21: {  	s3 =	sadd.s32 s3, s9;
	s6 =	sadd.s32 @!p0 $0x88, s6;
	s7 =	simm.s32 @p2 $0x1082  }
0x22: {  	[simem:s7], [sflag:s8] =	dma.local @!p0 [hbm:s6], $0xF7A  }
0x23: {  	s9 =	sor.u32 $0xD0000000, s2;
	s6 =	simm.s32 $0x108;
	_ =	swait.ge @!p0 [sflag:s8], $0x0  }
0x24: {  	s3 =	sadd.s32 $0x88, s3;
	s6 =	simm.s32 @!p1 $0x1082;
	[sflag:s4] =	ssyncset.s32 $0xFFFFF086  }
0x25: {  	[simem:s6], [sflag:s4] =	dma.local [hbm:s3], $0xF7A  }
0x26: {  	[smem:$0x3F7B] =	sst s1;
	(tag) =	ssettag s2;
	_ =	strace s9  }
0x27: {  	s1 =	sld [smem:$0x3F8B]  }
0x28: {  	s2 =	sld [smem:$0x3F8C]  }
0x29: {  	s4 =	sld [smem:$0x3F8E]  }
0x2a: {  	p0 =	seq.s32 s5, $0x0;
	s5 =	sld [smem:$0x3F8F]  }
0x2b: {  	s6 =	sld [smem:$0x3F90]  }
0x2c: {  	s7 =	sld [smem:$0x3F91]  }
0x2d: {  	s3 =	simm.s32 $0x108;
	s8 =	sld [smem:$0x3F92]  }
0x2e: {  	s3 =	simm.s32 @!p0 $0x1082;
	s9 =	sld [smem:$0x3F93]  }
0x2f: {  	lr =	sadd.s32 s0, s3;
	s0 =	sld [smem:$0x3F8A]  }
0x30: {  	s3 =	sld [smem:$0x3F8D]  }
0x31: {  	[smem:$0x3F96] =	sst s10  }
0x32: {  	s10 =	sld [smem:$0x3F94];
	_ =	sdelay $0x3  }
0x33: {  	p0 =	seq.s32 s10, $0x1;
	s10 =	sld [smem:$0x3F96];
	_ =	sdelay $0x3  }
0x34: {  	[smem:$0x3F96] =	sst s10  }
0x35: {  	s10 =	sld [smem:$0x3F95];
	_ =	sdelay $0x3  }
0x36: {  	p1 =	seq.s32 s10, $0x1;
	s10 =	sld [smem:$0x3F96];
	_ =	sdelay $0x3  }
0x37: {  	[smem:$0x3F96] =	sst s10  }
0x38: {  	s10 =	sld [smem:$0x3F97]  }
0x39: {  	_ = 	snop;
	(pc) =	sbr.ind lr, $3  }
0x3a: {  	_ = 	snop  }
0x3b: {  	_ = 	snop  }
0x3c: {  	p2 =	seq.s32 s10, $0x1;
	s10 =	sld [smem:$0x3F96]  }
0x3d: {  	_ =	shalt  }
0x3e: {  	_ =	shalt  }
0x3f: {  	_ =	shalt  }
0x40: {  	_ =	shalt  }
0x41: {  	_ =	shalt  }
0x42: {  	_ =	shalt  }
0x43: {  	_ =	shalt  }
0x44: {  	_ =	shalt  }
0x45: {  	_ =	shalt  }
0x46: {  	_ =	shalt  }
0x47: {  	_ =	shalt  }
0x48: {  	_ =	shalt  }
0x49: {  	_ =	shalt  }
0x4a: {  	_ =	shalt  }
0x4b: {  	_ =	shalt  }
0x4c: {  	_ =	shalt  }
0x4d: {  	_ =	shalt  }
0x4e: {  	_ =	shalt  }
0x4f: {  	_ =	shalt  }
0x50: {  	_ =	shalt  }
0x51: {  	_ =	shalt  }
0x52: {  	_ =	shalt  }
0x53: {  	_ =	shalt  }
0x54: {  	_ =	shalt  }
0x55: {  	_ =	shalt  }
0x56: {  	_ =	shalt  }
0x57: {  	_ =	shalt  }
0x58: {  	_ =	shalt  }
0x59: {  	_ =	shalt  }
0x5a: {  	_ =	shalt  }
0x5b: {  	_ =	shalt  }
0x5c: {  	_ =	shalt  }
0x5d: {  	_ =	shalt  }
0x5e: {  	_ =	shalt  }
0x5f: {  	_ =	shalt  }
0x60: {  	_ =	shalt  }
0x61: {  	_ =	shalt  }
0x62: {  	_ =	shalt  }
0x63: {  	_ =	shalt  }
0x64: {  	_ =	shalt  }
0x65: {  	_ =	shalt  }
0x66: {  	_ =	shalt  }
0x67: {  	_ =	shalt  }
0x68: {  	_ =	shalt  }
0x69: {  	_ =	shalt  }
0x6a: {  	_ =	shalt  }
0x6b: {  	_ =	shalt  }
0x6c: {  	_ =	shalt  }
0x6d: {  	_ =	shalt  }
0x6e: {  	_ =	shalt  }
0x6f: {  	_ =	shalt  }
0x70: {  	_ =	shalt  }
0x71: {  	_ =	shalt  }
0x72: {  	_ =	shalt  }
0x73: {  	_ =	shalt  }
0x74: {  	_ =	shalt  }
0x75: {  	_ =	shalt  }
0x76: {  	_ =	shalt  }
0x77: {  	_ =	shalt  }
0x78: {  	_ =	shalt  }
0x79: {  	_ =	shalt  }
0x7a: {  	_ =	shalt  }
0x7b: {  	_ =	shalt  }
0x7c: {  	_ =	shalt  }
0x7d: {  	_ =	shalt  }
0x7e: {  	_ =	shalt  }
0x7f: {  	_ =	shalt  }
0x80: {  	_ =	shalt  }
0x81: {  	_ =	shalt  }
0x82: {  	_ =	shalt  }
0x83: {  	_ =	shalt  }
0x84: {  	_ =	shalt  }
0x85: {  	_ =	shalt  }
0x86: {  	_ =	shalt  }
0x87: {  	_ =	shalt  }
.Lfunc_end0:
.L_simem_size_0:
called_computation_lowered:
.L_overlay_start_0:
0x88: {  	s2 =	sld [smem:$0x3FD9]  }
0x89: {  	s3 =	sld [smem:$0x3FFE];
	_ =	sdelay $0x1  }
0x8a: {  	s1 =	srdreg.scid  }
0x8b: {  	s0 =	sand.u32 $0x1, s1  }
0x8c: {  	s16 =	sshll.u32 s0, $0xA;
	s2 =	sadd.s32 s3, s2  }
0x8d: {  	s2 =	sadd.s32 s2, s16  }
0x8e: {  	[smem:$0x3FA2] =	sst s2  }
0x8f: {  	_ = 	snop  }
0x90: {  	(tm) =	ssettm $0x1  }
0x91: {  	s17 =	sld [smem:$0x3FFB];
	_ =	sdelay $0x3  }
0x92: {  	_ =	strace s17  }
0x93: {  	s2 =	sld [smem:$0x3FFC];
	_ =	sdelay $0x3  }
0x94: {  	_ =	strace s2  }
0x95: {  	s2 =	sld [smem:$0x3FFD];
	_ =	sdelay $0x3  }
0x96: {  	_ =	strace s2  }
0x97: {  	_ =	strace $0x8FFFFFFF  }
0x98: {  	s18 =	sld [smem:$0x3FDB];
	_ =	sdelay $0x1  }
0x99: {  	s19 =	simm.s32 $_scs_section_size  }
0x9a: {  	s4 =	simm.s32 $_size__tile_overlayer_lowered;
	s5 =	simm.s32 $_tile_overlayer_lowered  }
0x9b: {  	s22 =	simm.s32 $0x1BFF;
	s21 =	sshll.u32 s5, $0x1;
	s2 =	sadd.s32 s19, s18  }
0x9c: {  	s6 =	simm.s32 $0x0;
	s20 =	sshll.u32 s4, $0x1;
	s4 =	sadd.s32 s21, s2  }
0x9d: {  	[timem:s6], [sflag:s22] =	dma.local [hbm:s4], s20  }
0x9e: {  	_ =	swait.ge [sflag:s22], s20  }
0x9f: {  	s3 =	ssub.s32 $0x0, s20;
	[sflag:s22] =	ssyncset.done $0x0  }
0xa0: {  	[sflag:s22] =	ssyncadd.s32 s3;
	_ =	sdelay $0x1  }
0xa1: {  	s23 =	simm.s32 $0x1B8B  }
0xa2: {  	_ =	swait.ge [sflag:s23], $0x1  }
0xa3: {  	[sflag:s23] =	ssyncset.done $0x0  }
0xa4: {  	s25 =	simm.s32 $0x1B8E;
	s24 =	sld [smem:$0x3FFE];
	[sflag:s23] =	ssyncadd.s32 $0xFFFFFFFF  }
0xa5: {  	s26 =	simm.s32 $execute0_lowered;
	[smem:$0x3FD2] =	sst s25  }
0xa6: {  	s4 =	sshll.u32 s26, $0x1;
	_ =	strace $0x80000046;
	[dreg:$0x1] =	wrdreg $0xFFFFFFFF  }
0xa7: {  	s28 =	simm.s32 $_size_execute0_lowered;
	s2 =	sadd.s32 s2, s4;
	[dreg:$0x0] =	wrdreg $0x0  }
0xa8: {  	s4 =	sshll.u32 s28, $0x1;
	[dreg:$0x2] =	wrdreg s2  }
0xa9: {  	[dreg:$0x3] =	wrdreg s4  }
0xaa: {  	[dreg:$0x4] =	wrdreg $0xC0  }
0xab: {  	_ =	task [dreg:s6], $0x5FFFF  }
0xac: {  	[dreg:$0x1] =	wrdreg $0xFFFFFFFF  }
0xad: {  	[dreg:$0x0] =	wrdreg $0x60  }
0xae: {  	[dreg:$0x2] =	wrdreg s24  }
0xaf: {  	[dreg:$0x3] =	wrdreg $0xA8000  }
0xb0: {  	[dreg:$0x4] =	wrdreg $0x9  }
0xb1: {  	_ =	task.clear_ibuf [dreg:s6], $0x5FFFF;
	_ =	strace $0x90000046  }
0xb2: {  	s29 =	simm.s32 $0x9;
	_ =	strace $0x80000048  }
0xb3: {  	_ =	swait.ge [sflag:s29], $0x1  }
0xb4: {  	[sflag:s29] =	ssyncadd.s32 $0xFFFFFFFF  }
0xb5: {  	_ =	strace $0x90000048  }
0xb6: {  	_ =	sfence  }
0xb7: {  	s30 =	sld [smem:$0x0];
	_ =	sdelay $0x2  }
0xb8: {  	s31 =	sshll.u32 s1, $0xD;
	s1 =	sshrl.u32 s1, $0x2  }
0xb9: {  	s3 =	sand.u32 $0x4000, s31;
	s1 =	sadd.s32 s1, s30  }
0xba: {  	s0 =	sor.u32 s3, s0;
	s1 =	sshll.u32 s1, $0x11  }
0xbb: {  	s0 =	sor.u32 s1, s0  }
0xbc: {  	s0 =	sadd.s32 $0x8F2B, s0  }
0xbd: {  	[sflag:s0] =	ssyncadd.remote.s32 $0x1  }
0xbe: {  	_ =	sfence.sel $0xFFFF  }
0xbf: {  	[dreg:$0x0] =	wrdreg $0xFFFFFFFF;
	(pc) =	sbr.abs _section_cstart, $3  }
0xc0: {  	[dreg:$0x1] =	wrdreg $0xFFFFFFFF  }
0xc1: {  	_ =	task.clear_ibuf [dreg:s6], $0x2FFFF;
	_ =	strace $0x9FFFFFFF  }
0xc2: {  	(tm) =	ssettm $0x7FFFFFFF  }
0xc3: {  	_ =	shalt  }
tec
execute0_lowered:
.L_overlay_start_1:
0x0: {  	(tag) =	ssettag $0x1  }
0x1: {  	s6 =	rddreg [dreg:$0x0]  }
0x2: {  	s1 =	rddreg [dreg:$0x1]  }
0x3: {  	s0 =	rddreg [dreg:$0x2]  }
0x4: {  	s2 =	simm.s32 $0x0;
	s5 =	srdreg.scid;
	s3 =	stileid.u32  }
0x5: {  	s17 =	simm.s32 $0x1400;
	s18 =	simm.s32 $0x80;
	s19 =	simm.s32 $0x2800  }
0x6: {  	s20 =	simm.s32 $0x6800;
	s21 =	simm.s32 $0x1;
	s22 =	simm.s32 $0x2  }
0x7: {  	s23 =	simm.s32 $0x2700;
	s24 =	simm.s32 $0x2780;
	s25 =	simm.s32 $0x0  }
0x8: {  	[smem:$0x7FF] =	sst s2;
	s4 =	sadd.s32 $0x1B400, s6;
	s8 =	sadd.s32 $0x7400, s6  }
0x9: {  	s9 =	sadd.s32 $0x11400, s6;
	s7 =	sand.u32 $0x1, s5;
	s5 =	sadd.s32 $0x42600, s6  }
0xa: {  	s11 =	smul.u32 $0x4F000, s3;
	s12 =	sadd.s32 $0x44E00, s6;
	s14 =	sadd.s32 $0x128400, s1  }
0xb: {  	s16 =	smul.u32 $0x13C00, s3;
	p0 =	seq.s32 s3, $0xF;
	_ =	strace $0x80000047  }
0xc: {  	s10 =	sshll.u32 s7, $0x4;
	s29 =	ssub.s32 $0x2, s7;
	s30 =	smul.u32 $0x138800, s7  }
0xd: {  	s10 =	sor.u32 s3, s10;
	s13 =	sshrl.u32 s29, $0x1;
	s11 =	sshrl.u32 s11, $0x2  }
0xe: {  	s10 =	smul.u32 $0x2800, s10;
	s13 =	ssub.s32 s29, s13;
	s16 =	sadd.s32 s16, s30  }
0xf: {  	s15 =	sadd.s32 s11, s1;
	s11 =	sshrl.u32 s30, $0x3;
	s31 =	sshrl.u32 s16, $0x3  }
0x10: {  	s11 =	sadd.s32 s12, s11;
	s15 =	sshrl.u32 @!p0 s15, $0x3;
	s10 =	sshrl.u32 s10, $0x3  }
0x11: {  	s6 =	sadd.s32 s8, s10;
	s7 =	sadd.s32 s9, s10;
	s10 =	sadd.s32 $0x280, s10  }
0x12: {  	s8 =	sadd.s32 s8, s10;
	s9 =	sadd.s32 s9, s10;
	s10 =	sadd.s32 s12, s31  }
0x13: {  	s12 =	smax.u32 s13, $0x1;
	s13 =	sshrl.u32 @p0 s14, $0x3;
	s14 =	sshll.u32 @!p0 s3, $0x6  }
0x14: {  	s16 =	simm.s32 $0x3;
	s11 =	sadd.s32 $0x25080, s11;
	s14 =	sor.u32 @!p0 $0x1C03, s14  }
.LBB2_1:
0x15: {  	s26 =	simm.s32 @p0 $0x1FC3  }
0x16: {  	[spmem:s13], [sflag:s26] =	dma.local @p0 [hbm:s5], $0x2180  }
0x17: {  	s26 =	simm.s32 @p0 $0x3  }
0x18: {  	_ =	swait.ge @p0 [sflag:s26], $0x2180  }
0x19: {  	[sflag:s26] =	ssyncset.done @p0 $0x0  }
0x1a: {  	[sflag:s26] =	ssyncadd.s32 @p0 $0xFFFFDE80;
	s26 =	simm.s32 @!p0 $0x3  }
0x1b: {  	[spmem:s15], [sflag:s14] =	dma.local @!p0 [hbm:s5], $0x2780  }
0x1c: {  	_ =	swait.ge @!p0 [sflag:s26], $0x2780  }
0x1d: {  	[sflag:s26] =	ssyncset.done @!p0 $0x0  }
0x1e: {  	[sflag:s26] =	ssyncadd.s32 @!p0 $0xFFFFD880  }
0x1f: {  	[tilespmem:s2], [sflag:$0x3] =	stream.linear.gather [hbm4b:s6+s2], $0x1400, $0x38;
	[tilespmem:$0x1E100] =	vst v63  }
0x20: {  	_ =	swait.ge [sflag:s16], $0x1400  }
0x21: {  	[sflag:s16] =	ssyncset.done $0x0  }
0x22: {  	[sflag:s16] =	ssyncadd.s32 $0xFFFFEC00  }
0x23: {  	[tilespmem:s17], [sflag:$0x3] =	stream.linear.gather [hbm4b:s7+s2], $0x1400, $0x38;
	[tilespmem:$0x1E100] =	vst v63  }
0x24: {  	_ =	swait.ge [sflag:s16], $0x1400  }
0x25: {  	[sflag:s16] =	ssyncset.done $0x0  }
0x26: {  	[sflag:s16] =	ssyncadd.s32 $0xFFFFEC00  }
0x27: {  	[tilespmem:s19], [sflag:$0x1] =	stream.indirect.gather [hbm4b:s4+s18], $0x80, s2, s18, $0xb8;
	[tilespmem:$0x1E100] =	vst v63  }
0x28: {  	_ = 	snop  }
0x29: {  	[tilespmem:s20], [sflag:$0x2] =	stream.indirect.gather [hbm4b:s4+s18], $0x80, s18, s18, $0xb8;
	[tilespmem:$0x1E100] =	vst v63  }
0x2a: {  	[bflag:$0x0] =	sbarrier.arrive $0xFFFF  }
0x2b: {  	_ =	swait.ge [sflag:s21], $0x4000  }
0x2c: {  	[sflag:s21] =	ssyncset.done $0x0  }
0x2d: {  	s29 =	simm.s32 $0x1400;
	[sflag:s21] =	ssyncadd.s32 $0xFFFFC000  }
0x2e: {  	[spmem:s1] =	stream.indirect.scatter.add.f32 [tilespmem:s19], [sflag:$0x3], $0x80, s29, s18, $0xb8;
	[tilespmem:$0x1E100] =	vst v63  }
0x2f: {  	_ =	swait.ge [sflag:s16], $0x4000  }
0x30: {  	[sflag:s16] =	ssyncset.done $0x0  }
0x31: {  	s30 =	simm.s32 $0x100;
	[sflag:s16] =	ssyncadd.s32 $0xFFFFC000  }
0x32: {  	[tilespmem:s19], [sflag:$0x1] =	stream.indirect.gather [hbm4b:s4+s18], $0x80, s30, s18, $0xb8;
	[tilespmem:$0x1E100] =	vst v63  }
0x33: {  	_ =	swait.ge [sflag:s22], $0x4000  }
0x34: {  	[sflag:s22] =	ssyncset.done $0x0  }
0x35: {  	s31 =	simm.s32 $0x1480;
	[sflag:s22] =	ssyncadd.s32 $0xFFFFC000  }
0x36: {  	[spmem:s1] =	stream.indirect.scatter.add.f32 [tilespmem:s20], [sflag:$0x3], $0x80, s31, s18, $0xb8;
	[tilespmem:$0x1E100] =	vst v63  }
0x37: {  	_ =	swait.ge [sflag:s16], $0x4000  }
0x38: {  	[sflag:s16] =	ssyncset.done $0x0  }
0x39: {  	s28 =	simm.s32 $0x180;
	s26 =	simm.s32 $0x400;
	[sflag:s16] =	ssyncadd.s32 $0xFFFFC000  }
.LBB2_2:
0x3a: {  	[tilespmem:s20], [sflag:$0x2] =	stream.indirect.gather [hbm4b:s4+s18], $0x80, s28, s18, $0xb8;
	[tilespmem:$0x1E100] =	vst v63  }
0x3b: {  	s28 =	smov.u32 s26  }
0x3c: {  	p1 =	sne.s32 s26, $0x4800;
	s26 =	sadd.s32 $0x400, s26;
	_ =	swait.ge [sflag:s21], $0x4000  }
0x3d: {  	s28 =	sshra.s32 s28, $0x2;
	[sflag:s21] =	ssyncset.done $0x0  }
0x3e: {  	s29 =	sadd.s32 $0x1400, s28;
	[sflag:s21] =	ssyncadd.s32 $0xFFFFC000  }
0x3f: {  	[spmem:s1] =	stream.indirect.scatter.add.f32 [tilespmem:s19], [sflag:$0x3], $0x80, s29, s18, $0xb8;
	[tilespmem:$0x1E100] =	vst v63  }
0x40: {  	_ =	swait.ge [sflag:s16], $0x4000  }
0x41: {  	[sflag:s16] =	ssyncset.done $0x0  }
0x42: {  	s29 =	sadd.s32 $0x100, s28;
	[sflag:s16] =	ssyncadd.s32 $0xFFFFC000  }
0x43: {  	[tilespmem:s19], [sflag:$0x1] =	stream.indirect.gather [hbm4b:s4+s18], $0x80, s29, s18, $0xb8;
	[tilespmem:$0x1E100] =	vst v63  }
0x44: {  	_ =	swait.ge [sflag:s22], $0x4000  }
0x45: {  	[sflag:s22] =	ssyncset.done $0x0  }
.Ltmp0:
0x46: {  	s29 =	sadd.s32 $0x1480, s28;
	[sflag:s22] =	ssyncadd.s32 $0xFFFFC000;
	(pc) =	sbr.rel @p1 .LBB2_2-.Ltmp0, $4  }
0x47: {  	[spmem:s1] =	stream.indirect.scatter.add.f32 [tilespmem:s20], [sflag:$0x3], $0x80, s29, s18, $0xb8;
	[tilespmem:$0x1E100] =	vst v63  }
0x48: {  	_ =	swait.ge [sflag:s16], $0x4000  }
0x49: {  	[sflag:s16] =	ssyncset.done $0x0  }
0x4a: {  	s28 =	sadd.s32 $0x180, s28;
	[sflag:s16] =	ssyncadd.s32 $0xFFFFC000  }
0x4b: {  	[tilespmem:s20], [sflag:$0x2] =	stream.indirect.gather [hbm4b:s4+s18], $0x80, s28, s18, $0xb8;
	[tilespmem:$0x1E100] =	vst v63  }
0x4c: {  	_ =	swait.ge [sflag:s21], $0x4000  }
0x4d: {  	[sflag:s21] =	ssyncset.done $0x0  }
0x4e: {  	[sflag:s21] =	ssyncadd.s32 $0xFFFFC000  }
0x4f: {  	[spmem:s1] =	stream.indirect.scatter.add.f32 [tilespmem:s19], [sflag:$0x3], $0x80, s23, s18, $0xb8;
	[tilespmem:$0x1E100] =	vst v63  }
0x50: {  	_ =	swait.ge [sflag:s16], $0x4000  }
0x51: {  	[sflag:s16] =	ssyncset.done $0x0  }
0x52: {  	[sflag:s16] =	ssyncadd.s32 $0xFFFFC000  }
0x53: {  	_ =	swait.ge [sflag:s22], $0x4000  }
0x54: {  	[sflag:s22] =	ssyncset.done $0x0  }
0x55: {  	[sflag:s22] =	ssyncadd.s32 $0xFFFFC000  }
0x56: {  	[spmem:s1] =	stream.indirect.scatter.add.f32 [tilespmem:s20], [sflag:$0x3], $0x80, s24, s18, $0xb8;
	[tilespmem:$0x1E100] =	vst v63  }
0x57: {  	_ =	swait.ge [sflag:s16], $0x4000  }
0x58: {  	[sflag:s16] =	ssyncset.done $0x0  }
0x59: {  	s26 =	simm.s32 $0x0;
	[sflag:s16] =	ssyncadd.s32 $0xFFFFC000  }
0x5a: {  	[tilespmem:s26], [sflag:$0x3] =	stream.linear.gather [hbm4b:s8+s26], $0x1400, $0x38;
	[tilespmem:$0x1E100] =	vst v63  }
0x5b: {  	_ =	swait.ge [sflag:s16], $0x1400  }
0x5c: {  	[sflag:s16] =	ssyncset.done $0x0  }
0x5d: {  	[sflag:s16] =	ssyncadd.s32 $0xFFFFEC00  }
0x5e: {  	[tilespmem:s17], [sflag:$0x3] =	stream.linear.gather [hbm4b:s9+s26], $0x1400, $0x38;
	[tilespmem:$0x1E100] =	vst v63  }
0x5f: {  	_ =	swait.ge [sflag:s16], $0x1400  }
0x60: {  	[sflag:s16] =	ssyncset.done $0x0  }
0x61: {  	[sflag:s16] =	ssyncadd.s32 $0xFFFFEC00  }
0x62: {  	[tilespmem:s19], [sflag:$0x1] =	stream.indirect.gather [hbm4b:s4+s18], $0x80, s26, s18, $0xb8;
	[tilespmem:$0x1E100] =	vst v63  }
0x63: {  	_ = 	snop  }
0x64: {  	[tilespmem:s20], [sflag:$0x2] =	stream.indirect.gather [hbm4b:s4+s18], $0x80, s18, s18, $0xb8;
	[tilespmem:$0x1E100] =	vst v63  }
0x65: {  	_ =	swait.ge [sflag:s21], $0x4000  }
0x66: {  	[sflag:s21] =	ssyncset.done $0x0  }
0x67: {  	s29 =	simm.s32 $0x1400;
	[sflag:s21] =	ssyncadd.s32 $0xFFFFC000  }
0x68: {  	[spmem:s1] =	stream.indirect.scatter.add.f32 [tilespmem:s19], [sflag:$0x3], $0x80, s29, s18, $0xb8;
	[tilespmem:$0x1E100] =	vst v63  }
0x69: {  	_ =	swait.ge [sflag:s16], $0x4000  }
0x6a: {  	[sflag:s16] =	ssyncset.done $0x0  }
0x6b: {  	s30 =	simm.s32 $0x100;
	[sflag:s16] =	ssyncadd.s32 $0xFFFFC000  }
0x6c: {  	[tilespmem:s19], [sflag:$0x1] =	stream.indirect.gather [hbm4b:s4+s18], $0x80, s30, s18, $0xb8;
	[tilespmem:$0x1E100] =	vst v63  }
0x6d: {  	_ =	swait.ge [sflag:s22], $0x4000  }
0x6e: {  	[sflag:s22] =	ssyncset.done $0x0  }
0x6f: {  	s31 =	simm.s32 $0x1480;
	[sflag:s22] =	ssyncadd.s32 $0xFFFFC000  }
0x70: {  	[spmem:s1] =	stream.indirect.scatter.add.f32 [tilespmem:s20], [sflag:$0x3], $0x80, s31, s18, $0xb8;
	[tilespmem:$0x1E100] =	vst v63  }
0x71: {  	_ =	swait.ge [sflag:s16], $0x4000  }
0x72: {  	[sflag:s16] =	ssyncset.done $0x0  }
0x73: {  	s28 =	simm.s32 $0x180;
	s26 =	simm.s32 $0x400;
	[sflag:s16] =	ssyncadd.s32 $0xFFFFC000  }
.LBB2_4:
0x74: {  	[tilespmem:s20], [sflag:$0x2] =	stream.indirect.gather [hbm4b:s4+s18], $0x80, s28, s18, $0xb8;
	[tilespmem:$0x1E100] =	vst v63  }
0x75: {  	s28 =	smov.u32 s26  }
0x76: {  	p1 =	sne.s32 s26, $0x4800;
	s26 =	sadd.s32 $0x400, s26;
	_ =	swait.ge [sflag:s21], $0x4000  }
0x77: {  	s28 =	sshra.s32 s28, $0x2;
	[sflag:s21] =	ssyncset.done $0x0  }
0x78: {  	s29 =	sadd.s32 $0x1400, s28;
	[sflag:s21] =	ssyncadd.s32 $0xFFFFC000  }
0x79: {  	[spmem:s1] =	stream.indirect.scatter.add.f32 [tilespmem:s19], [sflag:$0x3], $0x80, s29, s18, $0xb8;
	[tilespmem:$0x1E100] =	vst v63  }
0x7a: {  	_ =	swait.ge [sflag:s16], $0x4000  }
0x7b: {  	[sflag:s16] =	ssyncset.done $0x0  }
0x7c: {  	s29 =	sadd.s32 $0x100, s28;
	[sflag:s16] =	ssyncadd.s32 $0xFFFFC000  }
0x7d: {  	[tilespmem:s19], [sflag:$0x1] =	stream.indirect.gather [hbm4b:s4+s18], $0x80, s29, s18, $0xb8;
	[tilespmem:$0x1E100] =	vst v63  }
0x7e: {  	_ =	swait.ge [sflag:s22], $0x4000  }
0x7f: {  	[sflag:s22] =	ssyncset.done $0x0  }
.Ltmp1:
0x80: {  	s29 =	sadd.s32 $0x1480, s28;
	[sflag:s22] =	ssyncadd.s32 $0xFFFFC000;
	(pc) =	sbr.rel @p1 .LBB2_4-.Ltmp1, $4  }
0x81: {  	[spmem:s1] =	stream.indirect.scatter.add.f32 [tilespmem:s20], [sflag:$0x3], $0x80, s29, s18, $0xb8;
	[tilespmem:$0x1E100] =	vst v63  }
0x82: {  	_ =	swait.ge [sflag:s16], $0x4000  }
0x83: {  	[sflag:s16] =	ssyncset.done $0x0  }
0x84: {  	s28 =	sadd.s32 $0x180, s28;
	[sflag:s16] =	ssyncadd.s32 $0xFFFFC000  }
0x85: {  	[tilespmem:s20], [sflag:$0x2] =	stream.indirect.gather [hbm4b:s4+s18], $0x80, s28, s18, $0xb8;
	[tilespmem:$0x1E100] =	vst v63  }
0x86: {  	_ =	swait.ge [sflag:s21], $0x4000  }
0x87: {  	[sflag:s21] =	ssyncset.done $0x0  }
0x88: {  	[sflag:s21] =	ssyncadd.s32 $0xFFFFC000  }
0x89: {  	[spmem:s1] =	stream.indirect.scatter.add.f32 [tilespmem:s19], [sflag:$0x3], $0x80, s23, s18, $0xb8;
	[tilespmem:$0x1E100] =	vst v63  }
0x8a: {  	_ =	swait.ge [sflag:s16], $0x4000  }
0x8b: {  	[sflag:s16] =	ssyncset.done $0x0  }
0x8c: {  	[sflag:s16] =	ssyncadd.s32 $0xFFFFC000  }
0x8d: {  	_ =	swait.ge [sflag:s22], $0x4000  }
0x8e: {  	[sflag:s22] =	ssyncset.done $0x0  }
0x8f: {  	[sflag:s22] =	ssyncadd.s32 $0xFFFFC000  }
0x90: {  	[spmem:s1] =	stream.indirect.scatter.add.f32 [tilespmem:s20], [sflag:$0x3], $0x80, s24, s18, $0xb8;
	[tilespmem:$0x1E100] =	vst v63  }
0x91: {  	_ =	swait.ge [sflag:s16], $0x4000  }
0x92: {  	[sflag:s16] =	ssyncset.done $0x0  }
0x93: {  	[sflag:s16] =	ssyncadd.s32 $0xFFFFC000  }
0x94: {  	s26 =	simm.s32 @p0 $0x1FC3;
	[bflag:$0x0] =	sbarrier.arrive $0xFFFF  }
0x95: {  	[hbm:s11], [sflag:s26] =	dma.local @p0 [spmem:s13], $0x2080  }
0x96: {  	s26 =	simm.s32 @p0 $0x3  }
0x97: {  	s25 =	sadd.s32 $0x1, s25;
	_ =	swait.ge @p0 [sflag:s26], $0x2080  }
0x98: {  	p1 =	sne.s32 s25, s12;
	[sflag:s26] =	ssyncset.done @p0 $0x0  }
.Ltmp2:
0x99: {  	[sflag:s26] =	ssyncadd.s32 @p0 $0xFFFFDF80;
	s26 =	simm.s32 @!p0 $0x3;
	(pc) =	sbr.rel @p1 .LBB2_1-.Ltmp2, $4  }
0x9a: {  	[hbm:s10], [sflag:s14] =	dma.local @!p0 [spmem:s15], $0x2780  }
0x9b: {  	_ =	swait.ge @!p0 [sflag:s26], $0x2780  }
0x9c: {  	[sflag:s26] =	ssyncset.done @!p0 $0x0  }
0x9d: {  	[sflag:s26] =	ssyncadd.s32 @!p0 $0xFFFFD880  }
0x9e: {  	_ =	sfence.sel $0x180000  }
0x9f: {  	[bflag:$0x0] =	sbarrier.arrive $0xFFFF  }
0xa0: {  	p0 =	sne.s32 s3, $0x0;
	_ =	strace $0x90000047  }
0xa1: {  	s0 =	sadd.s32 @!p0 $0x100000, s0;
	[bflag:$0x2] =	sbarrier.arrive $0xFFFF  }
0xa2: {  	[sflag:s0] =	ssyncadd.tile.s32 @!p0 $0x1;
	_ =	shalt  }
.Lfunc_end2:
_tile_overlayer_lowered:
.L_overlay_start_2:
0xa3: {  	(tag) =	ssettag $0x2  }
0xa4: {  	s0 =	rddreg [dreg:$0x0];
	s2 =	stileid.u32  }
0xa5: {  	s1 =	rddreg [dreg:$0x1];
	p0 =	sne.s32 s2, $0x0  }
0xa6: {  	s3 =	rddreg [dreg:$0x2];
	[bflag:$0x3] =	sbarrier.arrive $0xFFFF;
	s2 =	simm.s32 @!p0 $0x1C03  }
0xa7: {  	[timem:s3], [sflag:s2] =	dma.local @!p0 [hbm:s0], s1  }
0xa8: {  	s0 =	simm.s32 @!p0 $0x3  }
0xa9: {  	_ =	swait.ge @!p0 [sflag:s0], s1  }
0xaa: {  	s1 =	ssub.s32 @!p0 $0x0, s1;
	[sflag:s0] =	ssyncset.done @!p0 $0x0  }
0xab: {  	[sflag:s0] =	ssyncadd.s32 @!p0 s1  }
0xac: {  	[bflag:$0x3] =	sbarrier.arrive $0xFFFF  }
0xad: {  	_ =	shalt  }

// kernel: kernel.13.cloned.1.call-start
scs
__scs_entry_jumppad:
0x0: {  	(pc) =	sbr.rel $0x88, $3  }
0x1: {  	(tag) =	ssettag $0x0;
	lr =	simm.s32 $0x1  }
0x2: {  	[smem:$0x3F7B] =	sst lr;
	_ =	strace $0xD0000000  }
0x3: {  	_ = 	snop  }
0x4: {  	_ = 	snop  }
0x5: {  	_ = 	snop  }
0x6: {  	_ = 	snop  }
0x7: {  	_ = 	snop  }
__scs_overlays_trampoline_lowered:
0x8: {  	[smem:$0x3F8A] =	sst s0  }
0x9: {  	[smem:$0x3F8B] =	sst s1  }
0xa: {  	[smem:$0x3F8C] =	sst s2  }
0xb: {  	[smem:$0x3F8D] =	sst s3  }
0xc: {  	[smem:$0x3F8E] =	sst s4  }
0xd: {  	[smem:$0x3F8F] =	sst s5  }
0xe: {  	[smem:$0x3F90] =	sst s6  }
0xf: {  	[smem:$0x3F91] =	sst s7  }
0x10: {  	[smem:$0x3F92] =	sst s8  }
0x11: {  	[smem:$0x3F93] =	sst s9;
	s0 =	simm.s32 @!p0 $0x0  }
0x12: {  	s1 =	sld [smem:$0x3F79];
	s0 =	simm.s32 @p0 $0x1  }
0x13: {  	[smem:$0x3F94] =	sst s0;
	s0 =	simm.s32 @!p1 $0x0  }
0x14: {  	s2 =	sld [smem:$0x3F78];
	s0 =	simm.s32 @p1 $0x1  }
0x15: {  	[smem:$0x3F95] =	sst s0;
	s0 =	simm.s32 @!p2 $0x0  }
0x16: {  	s3 =	sld [smem:$0x3FDB];
	s0 =	simm.s32 @p2 $0x1  }
0x17: {  	s4 =	simm.s32 $0x1BF5;
	[smem:$0x3F97] =	sst s0  }
0x18: {  	s0 =	sld [smem:$0x3F7A];
	_ =	swait.ge [sflag:s4], $0x0  }
0x19: {  	s7 =	sld [smem:$0x3F7B]  }
0x1a: {  	s8 =	sadd.s32 $0xFFFFE003, lr  }
0x1b: {  	s9 =	sadd.s32 $0xFFFFFEF7, lr;
	s5 =	simm.s32 $0xFFFFFFFF;
	p2 =	slt.u32 s8, $0xFFFFF086  }
0x1c: {  	p1 =	slt.u32 s9, $0xF7A;
	s5 =	simm.s32 @!p2 $0x0  }
0x1d: {  	s5 =	simm.s32 @p1 $0x1;
	p0 =	seq.s32 s7, s2  }
0x1e: {  	s7 =	smul.u32 @!p0 $0xF7A, s2;
	p2 =	seq.s32 @!p0 s5, $0x0  }
0x1f: {  	s9 =	smul.u32 $0xF7A, s1;
	s8 =	simm.s32 @!p0 $0x1BF5;
	p2 =	por !p2, p0  }
0x20: {  	[sflag:s8] =	ssyncset.s32 @!p0 $0xFFFFF086;
	s6 =	sadd.s32 @!p0 s3, s7;
	s7 =	simm.s32 @!p0 $0x108  }
0x21: {  	s3 =	sadd.s32 s3, s9;
	s6 =	sadd.s32 @!p0 $0x88, s6;
	s7 =	simm.s32 @p2 $0x1082  }
0x22: {  	[simem:s7], [sflag:s8] =	dma.local @!p0 [hbm:s6], $0xF7A  }
0x23: {  	s9 =	sor.u32 $0xD0000000, s2;
	s6 =	simm.s32 $0x108;
	_ =	swait.ge @!p0 [sflag:s8], $0x0  }
0x24: {  	s3 =	sadd.s32 $0x88, s3;
	s6 =	simm.s32 @!p1 $0x1082;
	[sflag:s4] =	ssyncset.s32 $0xFFFFF086  }
0x25: {  	[simem:s6], [sflag:s4] =	dma.local [hbm:s3], $0xF7A  }
0x26: {  	[smem:$0x3F7B] =	sst s1;
	(tag) =	ssettag s2;
	_ =	strace s9  }
0x27: {  	s1 =	sld [smem:$0x3F8B]  }
0x28: {  	s2 =	sld [smem:$0x3F8C]  }
0x29: {  	s4 =	sld [smem:$0x3F8E]  }
0x2a: {  	p0 =	seq.s32 s5, $0x0;
	s5 =	sld [smem:$0x3F8F]  }
0x2b: {  	s6 =	sld [smem:$0x3F90]  }
0x2c: {  	s7 =	sld [smem:$0x3F91]  }
0x2d: {  	s3 =	simm.s32 $0x108;
	s8 =	sld [smem:$0x3F92]  }
0x2e: {  	s3 =	simm.s32 @!p0 $0x1082;
	s9 =	sld [smem:$0x3F93]  }
0x2f: {  	lr =	sadd.s32 s0, s3;
	s0 =	sld [smem:$0x3F8A]  }
0x30: {  	s3 =	sld [smem:$0x3F8D]  }
0x31: {  	[smem:$0x3F96] =	sst s10  }
0x32: {  	s10 =	sld [smem:$0x3F94];
	_ =	sdelay $0x3  }
0x33: {  	p0 =	seq.s32 s10, $0x1;
	s10 =	sld [smem:$0x3F96];
	_ =	sdelay $0x3  }
0x34: {  	[smem:$0x3F96] =	sst s10  }
0x35: {  	s10 =	sld [smem:$0x3F95];
	_ =	sdelay $0x3  }
0x36: {  	p1 =	seq.s32 s10, $0x1;
	s10 =	sld [smem:$0x3F96];
	_ =	sdelay $0x3  }
0x37: {  	[smem:$0x3F96] =	sst s10  }
0x38: {  	s10 =	sld [smem:$0x3F97]  }
0x39: {  	_ = 	snop;
	(pc) =	sbr.ind lr, $3  }
0x3a: {  	_ = 	snop  }
0x3b: {  	_ = 	snop  }
0x3c: {  	p2 =	seq.s32 s10, $0x1;
	s10 =	sld [smem:$0x3F96]  }
0x3d: {  	_ =	shalt  }
0x3e: {  	_ =	shalt  }
0x3f: {  	_ =	shalt  }
0x40: {  	_ =	shalt  }
0x41: {  	_ =	shalt  }
0x42: {  	_ =	shalt  }
0x43: {  	_ =	shalt  }
0x44: {  	_ =	shalt  }
0x45: {  	_ =	shalt  }
0x46: {  	_ =	shalt  }
0x47: {  	_ =	shalt  }
0x48: {  	_ =	shalt  }
0x49: {  	_ =	shalt  }
0x4a: {  	_ =	shalt  }
0x4b: {  	_ =	shalt  }
0x4c: {  	_ =	shalt  }
0x4d: {  	_ =	shalt  }
0x4e: {  	_ =	shalt  }
0x4f: {  	_ =	shalt  }
0x50: {  	_ =	shalt  }
0x51: {  	_ =	shalt  }
0x52: {  	_ =	shalt  }
0x53: {  	_ =	shalt  }
0x54: {  	_ =	shalt  }
0x55: {  	_ =	shalt  }
0x56: {  	_ =	shalt  }
0x57: {  	_ =	shalt  }
0x58: {  	_ =	shalt  }
0x59: {  	_ =	shalt  }
0x5a: {  	_ =	shalt  }
0x5b: {  	_ =	shalt  }
0x5c: {  	_ =	shalt  }
0x5d: {  	_ =	shalt  }
0x5e: {  	_ =	shalt  }
0x5f: {  	_ =	shalt  }
0x60: {  	_ =	shalt  }
0x61: {  	_ =	shalt  }
0x62: {  	_ =	shalt  }
0x63: {  	_ =	shalt  }
0x64: {  	_ =	shalt  }
0x65: {  	_ =	shalt  }
0x66: {  	_ =	shalt  }
0x67: {  	_ =	shalt  }
0x68: {  	_ =	shalt  }
0x69: {  	_ =	shalt  }
0x6a: {  	_ =	shalt  }
0x6b: {  	_ =	shalt  }
0x6c: {  	_ =	shalt  }
0x6d: {  	_ =	shalt  }
0x6e: {  	_ =	shalt  }
0x6f: {  	_ =	shalt  }
0x70: {  	_ =	shalt  }
0x71: {  	_ =	shalt  }
0x72: {  	_ =	shalt  }
0x73: {  	_ =	shalt  }
0x74: {  	_ =	shalt  }
0x75: {  	_ =	shalt  }
0x76: {  	_ =	shalt  }
0x77: {  	_ =	shalt  }
0x78: {  	_ =	shalt  }
0x79: {  	_ =	shalt  }
0x7a: {  	_ =	shalt  }
0x7b: {  	_ =	shalt  }
0x7c: {  	_ =	shalt  }
0x7d: {  	_ =	shalt  }
0x7e: {  	_ =	shalt  }
0x7f: {  	_ =	shalt  }
0x80: {  	_ =	shalt  }
0x81: {  	_ =	shalt  }
0x82: {  	_ =	shalt  }
0x83: {  	_ =	shalt  }
0x84: {  	_ =	shalt  }
0x85: {  	_ =	shalt  }
0x86: {  	_ =	shalt  }
0x87: {  	_ =	shalt  }
.Lfunc_end0:
.L_simem_size_0:
called_computation.1_lowered:
.L_overlay_start_0:
0x88: {  	s2 =	sld [smem:$0x3FD9]  }
0x89: {  	s3 =	sld [smem:$0x3FFE];
	_ =	sdelay $0x1  }
0x8a: {  	s1 =	srdreg.scid  }
0x8b: {  	s0 =	sand.u32 $0x1, s1  }
0x8c: {  	s16 =	sshll.u32 s0, $0xA;
	s2 =	sadd.s32 s3, s2  }
0x8d: {  	s2 =	sadd.s32 s2, s16  }
0x8e: {  	[smem:$0x3FA2] =	sst s2  }
0x8f: {  	_ = 	snop  }
0x90: {  	(tm) =	ssettm $0x1  }
0x91: {  	s17 =	sld [smem:$0x3FFB];
	_ =	sdelay $0x3  }
0x92: {  	_ =	strace s17  }
0x93: {  	s2 =	sld [smem:$0x3FFC];
	_ =	sdelay $0x3  }
0x94: {  	_ =	strace s2  }
0x95: {  	s2 =	sld [smem:$0x3FFD];
	_ =	sdelay $0x3  }
0x96: {  	_ =	strace s2  }
0x97: {  	_ =	strace $0x8FFFFFFF  }
0x98: {  	s18 =	sld [smem:$0x3FDB];
	_ =	sdelay $0x1  }
0x99: {  	s19 =	simm.s32 $_scs_section_size  }
0x9a: {  	s4 =	simm.s32 $_size__tile_overlayer_lowered;
	s5 =	simm.s32 $_tile_overlayer_lowered  }
0x9b: {  	s22 =	simm.s32 $0x1BFF;
	s21 =	sshll.u32 s5, $0x1;
	s2 =	sadd.s32 s19, s18  }
0x9c: {  	s6 =	simm.s32 $0x0;
	s20 =	sshll.u32 s4, $0x1;
	s4 =	sadd.s32 s21, s2  }
0x9d: {  	[timem:s6], [sflag:s22] =	dma.local [hbm:s4], s20  }
0x9e: {  	_ =	swait.ge [sflag:s22], s20  }
0x9f: {  	s3 =	ssub.s32 $0x0, s20;
	[sflag:s22] =	ssyncset.done $0x0  }
0xa0: {  	[sflag:s22] =	ssyncadd.s32 s3;
	_ =	sdelay $0x1  }
0xa1: {  	s23 =	simm.s32 $0x1B8B  }
0xa2: {  	_ =	swait.ge [sflag:s23], $0x1  }
0xa3: {  	[sflag:s23] =	ssyncset.done $0x0  }
0xa4: {  	s25 =	simm.s32 $0x1B8E;
	s24 =	sld [smem:$0x3FFE];
	[sflag:s23] =	ssyncadd.s32 $0xFFFFFFFF  }
0xa5: {  	s26 =	simm.s32 $execute0_lowered;
	[smem:$0x3FD2] =	sst s25  }
0xa6: {  	s4 =	sshll.u32 s26, $0x1;
	_ =	strace $0x80000049;
	[dreg:$0x1] =	wrdreg $0xFFFFFFFF  }
0xa7: {  	s28 =	simm.s32 $_size_execute0_lowered;
	s2 =	sadd.s32 s2, s4;
	[dreg:$0x0] =	wrdreg $0x0  }
0xa8: {  	s4 =	sshll.u32 s28, $0x1;
	[dreg:$0x2] =	wrdreg s2  }
0xa9: {  	[dreg:$0x3] =	wrdreg s4  }
0xaa: {  	[dreg:$0x4] =	wrdreg $0xC0  }
0xab: {  	_ =	task [dreg:s6], $0x5FFFF  }
0xac: {  	[dreg:$0x1] =	wrdreg $0xFFFFFFFF  }
0xad: {  	[dreg:$0x0] =	wrdreg $0x60  }
0xae: {  	[dreg:$0x2] =	wrdreg s24  }
0xaf: {  	[dreg:$0x3] =	wrdreg $0xA8000  }
0xb0: {  	[dreg:$0x4] =	wrdreg $0x9  }
0xb1: {  	_ =	task.clear_ibuf [dreg:s6], $0x5FFFF;
	_ =	strace $0x90000049  }
0xb2: {  	s29 =	simm.s32 $0x9;
	_ =	strace $0x8000004B  }
0xb3: {  	_ =	swait.ge [sflag:s29], $0x1  }
0xb4: {  	[sflag:s29] =	ssyncadd.s32 $0xFFFFFFFF  }
0xb5: {  	_ =	strace $0x9000004B  }
0xb6: {  	_ =	sfence  }
0xb7: {  	s30 =	sld [smem:$0x0];
	_ =	sdelay $0x2  }
0xb8: {  	s31 =	sshll.u32 s1, $0xD;
	s1 =	sshrl.u32 s1, $0x2  }
0xb9: {  	s3 =	sand.u32 $0x4000, s31;
	s1 =	sadd.s32 s1, s30  }
0xba: {  	s0 =	sor.u32 s3, s0;
	s1 =	sshll.u32 s1, $0x11  }
0xbb: {  	s0 =	sor.u32 s1, s0  }
0xbc: {  	s0 =	sadd.s32 $0x8F2B, s0  }
0xbd: {  	[sflag:s0] =	ssyncadd.remote.s32 $0x1  }
0xbe: {  	_ =	sfence.sel $0xFFFF  }
0xbf: {  	[dreg:$0x0] =	wrdreg $0xFFFFFFFF;
	(pc) =	sbr.abs _section_cstart, $3  }
0xc0: {  	[dreg:$0x1] =	wrdreg $0xFFFFFFFF  }
0xc1: {  	_ =	task.clear_ibuf [dreg:s6], $0x2FFFF;
	_ =	strace $0x9FFFFFFF  }
0xc2: {  	(tm) =	ssettm $0x7FFFFFFF  }
0xc3: {  	_ =	shalt  }
tec
execute0_lowered:
.L_overlay_start_1:
0x0: {  	(tag) =	ssettag $0x1  }
0x1: {  	s6 =	rddreg [dreg:$0x0]  }
0x2: {  	s1 =	rddreg [dreg:$0x1]  }
0x3: {  	s0 =	rddreg [dreg:$0x2]  }
0x4: {  	s2 =	simm.s32 $0x0;
	s5 =	srdreg.scid;
	s3 =	stileid.u32  }
0x5: {  	s17 =	simm.s32 $0x1400;
	s18 =	simm.s32 $0x80;
	s19 =	simm.s32 $0x2800  }
0x6: {  	s20 =	simm.s32 $0x6800;
	s21 =	simm.s32 $0x1;
	s22 =	simm.s32 $0x2  }
0x7: {  	s23 =	simm.s32 $0x2700;
	s24 =	simm.s32 $0x2780;
	s25 =	simm.s32 $0x0  }
0x8: {  	[smem:$0x7FF] =	sst s2;
	s4 =	sadd.s32 $0x1B400, s6;
	s8 =	sadd.s32 $0x7400, s6  }
0x9: {  	s9 =	sadd.s32 $0x11400, s6;
	s7 =	sand.u32 $0x1, s5;
	s5 =	sadd.s32 $0x42600, s6  }
0xa: {  	s11 =	smul.u32 $0x4F000, s3;
	s12 =	sadd.s32 $0x44E00, s6;
	s14 =	sadd.s32 $0x128400, s1  }
0xb: {  	s16 =	smul.u32 $0x13C00, s3;
	p0 =	seq.s32 s3, $0xF;
	_ =	strace $0x8000004A  }
0xc: {  	s10 =	sshll.u32 s7, $0x4;
	s29 =	ssub.s32 $0x2, s7;
	s30 =	smul.u32 $0x138800, s7  }
0xd: {  	s10 =	sor.u32 s3, s10;
	s13 =	sshrl.u32 s29, $0x1;
	s11 =	sshrl.u32 s11, $0x2  }
0xe: {  	s10 =	smul.u32 $0x2800, s10;
	s13 =	ssub.s32 s29, s13;
	s16 =	sadd.s32 s16, s30  }
0xf: {  	s15 =	sadd.s32 s11, s1;
	s11 =	sshrl.u32 s30, $0x3;
	s31 =	sshrl.u32 s16, $0x3  }
0x10: {  	s11 =	sadd.s32 s12, s11;
	s15 =	sshrl.u32 @!p0 s15, $0x3;
	s10 =	sshrl.u32 s10, $0x3  }
0x11: {  	s6 =	sadd.s32 s8, s10;
	s7 =	sadd.s32 s9, s10;
	s10 =	sadd.s32 $0x280, s10  }
0x12: {  	s8 =	sadd.s32 s8, s10;
	s9 =	sadd.s32 s9, s10;
	s10 =	sadd.s32 s12, s31  }
0x13: {  	s12 =	smax.u32 s13, $0x1;
	s13 =	sshrl.u32 @p0 s14, $0x3;
	s14 =	sshll.u32 @!p0 s3, $0x6  }
0x14: {  	s16 =	simm.s32 $0x3;
	s11 =	sadd.s32 $0x25080, s11;
	s14 =	sor.u32 @!p0 $0x1C03, s14  }
.LBB2_1:
0x15: {  	s26 =	simm.s32 @p0 $0x1FC3  }
0x16: {  	[spmem:s13], [sflag:s26] =	dma.local @p0 [hbm:s5], $0x2180  }
0x17: {  	s26 =	simm.s32 @p0 $0x3  }
0x18: {  	_ =	swait.ge @p0 [sflag:s26], $0x2180  }
0x19: {  	[sflag:s26] =	ssyncset.done @p0 $0x0  }
0x1a: {  	[sflag:s26] =	ssyncadd.s32 @p0 $0xFFFFDE80;
	s26 =	simm.s32 @!p0 $0x3  }
0x1b: {  	[spmem:s15], [sflag:s14] =	dma.local @!p0 [hbm:s5], $0x2780  }
0x1c: {  	_ =	swait.ge @!p0 [sflag:s26], $0x2780  }
0x1d: {  	[sflag:s26] =	ssyncset.done @!p0 $0x0  }
0x1e: {  	[sflag:s26] =	ssyncadd.s32 @!p0 $0xFFFFD880  }
0x1f: {  	[tilespmem:s2], [sflag:$0x3] =	stream.linear.gather [hbm4b:s6+s2], $0x1400, $0x38;
	[tilespmem:$0x1E100] =	vst v63  }
0x20: {  	_ =	swait.ge [sflag:s16], $0x1400  }
0x21: {  	[sflag:s16] =	ssyncset.done $0x0  }
0x22: {  	[sflag:s16] =	ssyncadd.s32 $0xFFFFEC00  }
0x23: {  	[tilespmem:s17], [sflag:$0x3] =	stream.linear.gather [hbm4b:s7+s2], $0x1400, $0x38;
	[tilespmem:$0x1E100] =	vst v63  }
0x24: {  	_ =	swait.ge [sflag:s16], $0x1400  }
0x25: {  	[sflag:s16] =	ssyncset.done $0x0  }
0x26: {  	[sflag:s16] =	ssyncadd.s32 $0xFFFFEC00  }
0x27: {  	[tilespmem:s19], [sflag:$0x1] =	stream.indirect.gather [hbm4b:s4+s18], $0x80, s2, s18, $0xb8;
	[tilespmem:$0x1E100] =	vst v63  }
0x28: {  	_ = 	snop  }
0x29: {  	[tilespmem:s20], [sflag:$0x2] =	stream.indirect.gather [hbm4b:s4+s18], $0x80, s18, s18, $0xb8;
	[tilespmem:$0x1E100] =	vst v63  }
0x2a: {  	[bflag:$0x0] =	sbarrier.arrive $0xFFFF  }
0x2b: {  	_ =	swait.ge [sflag:s21], $0x4000  }
0x2c: {  	[sflag:s21] =	ssyncset.done $0x0  }
0x2d: {  	s29 =	simm.s32 $0x1400;
	[sflag:s21] =	ssyncadd.s32 $0xFFFFC000  }
0x2e: {  	[spmem:s1] =	stream.indirect.scatter.add.f32 [tilespmem:s19], [sflag:$0x3], $0x80, s29, s18, $0xb8;
	[tilespmem:$0x1E100] =	vst v63  }
0x2f: {  	_ =	swait.ge [sflag:s16], $0x4000  }
0x30: {  	[sflag:s16] =	ssyncset.done $0x0  }
0x31: {  	s30 =	simm.s32 $0x100;
	[sflag:s16] =	ssyncadd.s32 $0xFFFFC000  }
0x32: {  	[tilespmem:s19], [sflag:$0x1] =	stream.indirect.gather [hbm4b:s4+s18], $0x80, s30, s18, $0xb8;
	[tilespmem:$0x1E100] =	vst v63  }
0x33: {  	_ =	swait.ge [sflag:s22], $0x4000  }
0x34: {  	[sflag:s22] =	ssyncset.done $0x0  }
0x35: {  	s31 =	simm.s32 $0x1480;
	[sflag:s22] =	ssyncadd.s32 $0xFFFFC000  }
0x36: {  	[spmem:s1] =	stream.indirect.scatter.add.f32 [tilespmem:s20], [sflag:$0x3], $0x80, s31, s18, $0xb8;
	[tilespmem:$0x1E100] =	vst v63  }
0x37: {  	_ =	swait.ge [sflag:s16], $0x4000  }
0x38: {  	[sflag:s16] =	ssyncset.done $0x0  }
0x39: {  	s28 =	simm.s32 $0x180;
	s26 =	simm.s32 $0x400;
	[sflag:s16] =	ssyncadd.s32 $0xFFFFC000  }
.LBB2_2:
0x3a: {  	[tilespmem:s20], [sflag:$0x2] =	stream.indirect.gather [hbm4b:s4+s18], $0x80, s28, s18, $0xb8;
	[tilespmem:$0x1E100] =	vst v63  }
0x3b: {  	s28 =	smov.u32 s26  }
0x3c: {  	p1 =	sne.s32 s26, $0x4800;
	s26 =	sadd.s32 $0x400, s26;
	_ =	swait.ge [sflag:s21], $0x4000  }
0x3d: {  	s28 =	sshra.s32 s28, $0x2;
	[sflag:s21] =	ssyncset.done $0x0  }
0x3e: {  	s29 =	sadd.s32 $0x1400, s28;
	[sflag:s21] =	ssyncadd.s32 $0xFFFFC000  }
0x3f: {  	[spmem:s1] =	stream.indirect.scatter.add.f32 [tilespmem:s19], [sflag:$0x3], $0x80, s29, s18, $0xb8;
	[tilespmem:$0x1E100] =	vst v63  }
0x40: {  	_ =	swait.ge [sflag:s16], $0x4000  }
0x41: {  	[sflag:s16] =	ssyncset.done $0x0  }
0x42: {  	s29 =	sadd.s32 $0x100, s28;
	[sflag:s16] =	ssyncadd.s32 $0xFFFFC000  }
0x43: {  	[tilespmem:s19], [sflag:$0x1] =	stream.indirect.gather [hbm4b:s4+s18], $0x80, s29, s18, $0xb8;
	[tilespmem:$0x1E100] =	vst v63  }
0x44: {  	_ =	swait.ge [sflag:s22], $0x4000  }
0x45: {  	[sflag:s22] =	ssyncset.done $0x0  }
.Ltmp0:
0x46: {  	s29 =	sadd.s32 $0x1480, s28;
	[sflag:s22] =	ssyncadd.s32 $0xFFFFC000;
	(pc) =	sbr.rel @p1 .LBB2_2-.Ltmp0, $4  }
0x47: {  	[spmem:s1] =	stream.indirect.scatter.add.f32 [tilespmem:s20], [sflag:$0x3], $0x80, s29, s18, $0xb8;
	[tilespmem:$0x1E100] =	vst v63  }
0x48: {  	_ =	swait.ge [sflag:s16], $0x4000  }
0x49: {  	[sflag:s16] =	ssyncset.done $0x0  }
0x4a: {  	s28 =	sadd.s32 $0x180, s28;
	[sflag:s16] =	ssyncadd.s32 $0xFFFFC000  }
0x4b: {  	[tilespmem:s20], [sflag:$0x2] =	stream.indirect.gather [hbm4b:s4+s18], $0x80, s28, s18, $0xb8;
	[tilespmem:$0x1E100] =	vst v63  }
0x4c: {  	_ =	swait.ge [sflag:s21], $0x4000  }
0x4d: {  	[sflag:s21] =	ssyncset.done $0x0  }
0x4e: {  	[sflag:s21] =	ssyncadd.s32 $0xFFFFC000  }
0x4f: {  	[spmem:s1] =	stream.indirect.scatter.add.f32 [tilespmem:s19], [sflag:$0x3], $0x80, s23, s18, $0xb8;
	[tilespmem:$0x1E100] =	vst v63  }
0x50: {  	_ =	swait.ge [sflag:s16], $0x4000  }
0x51: {  	[sflag:s16] =	ssyncset.done $0x0  }
0x52: {  	[sflag:s16] =	ssyncadd.s32 $0xFFFFC000  }
0x53: {  	_ =	swait.ge [sflag:s22], $0x4000  }
0x54: {  	[sflag:s22] =	ssyncset.done $0x0  }
0x55: {  	[sflag:s22] =	ssyncadd.s32 $0xFFFFC000  }
0x56: {  	[spmem:s1] =	stream.indirect.scatter.add.f32 [tilespmem:s20], [sflag:$0x3], $0x80, s24, s18, $0xb8;
	[tilespmem:$0x1E100] =	vst v63  }
0x57: {  	_ =	swait.ge [sflag:s16], $0x4000  }
0x58: {  	[sflag:s16] =	ssyncset.done $0x0  }
0x59: {  	s26 =	simm.s32 $0x0;
	[sflag:s16] =	ssyncadd.s32 $0xFFFFC000  }
0x5a: {  	[tilespmem:s26], [sflag:$0x3] =	stream.linear.gather [hbm4b:s8+s26], $0x1400, $0x38;
	[tilespmem:$0x1E100] =	vst v63  }
0x5b: {  	_ =	swait.ge [sflag:s16], $0x1400  }
0x5c: {  	[sflag:s16] =	ssyncset.done $0x0  }
0x5d: {  	[sflag:s16] =	ssyncadd.s32 $0xFFFFEC00  }
0x5e: {  	[tilespmem:s17], [sflag:$0x3] =	stream.linear.gather [hbm4b:s9+s26], $0x1400, $0x38;
	[tilespmem:$0x1E100] =	vst v63  }
0x5f: {  	_ =	swait.ge [sflag:s16], $0x1400  }
0x60: {  	[sflag:s16] =	ssyncset.done $0x0  }
0x61: {  	[sflag:s16] =	ssyncadd.s32 $0xFFFFEC00  }
0x62: {  	[tilespmem:s19], [sflag:$0x1] =	stream.indirect.gather [hbm4b:s4+s18], $0x80, s26, s18, $0xb8;
	[tilespmem:$0x1E100] =	vst v63  }
0x63: {  	_ = 	snop  }
0x64: {  	[tilespmem:s20], [sflag:$0x2] =	stream.indirect.gather [hbm4b:s4+s18], $0x80, s18, s18, $0xb8;
	[tilespmem:$0x1E100] =	vst v63  }
0x65: {  	_ =	swait.ge [sflag:s21], $0x4000  }
0x66: {  	[sflag:s21] =	ssyncset.done $0x0  }
0x67: {  	s29 =	simm.s32 $0x1400;
	[sflag:s21] =	ssyncadd.s32 $0xFFFFC000  }
0x68: {  	[spmem:s1] =	stream.indirect.scatter.add.f32 [tilespmem:s19], [sflag:$0x3], $0x80, s29, s18, $0xb8;
	[tilespmem:$0x1E100] =	vst v63  }
0x69: {  	_ =	swait.ge [sflag:s16], $0x4000  }
0x6a: {  	[sflag:s16] =	ssyncset.done $0x0  }
0x6b: {  	s30 =	simm.s32 $0x100;
	[sflag:s16] =	ssyncadd.s32 $0xFFFFC000  }
0x6c: {  	[tilespmem:s19], [sflag:$0x1] =	stream.indirect.gather [hbm4b:s4+s18], $0x80, s30, s18, $0xb8;
	[tilespmem:$0x1E100] =	vst v63  }
0x6d: {  	_ =	swait.ge [sflag:s22], $0x4000  }
0x6e: {  	[sflag:s22] =	ssyncset.done $0x0  }
0x6f: {  	s31 =	simm.s32 $0x1480;
	[sflag:s22] =	ssyncadd.s32 $0xFFFFC000  }
0x70: {  	[spmem:s1] =	stream.indirect.scatter.add.f32 [tilespmem:s20], [sflag:$0x3], $0x80, s31, s18, $0xb8;
	[tilespmem:$0x1E100] =	vst v63  }
0x71: {  	_ =	swait.ge [sflag:s16], $0x4000  }
0x72: {  	[sflag:s16] =	ssyncset.done $0x0  }
0x73: {  	s28 =	simm.s32 $0x180;
	s26 =	simm.s32 $0x400;
	[sflag:s16] =	ssyncadd.s32 $0xFFFFC000  }
.LBB2_4:
0x74: {  	[tilespmem:s20], [sflag:$0x2] =	stream.indirect.gather [hbm4b:s4+s18], $0x80, s28, s18, $0xb8;
	[tilespmem:$0x1E100] =	vst v63  }
0x75: {  	s28 =	smov.u32 s26  }
0x76: {  	p1 =	sne.s32 s26, $0x4800;
	s26 =	sadd.s32 $0x400, s26;
	_ =	swait.ge [sflag:s21], $0x4000  }
0x77: {  	s28 =	sshra.s32 s28, $0x2;
	[sflag:s21] =	ssyncset.done $0x0  }
0x78: {  	s29 =	sadd.s32 $0x1400, s28;
	[sflag:s21] =	ssyncadd.s32 $0xFFFFC000  }
0x79: {  	[spmem:s1] =	stream.indirect.scatter.add.f32 [tilespmem:s19], [sflag:$0x3], $0x80, s29, s18, $0xb8;
	[tilespmem:$0x1E100] =	vst v63  }
0x7a: {  	_ =	swait.ge [sflag:s16], $0x4000  }
0x7b: {  	[sflag:s16] =	ssyncset.done $0x0  }
0x7c: {  	s29 =	sadd.s32 $0x100, s28;
	[sflag:s16] =	ssyncadd.s32 $0xFFFFC000  }
0x7d: {  	[tilespmem:s19], [sflag:$0x1] =	stream.indirect.gather [hbm4b:s4+s18], $0x80, s29, s18, $0xb8;
	[tilespmem:$0x1E100] =	vst v63  }
0x7e: {  	_ =	swait.ge [sflag:s22], $0x4000  }
0x7f: {  	[sflag:s22] =	ssyncset.done $0x0  }
.Ltmp1:
0x80: {  	s29 =	sadd.s32 $0x1480, s28;
	[sflag:s22] =	ssyncadd.s32 $0xFFFFC000;
	(pc) =	sbr.rel @p1 .LBB2_4-.Ltmp1, $4  }
0x81: {  	[spmem:s1] =	stream.indirect.scatter.add.f32 [tilespmem:s20], [sflag:$0x3], $0x80, s29, s18, $0xb8;
	[tilespmem:$0x1E100] =	vst v63  }
0x82: {  	_ =	swait.ge [sflag:s16], $0x4000  }
0x83: {  	[sflag:s16] =	ssyncset.done $0x0  }
0x84: {  	s28 =	sadd.s32 $0x180, s28;
	[sflag:s16] =	ssyncadd.s32 $0xFFFFC000  }
0x85: {  	[tilespmem:s20], [sflag:$0x2] =	stream.indirect.gather [hbm4b:s4+s18], $0x80, s28, s18, $0xb8;
	[tilespmem:$0x1E100] =	vst v63  }
0x86: {  	_ =	swait.ge [sflag:s21], $0x4000  }
0x87: {  	[sflag:s21] =	ssyncset.done $0x0  }
0x88: {  	[sflag:s21] =	ssyncadd.s32 $0xFFFFC000  }
0x89: {  	[spmem:s1] =	stream.indirect.scatter.add.f32 [tilespmem:s19], [sflag:$0x3], $0x80, s23, s18, $0xb8;
	[tilespmem:$0x1E100] =	vst v63  }
0x8a: {  	_ =	swait.ge [sflag:s16], $0x4000  }
0x8b: {  	[sflag:s16] =	ssyncset.done $0x0  }
0x8c: {  	[sflag:s16] =	ssyncadd.s32 $0xFFFFC000  }
0x8d: {  	_ =	swait.ge [sflag:s22], $0x4000  }
0x8e: {  	[sflag:s22] =	ssyncset.done $0x0  }
0x8f: {  	[sflag:s22] =	ssyncadd.s32 $0xFFFFC000  }
0x90: {  	[spmem:s1] =	stream.indirect.scatter.add.f32 [tilespmem:s20], [sflag:$0x3], $0x80, s24, s18, $0xb8;
	[tilespmem:$0x1E100] =	vst v63  }
0x91: {  	_ =	swait.ge [sflag:s16], $0x4000  }
0x92: {  	[sflag:s16] =	ssyncset.done $0x0  }
0x93: {  	[sflag:s16] =	ssyncadd.s32 $0xFFFFC000  }
0x94: {  	s26 =	simm.s32 @p0 $0x1FC3;
	[bflag:$0x0] =	sbarrier.arrive $0xFFFF  }
0x95: {  	[hbm:s11], [sflag:s26] =	dma.local @p0 [spmem:s13], $0x2080  }
0x96: {  	s26 =	simm.s32 @p0 $0x3  }
0x97: {  	s25 =	sadd.s32 $0x1, s25;
	_ =	swait.ge @p0 [sflag:s26], $0x2080  }
0x98: {  	p1 =	sne.s32 s25, s12;
	[sflag:s26] =	ssyncset.done @p0 $0x0  }
.Ltmp2:
0x99: {  	[sflag:s26] =	ssyncadd.s32 @p0 $0xFFFFDF80;
	s26 =	simm.s32 @!p0 $0x3;
	(pc) =	sbr.rel @p1 .LBB2_1-.Ltmp2, $4  }
0x9a: {  	[hbm:s10], [sflag:s14] =	dma.local @!p0 [spmem:s15], $0x2780  }
0x9b: {  	_ =	swait.ge @!p0 [sflag:s26], $0x2780  }
0x9c: {  	[sflag:s26] =	ssyncset.done @!p0 $0x0  }
0x9d: {  	[sflag:s26] =	ssyncadd.s32 @!p0 $0xFFFFD880  }
0x9e: {  	_ =	sfence.sel $0x180000  }
0x9f: {  	[bflag:$0x0] =	sbarrier.arrive $0xFFFF  }
0xa0: {  	p0 =	sne.s32 s3, $0x0;
	_ =	strace $0x9000004A  }
0xa1: {  	s0 =	sadd.s32 @!p0 $0x100000, s0;
	[bflag:$0x2] =	sbarrier.arrive $0xFFFF  }
0xa2: {  	[sflag:s0] =	ssyncadd.tile.s32 @!p0 $0x1;
	_ =	shalt  }
.Lfunc_end2:
_tile_overlayer_lowered:
.L_overlay_start_2:
0xa3: {  	(tag) =	ssettag $0x2  }
0xa4: {  	s0 =	rddreg [dreg:$0x0];
	s2 =	stileid.u32  }
0xa5: {  	s1 =	rddreg [dreg:$0x1];
	p0 =	sne.s32 s2, $0x0  }
0xa6: {  	s3 =	rddreg [dreg:$0x2];
	[bflag:$0x3] =	sbarrier.arrive $0xFFFF;
	s2 =	simm.s32 @!p0 $0x1C03  }
0xa7: {  	[timem:s3], [sflag:s2] =	dma.local @!p0 [hbm:s0], s1  }
0xa8: {  	s0 =	simm.s32 @!p0 $0x3  }
0xa9: {  	_ =	swait.ge @!p0 [sflag:s0], s1  }
0xaa: {  	s1 =	ssub.s32 @!p0 $0x0, s1;
	[sflag:s0] =	ssyncset.done @!p0 $0x0  }
0xab: {  	[sflag:s0] =	ssyncadd.s32 @!p0 s1  }
0xac: {  	[bflag:$0x3] =	sbarrier.arrive $0xFFFF  }
0xad: {  	_ =	shalt  }

// kernel: kernel.16.cloned.1.call-start
scs
__scs_entry_jumppad:
0x0: {  	(pc) =	sbr.rel $0x88, $3  }
0x1: {  	(tag) =	ssettag $0x0;
	lr =	simm.s32 $0x1  }
0x2: {  	[smem:$0x3F7B] =	sst lr;
	_ =	strace $0xD0000000  }
0x3: {  	_ = 	snop  }
0x4: {  	_ = 	snop  }
0x5: {  	_ = 	snop  }
0x6: {  	_ = 	snop  }
0x7: {  	_ = 	snop  }
__scs_overlays_trampoline_lowered:
0x8: {  	[smem:$0x3F8A] =	sst s0  }
0x9: {  	[smem:$0x3F8B] =	sst s1  }
0xa: {  	[smem:$0x3F8C] =	sst s2  }
0xb: {  	[smem:$0x3F8D] =	sst s3  }
0xc: {  	[smem:$0x3F8E] =	sst s4  }
0xd: {  	[smem:$0x3F8F] =	sst s5  }
0xe: {  	[smem:$0x3F90] =	sst s6  }
0xf: {  	[smem:$0x3F91] =	sst s7  }
0x10: {  	[smem:$0x3F92] =	sst s8  }
0x11: {  	[smem:$0x3F93] =	sst s9;
	s0 =	simm.s32 @!p0 $0x0  }
0x12: {  	s1 =	sld [smem:$0x3F79];
	s0 =	simm.s32 @p0 $0x1  }
0x13: {  	[smem:$0x3F94] =	sst s0;
	s0 =	simm.s32 @!p1 $0x0  }
0x14: {  	s2 =	sld [smem:$0x3F78];
	s0 =	simm.s32 @p1 $0x1  }
0x15: {  	[smem:$0x3F95] =	sst s0;
	s0 =	simm.s32 @!p2 $0x0  }
0x16: {  	s3 =	sld [smem:$0x3FDB];
	s0 =	simm.s32 @p2 $0x1  }
0x17: {  	s4 =	simm.s32 $0x1BF5;
	[smem:$0x3F97] =	sst s0  }
0x18: {  	s0 =	sld [smem:$0x3F7A];
	_ =	swait.ge [sflag:s4], $0x0  }
0x19: {  	s7 =	sld [smem:$0x3F7B]  }
0x1a: {  	s8 =	sadd.s32 $0xFFFFE003, lr  }
0x1b: {  	s9 =	sadd.s32 $0xFFFFFEF7, lr;
	s5 =	simm.s32 $0xFFFFFFFF;
	p2 =	slt.u32 s8, $0xFFFFF086  }
0x1c: {  	p1 =	slt.u32 s9, $0xF7A;
	s5 =	simm.s32 @!p2 $0x0  }
0x1d: {  	s5 =	simm.s32 @p1 $0x1;
	p0 =	seq.s32 s7, s2  }
0x1e: {  	s7 =	smul.u32 @!p0 $0xF7A, s2;
	p2 =	seq.s32 @!p0 s5, $0x0  }
0x1f: {  	s9 =	smul.u32 $0xF7A, s1;
	s8 =	simm.s32 @!p0 $0x1BF5;
	p2 =	por !p2, p0  }
0x20: {  	[sflag:s8] =	ssyncset.s32 @!p0 $0xFFFFF086;
	s6 =	sadd.s32 @!p0 s3, s7;
	s7 =	simm.s32 @!p0 $0x108  }
0x21: {  	s3 =	sadd.s32 s3, s9;
	s6 =	sadd.s32 @!p0 $0x88, s6;
	s7 =	simm.s32 @p2 $0x1082  }
0x22: {  	[simem:s7], [sflag:s8] =	dma.local @!p0 [hbm:s6], $0xF7A  }
0x23: {  	s9 =	sor.u32 $0xD0000000, s2;
	s6 =	simm.s32 $0x108;
	_ =	swait.ge @!p0 [sflag:s8], $0x0  }
0x24: {  	s3 =	sadd.s32 $0x88, s3;
	s6 =	simm.s32 @!p1 $0x1082;
	[sflag:s4] =	ssyncset.s32 $0xFFFFF086  }
0x25: {  	[simem:s6], [sflag:s4] =	dma.local [hbm:s3], $0xF7A  }
0x26: {  	[smem:$0x3F7B] =	sst s1;
	(tag) =	ssettag s2;
	_ =	strace s9  }
0x27: {  	s1 =	sld [smem:$0x3F8B]  }
0x28: {  	s2 =	sld [smem:$0x3F8C]  }
0x29: {  	s4 =	sld [smem:$0x3F8E]  }
0x2a: {  	p0 =	seq.s32 s5, $0x0;
	s5 =	sld [smem:$0x3F8F]  }
0x2b: {  	s6 =	sld [smem:$0x3F90]  }
0x2c: {  	s7 =	sld [smem:$0x3F91]  }
0x2d: {  	s3 =	simm.s32 $0x108;
	s8 =	sld [smem:$0x3F92]  }
0x2e: {  	s3 =	simm.s32 @!p0 $0x1082;
	s9 =	sld [smem:$0x3F93]  }
0x2f: {  	lr =	sadd.s32 s0, s3;
	s0 =	sld [smem:$0x3F8A]  }
0x30: {  	s3 =	sld [smem:$0x3F8D]  }
0x31: {  	[smem:$0x3F96] =	sst s10  }
0x32: {  	s10 =	sld [smem:$0x3F94];
	_ =	sdelay $0x3  }
0x33: {  	p0 =	seq.s32 s10, $0x1;
	s10 =	sld [smem:$0x3F96];
	_ =	sdelay $0x3  }
0x34: {  	[smem:$0x3F96] =	sst s10  }
0x35: {  	s10 =	sld [smem:$0x3F95];
	_ =	sdelay $0x3  }
0x36: {  	p1 =	seq.s32 s10, $0x1;
	s10 =	sld [smem:$0x3F96];
	_ =	sdelay $0x3  }
0x37: {  	[smem:$0x3F96] =	sst s10  }
0x38: {  	s10 =	sld [smem:$0x3F97]  }
0x39: {  	_ = 	snop;
	(pc) =	sbr.ind lr, $3  }
0x3a: {  	_ = 	snop  }
0x3b: {  	_ = 	snop  }
0x3c: {  	p2 =	seq.s32 s10, $0x1;
	s10 =	sld [smem:$0x3F96]  }
0x3d: {  	_ =	shalt  }
0x3e: {  	_ =	shalt  }
0x3f: {  	_ =	shalt  }
0x40: {  	_ =	shalt  }
0x41: {  	_ =	shalt  }
0x42: {  	_ =	shalt  }
0x43: {  	_ =	shalt  }
0x44: {  	_ =	shalt  }
0x45: {  	_ =	shalt  }
0x46: {  	_ =	shalt  }
0x47: {  	_ =	shalt  }
0x48: {  	_ =	shalt  }
0x49: {  	_ =	shalt  }
0x4a: {  	_ =	shalt  }
0x4b: {  	_ =	shalt  }
0x4c: {  	_ =	shalt  }
0x4d: {  	_ =	shalt  }
0x4e: {  	_ =	shalt  }
0x4f: {  	_ =	shalt  }
0x50: {  	_ =	shalt  }
0x51: {  	_ =	shalt  }
0x52: {  	_ =	shalt  }
0x53: {  	_ =	shalt  }
0x54: {  	_ =	shalt  }
0x55: {  	_ =	shalt  }
0x56: {  	_ =	shalt  }
0x57: {  	_ =	shalt  }
0x58: {  	_ =	shalt  }
0x59: {  	_ =	shalt  }
0x5a: {  	_ =	shalt  }
0x5b: {  	_ =	shalt  }
0x5c: {  	_ =	shalt  }
0x5d: {  	_ =	shalt  }
0x5e: {  	_ =	shalt  }
0x5f: {  	_ =	shalt  }
0x60: {  	_ =	shalt  }
0x61: {  	_ =	shalt  }
0x62: {  	_ =	shalt  }
0x63: {  	_ =	shalt  }
0x64: {  	_ =	shalt  }
0x65: {  	_ =	shalt  }
0x66: {  	_ =	shalt  }
0x67: {  	_ =	shalt  }
0x68: {  	_ =	shalt  }
0x69: {  	_ =	shalt  }
0x6a: {  	_ =	shalt  }
0x6b: {  	_ =	shalt  }
0x6c: {  	_ =	shalt  }
0x6d: {  	_ =	shalt  }
0x6e: {  	_ =	shalt  }
0x6f: {  	_ =	shalt  }
0x70: {  	_ =	shalt  }
0x71: {  	_ =	shalt  }
0x72: {  	_ =	shalt  }
0x73: {  	_ =	shalt  }
0x74: {  	_ =	shalt  }
0x75: {  	_ =	shalt  }
0x76: {  	_ =	shalt  }
0x77: {  	_ =	shalt  }
0x78: {  	_ =	shalt  }
0x79: {  	_ =	shalt  }
0x7a: {  	_ =	shalt  }
0x7b: {  	_ =	shalt  }
0x7c: {  	_ =	shalt  }
0x7d: {  	_ =	shalt  }
0x7e: {  	_ =	shalt  }
0x7f: {  	_ =	shalt  }
0x80: {  	_ =	shalt  }
0x81: {  	_ =	shalt  }
0x82: {  	_ =	shalt  }
0x83: {  	_ =	shalt  }
0x84: {  	_ =	shalt  }
0x85: {  	_ =	shalt  }
0x86: {  	_ =	shalt  }
0x87: {  	_ =	shalt  }
.Lfunc_end0:
.L_simem_size_0:
called_computation.2_lowered:
.L_overlay_start_0:
0x88: {  	s2 =	sld [smem:$0x3FD9]  }
0x89: {  	s3 =	sld [smem:$0x3FFE];
	_ =	sdelay $0x1  }
0x8a: {  	s1 =	srdreg.scid  }
0x8b: {  	s0 =	sand.u32 $0x1, s1  }
0x8c: {  	s16 =	sshll.u32 s0, $0xA;
	s2 =	sadd.s32 s3, s2  }
0x8d: {  	s2 =	sadd.s32 s2, s16  }
0x8e: {  	[smem:$0x3FA2] =	sst s2  }
0x8f: {  	_ = 	snop  }
0x90: {  	(tm) =	ssettm $0x1  }
0x91: {  	s17 =	sld [smem:$0x3FFB];
	_ =	sdelay $0x3  }
0x92: {  	_ =	strace s17  }
0x93: {  	s2 =	sld [smem:$0x3FFC];
	_ =	sdelay $0x3  }
0x94: {  	_ =	strace s2  }
0x95: {  	s2 =	sld [smem:$0x3FFD];
	_ =	sdelay $0x3  }
0x96: {  	_ =	strace s2  }
0x97: {  	_ =	strace $0x8FFFFFFF  }
0x98: {  	s18 =	sld [smem:$0x3FDB];
	_ =	sdelay $0x1  }
0x99: {  	s19 =	simm.s32 $_scs_section_size  }
0x9a: {  	s4 =	simm.s32 $_size__tile_overlayer_lowered;
	s5 =	simm.s32 $_tile_overlayer_lowered  }
0x9b: {  	s22 =	simm.s32 $0x1BFF;
	s21 =	sshll.u32 s5, $0x1;
	s2 =	sadd.s32 s19, s18  }
0x9c: {  	s6 =	simm.s32 $0x0;
	s20 =	sshll.u32 s4, $0x1;
	s4 =	sadd.s32 s21, s2  }
0x9d: {  	[timem:s6], [sflag:s22] =	dma.local [hbm:s4], s20  }
0x9e: {  	_ =	swait.ge [sflag:s22], s20  }
0x9f: {  	s3 =	ssub.s32 $0x0, s20;
	[sflag:s22] =	ssyncset.done $0x0  }
0xa0: {  	[sflag:s22] =	ssyncadd.s32 s3;
	_ =	sdelay $0x1  }
0xa1: {  	s23 =	simm.s32 $0x1B8B  }
0xa2: {  	_ =	swait.ge [sflag:s23], $0x1  }
0xa3: {  	[sflag:s23] =	ssyncset.done $0x0  }
0xa4: {  	s25 =	simm.s32 $0x1B8E;
	s24 =	sld [smem:$0x3FFE];
	[sflag:s23] =	ssyncadd.s32 $0xFFFFFFFF  }
0xa5: {  	s26 =	simm.s32 $execute0_lowered;
	[smem:$0x3FD2] =	sst s25  }
0xa6: {  	s4 =	sshll.u32 s26, $0x1;
	_ =	strace $0x8000004C;
	[dreg:$0x1] =	wrdreg $0xFFFFFFFF  }
0xa7: {  	s28 =	simm.s32 $_size_execute0_lowered;
	s2 =	sadd.s32 s2, s4;
	[dreg:$0x0] =	wrdreg $0x0  }
0xa8: {  	s4 =	sshll.u32 s28, $0x1;
	[dreg:$0x2] =	wrdreg s2  }
0xa9: {  	[dreg:$0x3] =	wrdreg s4  }
0xaa: {  	[dreg:$0x4] =	wrdreg $0xC0  }
0xab: {  	_ =	task [dreg:s6], $0x5FFFF  }
0xac: {  	[dreg:$0x1] =	wrdreg $0xFFFFFFFF  }
0xad: {  	[dreg:$0x0] =	wrdreg $0x60  }
0xae: {  	[dreg:$0x2] =	wrdreg s24  }
0xaf: {  	[dreg:$0x3] =	wrdreg $0xA8000  }
0xb0: {  	[dreg:$0x4] =	wrdreg $0x9  }
0xb1: {  	_ =	task.clear_ibuf [dreg:s6], $0x5FFFF;
	_ =	strace $0x9000004C  }
0xb2: {  	s29 =	simm.s32 $0x9;
	_ =	strace $0x8000004E  }
0xb3: {  	_ =	swait.ge [sflag:s29], $0x1  }
0xb4: {  	[sflag:s29] =	ssyncadd.s32 $0xFFFFFFFF  }
0xb5: {  	_ =	strace $0x9000004E  }
0xb6: {  	_ =	sfence  }
0xb7: {  	s30 =	sld [smem:$0x0];
	_ =	sdelay $0x2  }
0xb8: {  	s31 =	sshll.u32 s1, $0xD;
	s1 =	sshrl.u32 s1, $0x2  }
0xb9: {  	s3 =	sand.u32 $0x4000, s31;
	s1 =	sadd.s32 s1, s30  }
0xba: {  	s0 =	sor.u32 s3, s0;
	s1 =	sshll.u32 s1, $0x11  }
0xbb: {  	s0 =	sor.u32 s1, s0  }
0xbc: {  	s0 =	sadd.s32 $0x8F2B, s0  }
0xbd: {  	[sflag:s0] =	ssyncadd.remote.s32 $0x1  }
0xbe: {  	_ =	sfence.sel $0xFFFF  }
0xbf: {  	[dreg:$0x0] =	wrdreg $0xFFFFFFFF;
	(pc) =	sbr.abs _section_cstart, $3  }
0xc0: {  	[dreg:$0x1] =	wrdreg $0xFFFFFFFF  }
0xc1: {  	_ =	task.clear_ibuf [dreg:s6], $0x2FFFF;
	_ =	strace $0x9FFFFFFF  }
0xc2: {  	(tm) =	ssettm $0x7FFFFFFF  }
0xc3: {  	_ =	shalt  }
tec
execute0_lowered:
.L_overlay_start_1:
0x0: {  	(tag) =	ssettag $0x1  }
0x1: {  	s6 =	rddreg [dreg:$0x0]  }
0x2: {  	s1 =	rddreg [dreg:$0x1]  }
0x3: {  	s0 =	rddreg [dreg:$0x2]  }
0x4: {  	s2 =	simm.s32 $0x0;
	s5 =	srdreg.scid;
	s3 =	stileid.u32  }
0x5: {  	s17 =	simm.s32 $0x1400;
	s18 =	simm.s32 $0x80;
	s19 =	simm.s32 $0x2800  }
0x6: {  	s20 =	simm.s32 $0x6800;
	s21 =	simm.s32 $0x1;
	s22 =	simm.s32 $0x2  }
0x7: {  	s23 =	simm.s32 $0x2700;
	s24 =	simm.s32 $0x2780;
	s25 =	simm.s32 $0x0  }
0x8: {  	[smem:$0x7FF] =	sst s2;
	s4 =	sadd.s32 $0x1B400, s6;
	s8 =	sadd.s32 $0x7400, s6  }
0x9: {  	s9 =	sadd.s32 $0x11400, s6;
	s7 =	sand.u32 $0x1, s5;
	s5 =	sadd.s32 $0x42600, s6  }
0xa: {  	s11 =	smul.u32 $0x4F000, s3;
	s12 =	sadd.s32 $0x44E00, s6;
	s14 =	sadd.s32 $0x128400, s1  }
0xb: {  	s16 =	smul.u32 $0x13C00, s3;
	p0 =	seq.s32 s3, $0xF;
	_ =	strace $0x8000004D  }
0xc: {  	s10 =	sshll.u32 s7, $0x4;
	s29 =	ssub.s32 $0x2, s7;
	s30 =	smul.u32 $0x138800, s7  }
0xd: {  	s10 =	sor.u32 s3, s10;
	s13 =	sshrl.u32 s29, $0x1;
	s11 =	sshrl.u32 s11, $0x2  }
0xe: {  	s10 =	smul.u32 $0x2800, s10;
	s13 =	ssub.s32 s29, s13;
	s16 =	sadd.s32 s16, s30  }
0xf: {  	s15 =	sadd.s32 s11, s1;
	s11 =	sshrl.u32 s30, $0x3;
	s31 =	sshrl.u32 s16, $0x3  }
0x10: {  	s11 =	sadd.s32 s12, s11;
	s15 =	sshrl.u32 @!p0 s15, $0x3;
	s10 =	sshrl.u32 s10, $0x3  }
0x11: {  	s6 =	sadd.s32 s8, s10;
	s7 =	sadd.s32 s9, s10;
	s10 =	sadd.s32 $0x280, s10  }
0x12: {  	s8 =	sadd.s32 s8, s10;
	s9 =	sadd.s32 s9, s10;
	s10 =	sadd.s32 s12, s31  }
0x13: {  	s12 =	smax.u32 s13, $0x1;
	s13 =	sshrl.u32 @p0 s14, $0x3;
	s14 =	sshll.u32 @!p0 s3, $0x6  }
0x14: {  	s16 =	simm.s32 $0x3;
	s11 =	sadd.s32 $0x25080, s11;
	s14 =	sor.u32 @!p0 $0x1C03, s14  }
.LBB2_1:
0x15: {  	s26 =	simm.s32 @p0 $0x1FC3  }
0x16: {  	[spmem:s13], [sflag:s26] =	dma.local @p0 [hbm:s5], $0x2180  }
0x17: {  	s26 =	simm.s32 @p0 $0x3  }
0x18: {  	_ =	swait.ge @p0 [sflag:s26], $0x2180  }
0x19: {  	[sflag:s26] =	ssyncset.done @p0 $0x0  }
0x1a: {  	[sflag:s26] =	ssyncadd.s32 @p0 $0xFFFFDE80;
	s26 =	simm.s32 @!p0 $0x3  }
0x1b: {  	[spmem:s15], [sflag:s14] =	dma.local @!p0 [hbm:s5], $0x2780  }
0x1c: {  	_ =	swait.ge @!p0 [sflag:s26], $0x2780  }
0x1d: {  	[sflag:s26] =	ssyncset.done @!p0 $0x0  }
0x1e: {  	[sflag:s26] =	ssyncadd.s32 @!p0 $0xFFFFD880  }
0x1f: {  	[tilespmem:s2], [sflag:$0x3] =	stream.linear.gather [hbm4b:s6+s2], $0x1400, $0x38;
	[tilespmem:$0x1E100] =	vst v63  }
0x20: {  	_ =	swait.ge [sflag:s16], $0x1400  }
0x21: {  	[sflag:s16] =	ssyncset.done $0x0  }
0x22: {  	[sflag:s16] =	ssyncadd.s32 $0xFFFFEC00  }
0x23: {  	[tilespmem:s17], [sflag:$0x3] =	stream.linear.gather [hbm4b:s7+s2], $0x1400, $0x38;
	[tilespmem:$0x1E100] =	vst v63  }
0x24: {  	_ =	swait.ge [sflag:s16], $0x1400  }
0x25: {  	[sflag:s16] =	ssyncset.done $0x0  }
0x26: {  	[sflag:s16] =	ssyncadd.s32 $0xFFFFEC00  }
0x27: {  	[tilespmem:s19], [sflag:$0x1] =	stream.indirect.gather [hbm4b:s4+s18], $0x80, s2, s18, $0xb8;
	[tilespmem:$0x1E100] =	vst v63  }
0x28: {  	_ = 	snop  }
0x29: {  	[tilespmem:s20], [sflag:$0x2] =	stream.indirect.gather [hbm4b:s4+s18], $0x80, s18, s18, $0xb8;
	[tilespmem:$0x1E100] =	vst v63  }
0x2a: {  	[bflag:$0x0] =	sbarrier.arrive $0xFFFF  }
0x2b: {  	_ =	swait.ge [sflag:s21], $0x4000  }
0x2c: {  	[sflag:s21] =	ssyncset.done $0x0  }
0x2d: {  	s29 =	simm.s32 $0x1400;
	[sflag:s21] =	ssyncadd.s32 $0xFFFFC000  }
0x2e: {  	[spmem:s1] =	stream.indirect.scatter.add.f32 [tilespmem:s19], [sflag:$0x3], $0x80, s29, s18, $0xb8;
	[tilespmem:$0x1E100] =	vst v63  }
0x2f: {  	_ =	swait.ge [sflag:s16], $0x4000  }
0x30: {  	[sflag:s16] =	ssyncset.done $0x0  }
0x31: {  	s30 =	simm.s32 $0x100;
	[sflag:s16] =	ssyncadd.s32 $0xFFFFC000  }
0x32: {  	[tilespmem:s19], [sflag:$0x1] =	stream.indirect.gather [hbm4b:s4+s18], $0x80, s30, s18, $0xb8;
	[tilespmem:$0x1E100] =	vst v63  }
0x33: {  	_ =	swait.ge [sflag:s22], $0x4000  }
0x34: {  	[sflag:s22] =	ssyncset.done $0x0  }
0x35: {  	s31 =	simm.s32 $0x1480;
	[sflag:s22] =	ssyncadd.s32 $0xFFFFC000  }
0x36: {  	[spmem:s1] =	stream.indirect.scatter.add.f32 [tilespmem:s20], [sflag:$0x3], $0x80, s31, s18, $0xb8;
	[tilespmem:$0x1E100] =	vst v63  }
0x37: {  	_ =	swait.ge [sflag:s16], $0x4000  }
0x38: {  	[sflag:s16] =	ssyncset.done $0x0  }
0x39: {  	s28 =	simm.s32 $0x180;
	s26 =	simm.s32 $0x400;
	[sflag:s16] =	ssyncadd.s32 $0xFFFFC000  }
.LBB2_2:
0x3a: {  	[tilespmem:s20], [sflag:$0x2] =	stream.indirect.gather [hbm4b:s4+s18], $0x80, s28, s18, $0xb8;
	[tilespmem:$0x1E100] =	vst v63  }
0x3b: {  	s28 =	smov.u32 s26  }
0x3c: {  	p1 =	sne.s32 s26, $0x4800;
	s26 =	sadd.s32 $0x400, s26;
	_ =	swait.ge [sflag:s21], $0x4000  }
0x3d: {  	s28 =	sshra.s32 s28, $0x2;
	[sflag:s21] =	ssyncset.done $0x0  }
0x3e: {  	s29 =	sadd.s32 $0x1400, s28;
	[sflag:s21] =	ssyncadd.s32 $0xFFFFC000  }
0x3f: {  	[spmem:s1] =	stream.indirect.scatter.add.f32 [tilespmem:s19], [sflag:$0x3], $0x80, s29, s18, $0xb8;
	[tilespmem:$0x1E100] =	vst v63  }
0x40: {  	_ =	swait.ge [sflag:s16], $0x4000  }
0x41: {  	[sflag:s16] =	ssyncset.done $0x0  }
0x42: {  	s29 =	sadd.s32 $0x100, s28;
	[sflag:s16] =	ssyncadd.s32 $0xFFFFC000  }
0x43: {  	[tilespmem:s19], [sflag:$0x1] =	stream.indirect.gather [hbm4b:s4+s18], $0x80, s29, s18, $0xb8;
	[tilespmem:$0x1E100] =	vst v63  }
0x44: {  	_ =	swait.ge [sflag:s22], $0x4000  }
0x45: {  	[sflag:s22] =	ssyncset.done $0x0  }
.Ltmp0:
0x46: {  	s29 =	sadd.s32 $0x1480, s28;
	[sflag:s22] =	ssyncadd.s32 $0xFFFFC000;
	(pc) =	sbr.rel @p1 .LBB2_2-.Ltmp0, $4  }
0x47: {  	[spmem:s1] =	stream.indirect.scatter.add.f32 [tilespmem:s20], [sflag:$0x3], $0x80, s29, s18, $0xb8;
	[tilespmem:$0x1E100] =	vst v63  }
0x48: {  	_ =	swait.ge [sflag:s16], $0x4000  }
0x49: {  	[sflag:s16] =	ssyncset.done $0x0  }
0x4a: {  	s28 =	sadd.s32 $0x180, s28;
	[sflag:s16] =	ssyncadd.s32 $0xFFFFC000  }
0x4b: {  	[tilespmem:s20], [sflag:$0x2] =	stream.indirect.gather [hbm4b:s4+s18], $0x80, s28, s18, $0xb8;
	[tilespmem:$0x1E100] =	vst v63  }
0x4c: {  	_ =	swait.ge [sflag:s21], $0x4000  }
0x4d: {  	[sflag:s21] =	ssyncset.done $0x0  }
0x4e: {  	[sflag:s21] =	ssyncadd.s32 $0xFFFFC000  }
0x4f: {  	[spmem:s1] =	stream.indirect.scatter.add.f32 [tilespmem:s19], [sflag:$0x3], $0x80, s23, s18, $0xb8;
	[tilespmem:$0x1E100] =	vst v63  }
0x50: {  	_ =	swait.ge [sflag:s16], $0x4000  }
0x51: {  	[sflag:s16] =	ssyncset.done $0x0  }
0x52: {  	[sflag:s16] =	ssyncadd.s32 $0xFFFFC000  }
0x53: {  	_ =	swait.ge [sflag:s22], $0x4000  }
0x54: {  	[sflag:s22] =	ssyncset.done $0x0  }
0x55: {  	[sflag:s22] =	ssyncadd.s32 $0xFFFFC000  }
0x56: {  	[spmem:s1] =	stream.indirect.scatter.add.f32 [tilespmem:s20], [sflag:$0x3], $0x80, s24, s18, $0xb8;
	[tilespmem:$0x1E100] =	vst v63  }
0x57: {  	_ =	swait.ge [sflag:s16], $0x4000  }
0x58: {  	[sflag:s16] =	ssyncset.done $0x0  }
0x59: {  	s26 =	simm.s32 $0x0;
	[sflag:s16] =	ssyncadd.s32 $0xFFFFC000  }
0x5a: {  	[tilespmem:s26], [sflag:$0x3] =	stream.linear.gather [hbm4b:s8+s26], $0x1400, $0x38;
	[tilespmem:$0x1E100] =	vst v63  }
0x5b: {  	_ =	swait.ge [sflag:s16], $0x1400  }
0x5c: {  	[sflag:s16] =	ssyncset.done $0x0  }
0x5d: {  	[sflag:s16] =	ssyncadd.s32 $0xFFFFEC00  }
0x5e: {  	[tilespmem:s17], [sflag:$0x3] =	stream.linear.gather [hbm4b:s9+s26], $0x1400, $0x38;
	[tilespmem:$0x1E100] =	vst v63  }
0x5f: {  	_ =	swait.ge [sflag:s16], $0x1400  }
0x60: {  	[sflag:s16] =	ssyncset.done $0x0  }
0x61: {  	[sflag:s16] =	ssyncadd.s32 $0xFFFFEC00  }
0x62: {  	[tilespmem:s19], [sflag:$0x1] =	stream.indirect.gather [hbm4b:s4+s18], $0x80, s26, s18, $0xb8;
	[tilespmem:$0x1E100] =	vst v63  }
0x63: {  	_ = 	snop  }
0x64: {  	[tilespmem:s20], [sflag:$0x2] =	stream.indirect.gather [hbm4b:s4+s18], $0x80, s18, s18, $0xb8;
	[tilespmem:$0x1E100] =	vst v63  }
0x65: {  	_ =	swait.ge [sflag:s21], $0x4000  }
0x66: {  	[sflag:s21] =	ssyncset.done $0x0  }
0x67: {  	s29 =	simm.s32 $0x1400;
	[sflag:s21] =	ssyncadd.s32 $0xFFFFC000  }
0x68: {  	[spmem:s1] =	stream.indirect.scatter.add.f32 [tilespmem:s19], [sflag:$0x3], $0x80, s29, s18, $0xb8;
	[tilespmem:$0x1E100] =	vst v63  }
0x69: {  	_ =	swait.ge [sflag:s16], $0x4000  }
0x6a: {  	[sflag:s16] =	ssyncset.done $0x0  }
0x6b: {  	s30 =	simm.s32 $0x100;
	[sflag:s16] =	ssyncadd.s32 $0xFFFFC000  }
0x6c: {  	[tilespmem:s19], [sflag:$0x1] =	stream.indirect.gather [hbm4b:s4+s18], $0x80, s30, s18, $0xb8;
	[tilespmem:$0x1E100] =	vst v63  }
0x6d: {  	_ =	swait.ge [sflag:s22], $0x4000  }
0x6e: {  	[sflag:s22] =	ssyncset.done $0x0  }
0x6f: {  	s31 =	simm.s32 $0x1480;
	[sflag:s22] =	ssyncadd.s32 $0xFFFFC000  }
0x70: {  	[spmem:s1] =	stream.indirect.scatter.add.f32 [tilespmem:s20], [sflag:$0x3], $0x80, s31, s18, $0xb8;
	[tilespmem:$0x1E100] =	vst v63  }
0x71: {  	_ =	swait.ge [sflag:s16], $0x4000  }
0x72: {  	[sflag:s16] =	ssyncset.done $0x0  }
0x73: {  	s28 =	simm.s32 $0x180;
	s26 =	simm.s32 $0x400;
	[sflag:s16] =	ssyncadd.s32 $0xFFFFC000  }
.LBB2_4:
0x74: {  	[tilespmem:s20], [sflag:$0x2] =	stream.indirect.gather [hbm4b:s4+s18], $0x80, s28, s18, $0xb8;
	[tilespmem:$0x1E100] =	vst v63  }
0x75: {  	s28 =	smov.u32 s26  }
0x76: {  	p1 =	sne.s32 s26, $0x4800;
	s26 =	sadd.s32 $0x400, s26;
	_ =	swait.ge [sflag:s21], $0x4000  }
0x77: {  	s28 =	sshra.s32 s28, $0x2;
	[sflag:s21] =	ssyncset.done $0x0  }
0x78: {  	s29 =	sadd.s32 $0x1400, s28;
	[sflag:s21] =	ssyncadd.s32 $0xFFFFC000  }
0x79: {  	[spmem:s1] =	stream.indirect.scatter.add.f32 [tilespmem:s19], [sflag:$0x3], $0x80, s29, s18, $0xb8;
	[tilespmem:$0x1E100] =	vst v63  }
0x7a: {  	_ =	swait.ge [sflag:s16], $0x4000  }
0x7b: {  	[sflag:s16] =	ssyncset.done $0x0  }
0x7c: {  	s29 =	sadd.s32 $0x100, s28;
	[sflag:s16] =	ssyncadd.s32 $0xFFFFC000  }
0x7d: {  	[tilespmem:s19], [sflag:$0x1] =	stream.indirect.gather [hbm4b:s4+s18], $0x80, s29, s18, $0xb8;
	[tilespmem:$0x1E100] =	vst v63  }
0x7e: {  	_ =	swait.ge [sflag:s22], $0x4000  }
0x7f: {  	[sflag:s22] =	ssyncset.done $0x0  }
.Ltmp1:
0x80: {  	s29 =	sadd.s32 $0x1480, s28;
	[sflag:s22] =	ssyncadd.s32 $0xFFFFC000;
	(pc) =	sbr.rel @p1 .LBB2_4-.Ltmp1, $4  }
0x81: {  	[spmem:s1] =	stream.indirect.scatter.add.f32 [tilespmem:s20], [sflag:$0x3], $0x80, s29, s18, $0xb8;
	[tilespmem:$0x1E100] =	vst v63  }
0x82: {  	_ =	swait.ge [sflag:s16], $0x4000  }
0x83: {  	[sflag:s16] =	ssyncset.done $0x0  }
0x84: {  	s28 =	sadd.s32 $0x180, s28;
	[sflag:s16] =	ssyncadd.s32 $0xFFFFC000  }
0x85: {  	[tilespmem:s20], [sflag:$0x2] =	stream.indirect.gather [hbm4b:s4+s18], $0x80, s28, s18, $0xb8;
	[tilespmem:$0x1E100] =	vst v63  }
0x86: {  	_ =	swait.ge [sflag:s21], $0x4000  }
0x87: {  	[sflag:s21] =	ssyncset.done $0x0  }
0x88: {  	[sflag:s21] =	ssyncadd.s32 $0xFFFFC000  }
0x89: {  	[spmem:s1] =	stream.indirect.scatter.add.f32 [tilespmem:s19], [sflag:$0x3], $0x80, s23, s18, $0xb8;
	[tilespmem:$0x1E100] =	vst v63  }
0x8a: {  	_ =	swait.ge [sflag:s16], $0x4000  }
0x8b: {  	[sflag:s16] =	ssyncset.done $0x0  }
0x8c: {  	[sflag:s16] =	ssyncadd.s32 $0xFFFFC000  }
0x8d: {  	_ =	swait.ge [sflag:s22], $0x4000  }
0x8e: {  	[sflag:s22] =	ssyncset.done $0x0  }
0x8f: {  	[sflag:s22] =	ssyncadd.s32 $0xFFFFC000  }
0x90: {  	[spmem:s1] =	stream.indirect.scatter.add.f32 [tilespmem:s20], [sflag:$0x3], $0x80, s24, s18, $0xb8;
	[tilespmem:$0x1E100] =	vst v63  }
0x91: {  	_ =	swait.ge [sflag:s16], $0x4000  }
0x92: {  	[sflag:s16] =	ssyncset.done $0x0  }
0x93: {  	[sflag:s16] =	ssyncadd.s32 $0xFFFFC000  }
0x94: {  	s26 =	simm.s32 @p0 $0x1FC3;
	[bflag:$0x0] =	sbarrier.arrive $0xFFFF  }
0x95: {  	[hbm:s11], [sflag:s26] =	dma.local @p0 [spmem:s13], $0x2080  }
0x96: {  	s26 =	simm.s32 @p0 $0x3  }
0x97: {  	s25 =	sadd.s32 $0x1, s25;
	_ =	swait.ge @p0 [sflag:s26], $0x2080  }
0x98: {  	p1 =	sne.s32 s25, s12;
	[sflag:s26] =	ssyncset.done @p0 $0x0  }
.Ltmp2:
0x99: {  	[sflag:s26] =	ssyncadd.s32 @p0 $0xFFFFDF80;
	s26 =	simm.s32 @!p0 $0x3;
	(pc) =	sbr.rel @p1 .LBB2_1-.Ltmp2, $4  }
0x9a: {  	[hbm:s10], [sflag:s14] =	dma.local @!p0 [spmem:s15], $0x2780  }
0x9b: {  	_ =	swait.ge @!p0 [sflag:s26], $0x2780  }
0x9c: {  	[sflag:s26] =	ssyncset.done @!p0 $0x0  }
0x9d: {  	[sflag:s26] =	ssyncadd.s32 @!p0 $0xFFFFD880  }
0x9e: {  	_ =	sfence.sel $0x180000  }
0x9f: {  	[bflag:$0x0] =	sbarrier.arrive $0xFFFF  }
0xa0: {  	p0 =	sne.s32 s3, $0x0;
	_ =	strace $0x9000004D  }
0xa1: {  	s0 =	sadd.s32 @!p0 $0x100000, s0;
	[bflag:$0x2] =	sbarrier.arrive $0xFFFF  }
0xa2: {  	[sflag:s0] =	ssyncadd.tile.s32 @!p0 $0x1;
	_ =	shalt  }
.Lfunc_end2:
_tile_overlayer_lowered:
.L_overlay_start_2:
0xa3: {  	(tag) =	ssettag $0x2  }
0xa4: {  	s0 =	rddreg [dreg:$0x0];
	s2 =	stileid.u32  }
0xa5: {  	s1 =	rddreg [dreg:$0x1];
	p0 =	sne.s32 s2, $0x0  }
0xa6: {  	s3 =	rddreg [dreg:$0x2];
	[bflag:$0x3] =	sbarrier.arrive $0xFFFF;
	s2 =	simm.s32 @!p0 $0x1C03  }
0xa7: {  	[timem:s3], [sflag:s2] =	dma.local @!p0 [hbm:s0], s1  }
0xa8: {  	s0 =	simm.s32 @!p0 $0x3  }
0xa9: {  	_ =	swait.ge @!p0 [sflag:s0], s1  }
0xaa: {  	s1 =	ssub.s32 @!p0 $0x0, s1;
	[sflag:s0] =	ssyncset.done @!p0 $0x0  }
0xab: {  	[sflag:s0] =	ssyncadd.s32 @!p0 s1  }
0xac: {  	[bflag:$0x3] =	sbarrier.arrive $0xFFFF  }
0xad: {  	_ =	shalt  }

</sc_bundles>
